<compile_context>
chip_gen: v7x
topology: tpu7x:2x2x1
jax: 0.10.2.dev20260603
libtpu: 0.0.44.dev20260713+nightly
codegen_flags: <defaults>
</compile_context>

<pallas_src>
import functools

import jax
import jax.numpy as jnp
from jax import lax
from jax.experimental import pallas as pl
from jax.experimental.pallas import tpu as pltpu
from jax.experimental.pallas import tpu_sc as plsc

MAX_REL = 32
HIDDEN = 128
NC, NS, L = 2, 16, 16
NW = NC * NS
K = 128
NBUF = 5


def _sc_lookup(n_total: int):
    c_per_w = n_total // NW
    nb = c_per_w // K
    mesh = plsc.VectorSubcoreMesh(core_axis_name="c", subcore_axis_name="s")

    @functools.partial(
        pl.kernel,
        out_type=jax.ShapeDtypeStruct((n_total, HIDDEN), jnp.float32),
        mesh=mesh,
        scratch_types=[
            pltpu.VMEM((NBUF * HIDDEN,), jnp.int32),
            pltpu.VMEM((NBUF, 1, HIDDEN), jnp.int32),
            pltpu.VMEM((NBUF, K, HIDDEN), jnp.float32),
            pltpu.VMEM_SHARED((66, HIDDEN), jnp.float32),
            pltpu.SemaphoreType.DMA,
        ] + [pltpu.SemaphoreType.DMA] * NBUF
          + [pltpu.SemaphoreType.DMA] * NBUF,
    )
    def kfn(pk_hbm, table_hbm, out_hbm, pk_v, d_v, rows_v, table_v,
            sem_i, *sems):
        sem_g, sem_s = sems[:NBUF], sems[NBUF:]
        wid = lax.axis_index("s") * NC + lax.axis_index("c")
        row0 = wid * (c_per_w // HIDDEN)

        @pl.when(lax.axis_index("s") == 0)
        def _stage_table():
            pltpu.sync_copy(table_hbm, table_v)

        plsc.subcore_barrier()

        def stage_idx(cb, ring):
            pltpu.async_copy(pk_hbm.at[pl.ds((row0 + cb) * HIDDEN, HIDDEN)],
                             pk_v.at[pl.ds(ring * HIDDEN, HIDDEN)], sem_i)

        def wait_idx(cb, ring):
            pltpu.make_async_copy(
                pk_hbm.at[pl.ds((row0 + cb) * HIDDEN, HIDDEN)],
                pk_v.at[pl.ds(ring * HIDDEN, HIDDEN)], sem_i).wait()

        def gather_desc(ring):
            return pltpu.make_async_copy(
                table_v.at[d_v.at[ring, 0]], rows_v.at[ring], sem_g[ring])

        def scatter_desc(cb, ring):
            r = (row0 + cb) * HIDDEN
            return pltpu.make_async_copy(
                rows_v.at[ring], out_hbm.at[pl.ds(r, K)], sem_s[ring])

        stage_idx(0, 0)

        @pl.loop(0, nb, step=NBUF)
        def _group(v):
            for ring in range(NBUF):
                cb = v + ring
                wait_idx(cb, ring)

                @pl.when(cb + 1 < nb)
                def _prefetch():
                    stage_idx(cb + 1, (ring + 1) % NBUF)

                for i in range(HIDDEN // L):
                    pk = pk_v[pl.ds(ring * HIDDEN + i * L, L)]
                    off = pk & 0xFFF
                    m = pk >> 12
                    dc = jnp.clip(off + MAX_REL, 0, 2 * MAX_REL)
                    d_v[ring, 0, pl.ds(i * L, L)] = (
                        dc * m + (1 - m) * (2 * MAX_REL + 1))

                @pl.when(cb >= NBUF)
                def _drain_scatter():
                    scatter_desc(cb - NBUF, ring).wait()

                gather_desc(ring).start()

                @pl.when(cb >= 1)
                def _emit_prev():
                    gather_desc((ring + NBUF - 1) % NBUF).wait()
                    scatter_desc(cb - 1, (ring + NBUF - 1) % NBUF).start()

        last = nb - 1
        gather_desc(last % NBUF).wait()
        scatter_desc(last, last % NBUF).start()
        for t in range(NBUF):
            cb = nb - NBUF + t
            scatter_desc(cb, cb % NBUF).wait()

    return kfn


@jax.jit
def kernel(offset, mask, emb_table):
    b, s = offset.shape
    n = b * s
    packed = (offset.astype(jnp.int32)
              | (mask.astype(jnp.int32) << 12)).reshape(n)
    out = _sc_lookup(n)(packed, emb_table)
    return out.reshape(b, s, HIDDEN)

# --- scband reference (transcript-rebuilt; emitter-appended) ---
"""Pipeline reference for scband-positional-encoding-21947282883194 (READ-ONLY COPY).

The authoritative reference and input builder live on the scoring server;
editing this copy changes nothing except your own understanding.
"""

import jax, jax.numpy as jnp
import numpy as np

MAX_REL = 32
NUM_EMB = 2 * MAX_REL + 2  # 66
HIDDEN = 128

def setup_inputs(seed: int = 0) -> dict:
    key = jax.random.key(seed)
    k1, k2, k3 = jax.random.split(key, 3)
    offset = jax.random.randint(k1, (16384, 200), 0, 64, dtype=jnp.int64) if jax.config.jax_enable_x64 else jax.random.randint(k1, (16384, 200), 0, 64, dtype=jnp.int32)
    mask = jax.random.randint(k2, (16384, 200), 0, 2, dtype=offset.dtype)
    emb_table = jax.random.normal(k3, (NUM_EMB, HIDDEN), dtype=jnp.float32)
    return {"offset": offset, "mask": mask, "emb_table": emb_table}

def reference(offset, mask, emb_table):
    d = jnp.clip(offset + MAX_REL, 0, 2 * MAX_REL) * mask + (1 - mask) * (2 * MAX_REL + 1)
    return jnp.take(emb_table, d.astype(jnp.int32), axis=0)

if __name__ == "__main__":
    import jax
    _d = setup_inputs()
    print(jax.jit(kernel)(*tuple(_d.values())))

</pallas_src>

<mosaic_0001>
#map = affine_map<(d0, d1) -> (0)>
#map1 = affine_map<(d0, d1) -> (0, 0)>
module attributes {stable_mosaic.version = 14 : i64} {
  func.func @kfn(%arg0: i32, %arg1: i32, %arg2: memref<3276800xi32, #tpu.memory_space<hbm>>, %arg3: memref<66x128xf32, #tpu.memory_space<hbm>>, %arg4: memref<3276800x128xf32, #tpu.memory_space<hbm>>, %arg5: memref<640xi32, #tpu.memory_space<vmem>>, %arg6: memref<5x1x128xi32, #tpu.memory_space<vmem>>, %arg7: memref<5x128x128xf32, #tpu.memory_space<vmem>>, %arg8: memref<66x128xf32, #tpu.memory_space<vmem_shared>>, %arg9: memref<!tpu.dma_semaphore, #tpu.memory_space<semaphore_mem>>, %arg10: memref<!tpu.dma_semaphore, #tpu.memory_space<semaphore_mem>>, %arg11: memref<!tpu.dma_semaphore, #tpu.memory_space<semaphore_mem>>, %arg12: memref<!tpu.dma_semaphore, #tpu.memory_space<semaphore_mem>>, %arg13: memref<!tpu.dma_semaphore, #tpu.memory_space<semaphore_mem>>, %arg14: memref<!tpu.dma_semaphore, #tpu.memory_space<semaphore_mem>>, %arg15: memref<!tpu.dma_semaphore, #tpu.memory_space<semaphore_mem>>, %arg16: memref<!tpu.dma_semaphore, #tpu.memory_space<semaphore_mem>>, %arg17: memref<!tpu.dma_semaphore, #tpu.memory_space<semaphore_mem>>, %arg18: memref<!tpu.dma_semaphore, #tpu.memory_space<semaphore_mem>>, %arg19: memref<!tpu.dma_semaphore, #tpu.memory_space<semaphore_mem>>) attributes {dimension_semantics = [#tpu.dimension_semantics<core_parallel>, #tpu.dimension_semantics<subcore_parallel>], iteration_bounds = array<i64: 2, 16>, scalar_prefetch = 0 : i64, scratch_operands = 15 : i64, tpu.core_type = #tpu.core_type<sc_vector_subcore>, window_params = [{transform_indices = #map}, {transform_indices = #map1}, {transform_indices = #map1}]} {
    %mul3A = arith.constant 2 : i32
    %mul3A_0 = arith.muli %arg1, %mul3A : i32
    %add3A = arith.addi %mul3A_0, %arg0 : i32
    %mul3A_1 = arith.constant 800 : i32
    %mul3A_2 = arith.muli %add3A, %mul3A_1 : i32
    %eq3A = arith.constant 0 : i32
    %eq3A_3 = arith.cmpi eq, %arg1, %eq3A : i32
    %convert_element_type3A = arith.extui %eq3A_3 : i1 to i32
    %cond3A = arith.constant 0 : i32
    %cond3A_4 = arith.cmpi ne, %convert_element_type3A, %cond3A : i32
    scf.if %cond3A_4 {
      "tpu.region"() ({
        %run_scoped3A = tpu.sem_alloc : memref<!tpu.dma_semaphore, #tpu.memory_space<semaphore_mem>>
        tpu.enqueue_dma source(%arg3 : memref<66x128xf32, #tpu.memory_space<hbm>>) target(%arg8 : memref<66x128xf32, #tpu.memory_space<vmem_shared>>) target_semaphore(%run_scoped3A : memref<!tpu.dma_semaphore, #tpu.memory_space<semaphore_mem>>)
        tpu.wait_dma2 semaphore(%run_scoped3A : memref<!tpu.dma_semaphore, #tpu.memory_space<semaphore_mem>>) src(%arg3 : memref<66x128xf32, #tpu.memory_space<hbm>>) dst(%arg8 : memref<66x128xf32, #tpu.memory_space<vmem_shared>>)
        tpu.yield
      }) : () -> ()
    } else {
    }
    %barrier3A = arith.constant 0 : index
    tpu.barrier barrier_id(%barrier3A)
    %add3A_5 = arith.constant 0 : i32
    %add3A_6 = arith.addi %mul3A_2, %add3A_5 : i32
    %mul3A_7 = arith.constant 128 : i32
    %mul3A_8 = arith.muli %add3A_6, %mul3A_7 : i32
    %dma_start3A = arith.constant 0 : i32
    %dma_start3A_9 = tpu.memref_slice %arg5[%dma_start3A] : memref<640xi32, #tpu.memory_space<vmem>> -> memref<128xi32, #tpu.memory_space<vmem>>
    %dma_start3A_10 = tpu.memref_slice %arg2[%mul3A_8] : memref<3276800xi32, #tpu.memory_space<hbm>> -> memref<128xi32, #tpu.memory_space<hbm>>
    %dma_start3A_11 = arith.constant 0 : i32
    %dma_start3A_12 = tpu.memref_slice %arg5[%dma_start3A_11] : memref<640xi32, #tpu.memory_space<vmem>> -> memref<128xi32, #tpu.memory_space<vmem>>
    %dma_start3A_13 = tpu.memref_slice %arg2[%mul3A_8] : memref<3276800xi32, #tpu.memory_space<hbm>> -> memref<128xi32, #tpu.memory_space<hbm>>
    tpu.enqueue_dma source(%dma_start3A_13 : memref<128xi32, #tpu.memory_space<hbm>>) target(%dma_start3A_12 : memref<128xi32, #tpu.memory_space<vmem>>) target_semaphore(%arg9 : memref<!tpu.dma_semaphore, #tpu.memory_space<semaphore_mem>>)
    %scan3A = arith.constant 0 : i32
    %scan3A_14 = arith.constant 160 : i32
    %scan3A_15 = arith.addi %scan3A, %scan3A_14 : i32
    %scan3A_16 = arith.constant 1 : i32
    scf.for %scan3A_132 = %scan3A to %scan3A_15 step %scan3A_16  : i32 {
      %mul3A_133 = arith.constant 5 : i32
      %mul3A_134 = arith.muli %scan3A_132, %mul3A_133 : i32
      %add3A_135 = arith.constant 0 : i32
      %add3A_136 = arith.addi %add3A_135, %mul3A_134 : i32
      %add3A_137 = arith.constant 0 : i32
      %add3A_138 = arith.addi %add3A_136, %add3A_137 : i32
      %add3A_139 = arith.addi %mul3A_2, %add3A_138 : i32
      %mul3A_140 = arith.constant 128 : i32
      %mul3A_141 = arith.muli %add3A_139, %mul3A_140 : i32
      %dma_wait3A_142 = arith.constant 0 : i32
      %dma_wait3A_143 = tpu.memref_slice %arg5[%dma_wait3A_142] : memref<640xi32, #tpu.memory_space<vmem>> -> memref<128xi32, #tpu.memory_space<vmem>>
      %dma_wait3A_144 = tpu.memref_slice %arg2[%mul3A_141] : memref<3276800xi32, #tpu.memory_space<hbm>> -> memref<128xi32, #tpu.memory_space<hbm>>
      %dma_wait3A_145 = arith.constant 0 : i32
      %dma_wait3A_146 = tpu.memref_slice %arg5[%dma_wait3A_145] : memref<640xi32, #tpu.memory_space<vmem>> -> memref<128xi32, #tpu.memory_space<vmem>>
      %dma_wait3A_147 = tpu.memref_slice %arg2[%mul3A_141] : memref<3276800xi32, #tpu.memory_space<hbm>> -> memref<128xi32, #tpu.memory_space<hbm>>
      tpu.wait_dma2 semaphore(%arg9 : memref<!tpu.dma_semaphore, #tpu.memory_space<semaphore_mem>>) src(%dma_wait3A_147 : memref<128xi32, #tpu.memory_space<hbm>>) dst(%dma_wait3A_146 : memref<128xi32, #tpu.memory_space<vmem>>)
      %add3A_148 = arith.constant 1 : i32
      %add3A_149 = arith.addi %add3A_138, %add3A_148 : i32
      %lt3A = arith.constant 800 : i32
      %lt3A_150 = arith.cmpi slt, %add3A_149, %lt3A : i32
      %convert_element_type3A_151 = arith.extui %lt3A_150 : i1 to i32
      %cond3A_152 = arith.constant 0 : i32
      %cond3A_153 = arith.cmpi ne, %convert_element_type3A_151, %cond3A_152 : i32
      scf.if %cond3A_153 {
        %add3A_1692 = arith.constant 1 : i32
        %add3A_1693 = arith.addi %add3A_138, %add3A_1692 : i32
        %add3A_1694 = arith.addi %mul3A_2, %add3A_1693 : i32
        %mul3A_1695 = arith.constant 128 : i32
        %mul3A_1696 = arith.muli %add3A_1694, %mul3A_1695 : i32
        %dma_start3A_1697 = arith.constant 128 : i32
        %dma_start3A_1698 = tpu.memref_slice %arg5[%dma_start3A_1697] : memref<640xi32, #tpu.memory_space<vmem>> -> memref<128xi32, #tpu.memory_space<vmem>>
        %dma_start3A_1699 = tpu.memref_slice %arg2[%mul3A_1696] : memref<3276800xi32, #tpu.memory_space<hbm>> -> memref<128xi32, #tpu.memory_space<hbm>>
        %dma_start3A_1700 = arith.constant 128 : i32
        %dma_start3A_1701 = tpu.memref_slice %arg5[%dma_start3A_1700] : memref<640xi32, #tpu.memory_space<vmem>> -> memref<128xi32, #tpu.memory_space<vmem>>
        %dma_start3A_1702 = tpu.memref_slice %arg2[%mul3A_1696] : memref<3276800xi32, #tpu.memory_space<hbm>> -> memref<128xi32, #tpu.memory_space<hbm>>
        tpu.enqueue_dma source(%dma_start3A_1702 : memref<128xi32, #tpu.memory_space<hbm>>) target(%dma_start3A_1701 : memref<128xi32, #tpu.memory_space<vmem>>) target_semaphore(%arg9 : memref<!tpu.dma_semaphore, #tpu.memory_space<semaphore_mem>>)
      } else {
      }
      %get3A = arith.constant 0 : index
      %get3A_154 = tpu.vector_load %arg5[%get3A] {strides = array<i32>} : memref<640xi32, #tpu.memory_space<vmem>>, vector<16xi32>,
      %get3A_155 = vector.shape_cast %get3A_154 : vector<16xi32> to vector<16xi32>
      %and3A = arith.constant 4095 : i32
      %and3A_156 = vector.broadcast %and3A : i32 to vector<16xi32>
      %and3A_157 = arith.andi %get3A_155, %and3A_156 : vector<16xi32>
      %shift_right_arithmetic3A = arith.constant 12 : i32
      %shift_right_arithmetic3A_158 = vector.broadcast %shift_right_arithmetic3A : i32 to vector<16xi32>
      %shift_right_arithmetic3A_159 = arith.shrsi %get3A_155, %shift_right_arithmetic3A_158 : vector<16xi32>
      %add3A_160 = arith.constant 32 : i32
      %add3A_161 = vector.broadcast %add3A_160 : i32 to vector<16xi32>
      %add3A_162 = arith.addi %and3A_157, %add3A_161 : vector<16xi32>
      %jit3A = arith.constant 0 : i32
      %jit3A_163 = arith.constant 64 : i32
      %max3A = vector.broadcast %jit3A : i32 to vector<16xi32>
      %max3A_164 = arith.maxsi %max3A, %add3A_162 : vector<16xi32>
      %min3A = vector.broadcast %jit3A_163 : i32 to vector<16xi32>
      %min3A_165 = arith.minsi %min3A, %max3A_164 : vector<16xi32>
      %mul3A_166 = arith.muli %min3A_165, %shift_right_arithmetic3A_159 : vector<16xi32>
      %sub3A = arith.constant 1 : i32
      %sub3A_167 = vector.broadcast %sub3A : i32 to vector<16xi32>
      %sub3A_168 = arith.subi %sub3A_167, %shift_right_arithmetic3A_159 : vector<16xi32>
      %mul3A_169 = arith.constant 65 : i32
      %mul3A_170 = vector.broadcast %mul3A_169 : i32 to vector<16xi32>
      %mul3A_171 = arith.muli %sub3A_168, %mul3A_170 : vector<16xi32>
      %add3A_172 = arith.addi %mul3A_166, %mul3A_171 : vector<16xi32>
      %swap3A = arith.constant 0 : i32
      %swap3A_173 = arith.constant 0 : i32
      %swap3A_174 = arith.index_cast %swap3A : i32 to index
      %swap3A_175 = arith.index_cast %swap3A_173 : i32 to index
      %swap3A_176 = arith.constant 0 : index
      %swap3A_177 = tpu.vector_load %arg6[%swap3A_174, %swap3A_175, %swap3A_176] {strides = array<i32>} : memref<5x1x128xi32, #tpu.memory_space<vmem>>, vector<1x1x16xi32>,
      %swap3A_178 = vector.shape_cast %swap3A_177 : vector<1x1x16xi32> to vector<16xi32>
      %swap3A_179 = vector.shape_cast %add3A_172 : vector<16xi32> to vector<1x1x16xi32>
      tpu.vector_store %arg6[%swap3A_174, %swap3A_175, %swap3A_176], %swap3A_179 {strides = array<i32>} : memref<5x1x128xi32, #tpu.memory_space<vmem>>, vector<1x1x16xi32>,
      %get3A_180 = arith.constant 16 : index
      %get3A_181 = tpu.vector_load %arg5[%get3A_180] {strides = array<i32>} : memref<640xi32, #tpu.memory_space<vmem>>, vector<16xi32>,
      %get3A_182 = vector.shape_cast %get3A_181 : vector<16xi32> to vector<16xi32>
      %and3A_183 = arith.constant 4095 : i32
      %and3A_184 = vector.broadcast %and3A_183 : i32 to vector<16xi32>
      %and3A_185 = arith.andi %get3A_182, %and3A_184 : vector<16xi32>
      %shift_right_arithmetic3A_186 = arith.constant 12 : i32
      %shift_right_arithmetic3A_187 = vector.broadcast %shift_right_arithmetic3A_186 : i32 to vector<16xi32>
      %shift_right_arithmetic3A_188 = arith.shrsi %get3A_182, %shift_right_arithmetic3A_187 : vector<16xi32>
      %add3A_189 = arith.constant 32 : i32
      %add3A_190 = vector.broadcast %add3A_189 : i32 to vector<16xi32>
      %add3A_191 = arith.addi %and3A_185, %add3A_190 : vector<16xi32>
      %jit3A_192 = arith.constant 0 : i32
      %jit3A_193 = arith.constant 64 : i32
      %max3A_194 = vector.broadcast %jit3A_192 : i32 to vector<16xi32>
      %max3A_195 = arith.maxsi %max3A_194, %add3A_191 : vector<16xi32>
      %min3A_196 = vector.broadcast %jit3A_193 : i32 to vector<16xi32>
      %min3A_197 = arith.minsi %min3A_196, %max3A_195 : vector<16xi32>
      %mul3A_198 = arith.muli %min3A_197, %shift_right_arithmetic3A_188 : vector<16xi32>
      %sub3A_199 = arith.constant 1 : i32
      %sub3A_200 = vector.broadcast %sub3A_199 : i32 to vector<16xi32>
      %sub3A_201 = arith.subi %sub3A_200, %shift_right_arithmetic3A_188 : vector<16xi32>
      %mul3A_202 = arith.constant 65 : i32
      %mul3A_203 = vector.broadcast %mul3A_202 : i32 to vector<16xi32>
      %mul3A_204 = arith.muli %sub3A_201, %mul3A_203 : vector<16xi32>
      %add3A_205 = arith.addi %mul3A_198, %mul3A_204 : vector<16xi32>
      %swap3A_206 = arith.constant 0 : i32
      %swap3A_207 = arith.constant 0 : i32
      %swap3A_208 = arith.index_cast %swap3A_206 : i32 to index
      %swap3A_209 = arith.index_cast %swap3A_207 : i32 to index
      %swap3A_210 = arith.constant 16 : index
      %swap3A_211 = tpu.vector_load %arg6[%swap3A_208, %swap3A_209, %swap3A_210] {strides = array<i32>} : memref<5x1x128xi32, #tpu.memory_space<vmem>>, vector<1x1x16xi32>,
      %swap3A_212 = vector.shape_cast %swap3A_211 : vector<1x1x16xi32> to vector<16xi32>
      %swap3A_213 = vector.shape_cast %add3A_205 : vector<16xi32> to vector<1x1x16xi32>
      tpu.vector_store %arg6[%swap3A_208, %swap3A_209, %swap3A_210], %swap3A_213 {strides = array<i32>} : memref<5x1x128xi32, #tpu.memory_space<vmem>>, vector<1x1x16xi32>,
      %get3A_214 = arith.constant 32 : index
      %get3A_215 = tpu.vector_load %arg5[%get3A_214] {strides = array<i32>} : memref<640xi32, #tpu.memory_space<vmem>>, vector<16xi32>,
      %get3A_216 = vector.shape_cast %get3A_215 : vector<16xi32> to vector<16xi32>
      %and3A_217 = arith.constant 4095 : i32
      %and3A_218 = vector.broadcast %and3A_217 : i32 to vector<16xi32>
      %and3A_219 = arith.andi %get3A_216, %and3A_218 : vector<16xi32>
      %shift_right_arithmetic3A_220 = arith.constant 12 : i32
      %shift_right_arithmetic3A_221 = vector.broadcast %shift_right_arithmetic3A_220 : i32 to vector<16xi32>
      %shift_right_arithmetic3A_222 = arith.shrsi %get3A_216, %shift_right_arithmetic3A_221 : vector<16xi32>
      %add3A_223 = arith.constant 32 : i32
      %add3A_224 = vector.broadcast %add3A_223 : i32 to vector<16xi32>
      %add3A_225 = arith.addi %and3A_219, %add3A_224 : vector<16xi32>
      %jit3A_226 = arith.constant 0 : i32
      %jit3A_227 = arith.constant 64 : i32
      %max3A_228 = vector.broadcast %jit3A_226 : i32 to vector<16xi32>
      %max3A_229 = arith.maxsi %max3A_228, %add3A_225 : vector<16xi32>
      %min3A_230 = vector.broadcast %jit3A_227 : i32 to vector<16xi32>
      %min3A_231 = arith.minsi %min3A_230, %max3A_229 : vector<16xi32>
      %mul3A_232 = arith.muli %min3A_231, %shift_right_arithmetic3A_222 : vector<16xi32>
      %sub3A_233 = arith.constant 1 : i32
      %sub3A_234 = vector.broadcast %sub3A_233 : i32 to vector<16xi32>
      %sub3A_235 = arith.subi %sub3A_234, %shift_right_arithmetic3A_222 : vector<16xi32>
      %mul3A_236 = arith.constant 65 : i32
      %mul3A_237 = vector.broadcast %mul3A_236 : i32 to vector<16xi32>
      %mul3A_238 = arith.muli %sub3A_235, %mul3A_237 : vector<16xi32>
      %add3A_239 = arith.addi %mul3A_232, %mul3A_238 : vector<16xi32>
      %swap3A_240 = arith.constant 0 : i32
      %swap3A_241 = arith.constant 0 : i32
      %swap3A_242 = arith.index_cast %swap3A_240 : i32 to index
      %swap3A_243 = arith.index_cast %swap3A_241 : i32 to index
      %swap3A_244 = arith.constant 32 : index
      %swap3A_245 = tpu.vector_load %arg6[%swap3A_242, %swap3A_243, %swap3A_244] {strides = array<i32>} : memref<5x1x128xi32, #tpu.memory_space<vmem>>, vector<1x1x16xi32>,
      %swap3A_246 = vector.shape_cast %swap3A_245 : vector<1x1x16xi32> to vector<16xi32>
      %swap3A_247 = vector.shape_cast %add3A_239 : vector<16xi32> to vector<1x1x16xi32>
      tpu.vector_store %arg6[%swap3A_242, %swap3A_243, %swap3A_244], %swap3A_247 {strides = array<i32>} : memref<5x1x128xi32, #tpu.memory_space<vmem>>, vector<1x1x16xi32>,
      %get3A_248 = arith.constant 48 : index
      %get3A_249 = tpu.vector_load %arg5[%get3A_248] {strides = array<i32>} : memref<640xi32, #tpu.memory_space<vmem>>, vector<16xi32>,
      %get3A_250 = vector.shape_cast %get3A_249 : vector<16xi32> to vector<16xi32>
      %and3A_251 = arith.constant 4095 : i32
      %and3A_252 = vector.broadcast %and3A_251 : i32 to vector<16xi32>
      %and3A_253 = arith.andi %get3A_250, %and3A_252 : vector<16xi32>
      %shift_right_arithmetic3A_254 = arith.constant 12 : i32
      %shift_right_arithmetic3A_255 = vector.broadcast %shift_right_arithmetic3A_254 : i32 to vector<16xi32>
      %shift_right_arithmetic3A_256 = arith.shrsi %get3A_250, %shift_right_arithmetic3A_255 : vector<16xi32>
      %add3A_257 = arith.constant 32 : i32
      %add3A_258 = vector.broadcast %add3A_257 : i32 to vector<16xi32>
      %add3A_259 = arith.addi %and3A_253, %add3A_258 : vector<16xi32>
      %jit3A_260 = arith.constant 0 : i32
      %jit3A_261 = arith.constant 64 : i32
      %max3A_262 = vector.broadcast %jit3A_260 : i32 to vector<16xi32>
      %max3A_263 = arith.maxsi %max3A_262, %add3A_259 : vector<16xi32>
      %min3A_264 = vector.broadcast %jit3A_261 : i32 to vector<16xi32>
      %min3A_265 = arith.minsi %min3A_264, %max3A_263 : vector<16xi32>
      %mul3A_266 = arith.muli %min3A_265, %shift_right_arithmetic3A_256 : vector<16xi32>
      %sub3A_267 = arith.constant 1 : i32
      %sub3A_268 = vector.broadcast %sub3A_267 : i32 to vector<16xi32>
      %sub3A_269 = arith.subi %sub3A_268, %shift_right_arithmetic3A_256 : vector<16xi32>
      %mul3A_270 = arith.constant 65 : i32
      %mul3A_271 = vector.broadcast %mul3A_270 : i32 to vector<16xi32>
      %mul3A_272 = arith.muli %sub3A_269, %mul3A_271 : vector<16xi32>
      %add3A_273 = arith.addi %mul3A_266, %mul3A_272 : vector<16xi32>
      %swap3A_274 = arith.constant 0 : i32
      %swap3A_275 = arith.constant 0 : i32
      %swap3A_276 = arith.index_cast %swap3A_274 : i32 to index
      %swap3A_277 = arith.index_cast %swap3A_275 : i32 to index
      %swap3A_278 = arith.constant 48 : index
      %swap3A_279 = tpu.vector_load %arg6[%swap3A_276, %swap3A_277, %swap3A_278] {strides = array<i32>} : memref<5x1x128xi32, #tpu.memory_space<vmem>>, vector<1x1x16xi32>,
      %swap3A_280 = vector.shape_cast %swap3A_279 : vector<1x1x16xi32> to vector<16xi32>
      %swap3A_281 = vector.shape_cast %add3A_273 : vector<16xi32> to vector<1x1x16xi32>
      tpu.vector_store %arg6[%swap3A_276, %swap3A_277, %swap3A_278], %swap3A_281 {strides = array<i32>} : memref<5x1x128xi32, #tpu.memory_space<vmem>>, vector<1x1x16xi32>,
      %get3A_282 = arith.constant 64 : index
      %get3A_283 = tpu.vector_load %arg5[%get3A_282] {strides = array<i32>} : memref<640xi32, #tpu.memory_space<vmem>>, vector<16xi32>,
      %get3A_284 = vector.shape_cast %get3A_283 : vector<16xi32> to vector<16xi32>
      %and3A_285 = arith.constant 4095 : i32
      %and3A_286 = vector.broadcast %and3A_285 : i32 to vector<16xi32>
      %and3A_287 = arith.andi %get3A_284, %and3A_286 : vector<16xi32>
      %shift_right_arithmetic3A_288 = arith.constant 12 : i32
      %shift_right_arithmetic3A_289 = vector.broadcast %shift_right_arithmetic3A_288 : i32 to vector<16xi32>
      %shift_right_arithmetic3A_290 = arith.shrsi %get3A_284, %shift_right_arithmetic3A_289 : vector<16xi32>
      %add3A_291 = arith.constant 32 : i32
      %add3A_292 = vector.broadcast %add3A_291 : i32 to vector<16xi32>
      %add3A_293 = arith.addi %and3A_287, %add3A_292 : vector<16xi32>
      %jit3A_294 = arith.constant 0 : i32
      %jit3A_295 = arith.constant 64 : i32
      %max3A_296 = vector.broadcast %jit3A_294 : i32 to vector<16xi32>
      %max3A_297 = arith.maxsi %max3A_296, %add3A_293 : vector<16xi32>
      %min3A_298 = vector.broadcast %jit3A_295 : i32 to vector<16xi32>
      %min3A_299 = arith.minsi %min3A_298, %max3A_297 : vector<16xi32>
      %mul3A_300 = arith.muli %min3A_299, %shift_right_arithmetic3A_290 : vector<16xi32>
      %sub3A_301 = arith.constant 1 : i32
      %sub3A_302 = vector.broadcast %sub3A_301 : i32 to vector<16xi32>
      %sub3A_303 = arith.subi %sub3A_302, %shift_right_arithmetic3A_290 : vector<16xi32>
      %mul3A_304 = arith.constant 65 : i32
      %mul3A_305 = vector.broadcast %mul3A_304 : i32 to vector<16xi32>
      %mul3A_306 = arith.muli %sub3A_303, %mul3A_305 : vector<16xi32>
      %add3A_307 = arith.addi %mul3A_300, %mul3A_306 : vector<16xi32>
      %swap3A_308 = arith.constant 0 : i32
      %swap3A_309 = arith.constant 0 : i32
      %swap3A_310 = arith.index_cast %swap3A_308 : i32 to index
      %swap3A_311 = arith.index_cast %swap3A_309 : i32 to index
      %swap3A_312 = arith.constant 64 : index
      %swap3A_313 = tpu.vector_load %arg6[%swap3A_310, %swap3A_311, %swap3A_312] {strides = array<i32>} : memref<5x1x128xi32, #tpu.memory_space<vmem>>, vector<1x1x16xi32>,
      %swap3A_314 = vector.shape_cast %swap3A_313 : vector<1x1x16xi32> to vector<16xi32>
      %swap3A_315 = vector.shape_cast %add3A_307 : vector<16xi32> to vector<1x1x16xi32>
      tpu.vector_store %arg6[%swap3A_310, %swap3A_311, %swap3A_312], %swap3A_315 {strides = array<i32>} : memref<5x1x128xi32, #tpu.memory_space<vmem>>, vector<1x1x16xi32>,
      %get3A_316 = arith.constant 80 : index
      %get3A_317 = tpu.vector_load %arg5[%get3A_316] {strides = array<i32>} : memref<640xi32, #tpu.memory_space<vmem>>, vector<16xi32>,
      %get3A_318 = vector.shape_cast %get3A_317 : vector<16xi32> to vector<16xi32>
      %and3A_319 = arith.constant 4095 : i32
      %and3A_320 = vector.broadcast %and3A_319 : i32 to vector<16xi32>
      %and3A_321 = arith.andi %get3A_318, %and3A_320 : vector<16xi32>
      %shift_right_arithmetic3A_322 = arith.constant 12 : i32
      %shift_right_arithmetic3A_323 = vector.broadcast %shift_right_arithmetic3A_322 : i32 to vector<16xi32>
      %shift_right_arithmetic3A_324 = arith.shrsi %get3A_318, %shift_right_arithmetic3A_323 : vector<16xi32>
      %add3A_325 = arith.constant 32 : i32
      %add3A_326 = vector.broadcast %add3A_325 : i32 to vector<16xi32>
      %add3A_327 = arith.addi %and3A_321, %add3A_326 : vector<16xi32>
      %jit3A_328 = arith.constant 0 : i32
      %jit3A_329 = arith.constant 64 : i32
      %max3A_330 = vector.broadcast %jit3A_328 : i32 to vector<16xi32>
      %max3A_331 = arith.maxsi %max3A_330, %add3A_327 : vector<16xi32>
      %min3A_332 = vector.broadcast %jit3A_329 : i32 to vector<16xi32>
      %min3A_333 = arith.minsi %min3A_332, %max3A_331 : vector<16xi32>
      %mul3A_334 = arith.muli %min3A_333, %shift_right_arithmetic3A_324 : vector<16xi32>
      %sub3A_335 = arith.constant 1 : i32
      %sub3A_336 = vector.broadcast %sub3A_335 : i32 to vector<16xi32>
      %sub3A_337 = arith.subi %sub3A_336, %shift_right_arithmetic3A_324 : vector<16xi32>
      %mul3A_338 = arith.constant 65 : i32
      %mul3A_339 = vector.broadcast %mul3A_338 : i32 to vector<16xi32>
      %mul3A_340 = arith.muli %sub3A_337, %mul3A_339 : vector<16xi32>
      %add3A_341 = arith.addi %mul3A_334, %mul3A_340 : vector<16xi32>
      %swap3A_342 = arith.constant 0 : i32
      %swap3A_343 = arith.constant 0 : i32
      %swap3A_344 = arith.index_cast %swap3A_342 : i32 to index
      %swap3A_345 = arith.index_cast %swap3A_343 : i32 to index
      %swap3A_346 = arith.constant 80 : index
      %swap3A_347 = tpu.vector_load %arg6[%swap3A_344, %swap3A_345, %swap3A_346] {strides = array<i32>} : memref<5x1x128xi32, #tpu.memory_space<vmem>>, vector<1x1x16xi32>,
      %swap3A_348 = vector.shape_cast %swap3A_347 : vector<1x1x16xi32> to vector<16xi32>
      %swap3A_349 = vector.shape_cast %add3A_341 : vector<16xi32> to vector<1x1x16xi32>
      tpu.vector_store %arg6[%swap3A_344, %swap3A_345, %swap3A_346], %swap3A_349 {strides = array<i32>} : memref<5x1x128xi32, #tpu.memory_space<vmem>>, vector<1x1x16xi32>,
      %get3A_350 = arith.constant 96 : index
      %get3A_351 = tpu.vector_load %arg5[%get3A_350] {strides = array<i32>} : memref<640xi32, #tpu.memory_space<vmem>>, vector<16xi32>,
      %get3A_352 = vector.shape_cast %get3A_351 : vector<16xi32> to vector<16xi32>
      %and3A_353 = arith.constant 4095 : i32
      %and3A_354 = vector.broadcast %and3A_353 : i32 to vector<16xi32>
      %and3A_355 = arith.andi %get3A_352, %and3A_354 : vector<16xi32>
      %shift_right_arithmetic3A_356 = arith.constant 12 : i32
      %shift_right_arithmetic3A_357 = vector.broadcast %shift_right_arithmetic3A_356 : i32 to vector<16xi32>
      %shift_right_arithmetic3A_358 = arith.shrsi %get3A_352, %shift_right_arithmetic3A_357 : vector<16xi32>
      %add3A_359 = arith.constant 32 : i32
      %add3A_360 = vector.broadcast %add3A_359 : i32 to vector<16xi32>
      %add3A_361 = arith.addi %and3A_355, %add3A_360 : vector<16xi32>
      %jit3A_362 = arith.constant 0 : i32
      %jit3A_363 = arith.constant 64 : i32
      %max3A_364 = vector.broadcast %jit3A_362 : i32 to vector<16xi32>
      %max3A_365 = arith.maxsi %max3A_364, %add3A_361 : vector<16xi32>
      %min3A_366 = vector.broadcast %jit3A_363 : i32 to vector<16xi32>
      %min3A_367 = arith.minsi %min3A_366, %max3A_365 : vector<16xi32>
      %mul3A_368 = arith.muli %min3A_367, %shift_right_arithmetic3A_358 : vector<16xi32>
      %sub3A_369 = arith.constant 1 : i32
      %sub3A_370 = vector.broadcast %sub3A_369 : i32 to vector<16xi32>
      %sub3A_371 = arith.subi %sub3A_370, %shift_right_arithmetic3A_358 : vector<16xi32>
      %mul3A_372 = arith.constant 65 : i32
      %mul3A_373 = vector.broadcast %mul3A_372 : i32 to vector<16xi32>
      %mul3A_374 = arith.muli %sub3A_371, %mul3A_373 : vector<16xi32>
      %add3A_375 = arith.addi %mul3A_368, %mul3A_374 : vector<16xi32>
      %swap3A_376 = arith.constant 0 : i32
      %swap3A_377 = arith.constant 0 : i32
      %swap3A_378 = arith.index_cast %swap3A_376 : i32 to index
      %swap3A_379 = arith.index_cast %swap3A_377 : i32 to index
      %swap3A_380 = arith.constant 96 : index
      %swap3A_381 = tpu.vector_load %arg6[%swap3A_378, %swap3A_379, %swap3A_380] {strides = array<i32>} : memref<5x1x128xi32, #tpu.memory_space<vmem>>, vector<1x1x16xi32>,
      %swap3A_382 = vector.shape_cast %swap3A_381 : vector<1x1x16xi32> to vector<16xi32>
      %swap3A_383 = vector.shape_cast %add3A_375 : vector<16xi32> to vector<1x1x16xi32>
      tpu.vector_store %arg6[%swap3A_378, %swap3A_379, %swap3A_380], %swap3A_383 {strides = array<i32>} : memref<5x1x128xi32, #tpu.memory_space<vmem>>, vector<1x1x16xi32>,
      %get3A_384 = arith.constant 112 : index
      %get3A_385 = tpu.vector_load %arg5[%get3A_384] {strides = array<i32>} : memref<640xi32, #tpu.memory_space<vmem>>, vector<16xi32>,
      %get3A_386 = vector.shape_cast %get3A_385 : vector<16xi32> to vector<16xi32>
      %and3A_387 = arith.constant 4095 : i32
      %and3A_388 = vector.broadcast %and3A_387 : i32 to vector<16xi32>
      %and3A_389 = arith.andi %get3A_386, %and3A_388 : vector<16xi32>
      %shift_right_arithmetic3A_390 = arith.constant 12 : i32
      %shift_right_arithmetic3A_391 = vector.broadcast %shift_right_arithmetic3A_390 : i32 to vector<16xi32>
      %shift_right_arithmetic3A_392 = arith.shrsi %get3A_386, %shift_right_arithmetic3A_391 : vector<16xi32>
      %add3A_393 = arith.constant 32 : i32
      %add3A_394 = vector.broadcast %add3A_393 : i32 to vector<16xi32>
      %add3A_395 = arith.addi %and3A_389, %add3A_394 : vector<16xi32>
      %jit3A_396 = arith.constant 0 : i32
      %jit3A_397 = arith.constant 64 : i32
      %max3A_398 = vector.broadcast %jit3A_396 : i32 to vector<16xi32>
      %max3A_399 = arith.maxsi %max3A_398, %add3A_395 : vector<16xi32>
      %min3A_400 = vector.broadcast %jit3A_397 : i32 to vector<16xi32>
      %min3A_401 = arith.minsi %min3A_400, %max3A_399 : vector<16xi32>
      %mul3A_402 = arith.muli %min3A_401, %shift_right_arithmetic3A_392 : vector<16xi32>
      %sub3A_403 = arith.constant 1 : i32
      %sub3A_404 = vector.broadcast %sub3A_403 : i32 to vector<16xi32>
      %sub3A_405 = arith.subi %sub3A_404, %shift_right_arithmetic3A_392 : vector<16xi32>
      %mul3A_406 = arith.constant 65 : i32
      %mul3A_407 = vector.broadcast %mul3A_406 : i32 to vector<16xi32>
      %mul3A_408 = arith.muli %sub3A_405, %mul3A_407 : vector<16xi32>
      %add3A_409 = arith.addi %mul3A_402, %mul3A_408 : vector<16xi32>
      %swap3A_410 = arith.constant 0 : i32
      %swap3A_411 = arith.constant 0 : i32
      %swap3A_412 = arith.index_cast %swap3A_410 : i32 to index
      %swap3A_413 = arith.index_cast %swap3A_411 : i32 to index
      %swap3A_414 = arith.constant 112 : index
      %swap3A_415 = tpu.vector_load %arg6[%swap3A_412, %swap3A_413, %swap3A_414] {strides = array<i32>} : memref<5x1x128xi32, #tpu.memory_space<vmem>>, vector<1x1x16xi32>,
      %swap3A_416 = vector.shape_cast %swap3A_415 : vector<1x1x16xi32> to vector<16xi32>
      %swap3A_417 = vector.shape_cast %add3A_409 : vector<16xi32> to vector<1x1x16xi32>
      tpu.vector_store %arg6[%swap3A_412, %swap3A_413, %swap3A_414], %swap3A_417 {strides = array<i32>} : memref<5x1x128xi32, #tpu.memory_space<vmem>>, vector<1x1x16xi32>,
      %ge3A = arith.constant 5 : i32
      %ge3A_418 = arith.cmpi sge, %add3A_138, %ge3A : i32
      %convert_element_type3A_419 = arith.extui %ge3A_418 : i1 to i32
      %cond3A_420 = arith.constant 0 : i32
      %cond3A_421 = arith.cmpi ne, %convert_element_type3A_419, %cond3A_420 : i32
      scf.if %cond3A_421 {
        %sub3A_1692 = arith.constant 5 : i32
        %sub3A_1693 = arith.subi %add3A_138, %sub3A_1692 : i32
        %add3A_1694 = arith.addi %mul3A_2, %sub3A_1693 : i32
        %mul3A_1695 = arith.constant 128 : i32
        %mul3A_1696 = arith.muli %add3A_1694, %mul3A_1695 : i32
        %dma_wait3A_1697 = arith.constant 0 : i32
        %dma_wait3A_1698 = arith.constant 0 : i32
        %dma_wait3A_1699 = arith.constant 0 : i32
        %dma_wait3A_1700 = tpu.memref_slice %arg7[%dma_wait3A_1697, %dma_wait3A_1698, %dma_wait3A_1699] : memref<5x128x128xf32, #tpu.memory_space<vmem>> -> memref<1x128x128xf32, #tpu.memory_space<vmem>>
        %dma_wait3A_1701 = tpu.memref_squeeze %dma_wait3A_1700 : memref<1x128x128xf32, #tpu.memory_space<vmem>> -> memref<128x128xf32, #tpu.memory_space<vmem>>
        %dma_wait3A_1702 = arith.constant 0 : i32
        %dma_wait3A_1703 = tpu.memref_slice %arg4[%mul3A_1696, %dma_wait3A_1702] : memref<3276800x128xf32, #tpu.memory_space<hbm>> -> memref<128x128xf32, #tpu.memory_space<hbm>>
        %dma_wait3A_1704 = arith.constant 0 : i32
        %dma_wait3A_1705 = tpu.memref_slice %arg4[%mul3A_1696, %dma_wait3A_1704] : memref<3276800x128xf32, #tpu.memory_space<hbm>> -> memref<128x128xf32, #tpu.memory_space<hbm>>
        %dma_wait3A_1706 = arith.constant 0 : i32
        %dma_wait3A_1707 = arith.constant 0 : i32
        %dma_wait3A_1708 = tpu.memref_slice %arg7[%dma_wait3A_1697, %dma_wait3A_1706, %dma_wait3A_1707] : memref<5x128x128xf32, #tpu.memory_space<vmem>> -> memref<1x128x128xf32, #tpu.memory_space<vmem>>
        %dma_wait3A_1709 = tpu.memref_squeeze %dma_wait3A_1708 : memref<1x128x128xf32, #tpu.memory_space<vmem>> -> memref<128x128xf32, #tpu.memory_space<vmem>>
        tpu.wait_dma2 semaphore(%arg15 : memref<!tpu.dma_semaphore, #tpu.memory_space<semaphore_mem>>) src(%dma_wait3A_1709 : memref<128x128xf32, #tpu.memory_space<vmem>>) dst(%dma_wait3A_1705 : memref<128x128xf32, #tpu.memory_space<hbm>>)
      } else {
      }
      %dma_start3A_422 = arith.constant 0 : i32
      %dma_start3A_423 = arith.constant 0 : i32
      %dma_start3A_424 = arith.constant 0 : i32
      %dma_start3A_425 = arith.constant 0 : i32
      %dma_start3A_426 = arith.constant 0 : i32
      %dma_start3A_427 = tpu.memref_slice %arg7[%dma_start3A_424, %dma_start3A_425, %dma_start3A_426] : memref<5x128x128xf32, #tpu.memory_space<vmem>> -> memref<1x128x128xf32, #tpu.memory_space<vmem>>
      %dma_start3A_428 = tpu.memref_squeeze %dma_start3A_427 : memref<1x128x128xf32, #tpu.memory_space<vmem>> -> memref<128x128xf32, #tpu.memory_space<vmem>>
      %dma_start3A_429 = arith.constant 0 : i32
      %dma_start3A_430 = tpu.memref_slice %arg6[%dma_start3A_422, %dma_start3A_423, %dma_start3A_429] : memref<5x1x128xi32, #tpu.memory_space<vmem>> -> memref<1x1x128xi32, #tpu.memory_space<vmem>>
      %dma_start3A_431 = tpu.memref_squeeze %dma_start3A_430 : memref<1x1x128xi32, #tpu.memory_space<vmem>> -> memref<128xi32, #tpu.memory_space<vmem>>
      %dma_start3A_432 = arith.constant 0 : i32
      %dma_start3A_433 = arith.constant 0 : i32
      %dma_start3A_434 = tpu.memref_slice %arg8[%dma_start3A_432, %dma_start3A_433] : memref<66x128xf32, #tpu.memory_space<vmem_shared>> -> memref<66x128xf32, #tpu.memory_space<vmem_shared>>
      tpu.enqueue_indirect_dma source(%dma_start3A_434 : memref<66x128xf32, #tpu.memory_space<vmem_shared>>) target(%dma_start3A_428 : memref<128x128xf32, #tpu.memory_space<vmem>>) offsets(%dma_start3A_431 : memref<128xi32, #tpu.memory_space<vmem>>) semaphore(%arg10 : memref<!tpu.dma_semaphore, #tpu.memory_space<semaphore_mem>>)
      %ge3A_435 = arith.constant 1 : i32
      %ge3A_436 = arith.cmpi sge, %add3A_138, %ge3A_435 : i32
      %convert_element_type3A_437 = arith.extui %ge3A_436 : i1 to i32
      %cond3A_438 = arith.constant 0 : i32
      %cond3A_439 = arith.cmpi ne, %convert_element_type3A_437, %cond3A_438 : i32
      scf.if %cond3A_439 {
        %dma_wait3A_1692 = arith.constant 4 : i32
        %dma_wait3A_1693 = arith.constant 0 : i32
        %dma_wait3A_1694 = arith.constant 4 : i32
        %dma_wait3A_1695 = arith.constant 0 : i32
        %dma_wait3A_1696 = arith.constant 0 : i32
        %dma_wait3A_1697 = tpu.memref_slice %arg7[%dma_wait3A_1694, %dma_wait3A_1695, %dma_wait3A_1696] : memref<5x128x128xf32, #tpu.memory_space<vmem>> -> memref<1x128x128xf32, #tpu.memory_space<vmem>>
        %dma_wait3A_1698 = tpu.memref_squeeze %dma_wait3A_1697 : memref<1x128x128xf32, #tpu.memory_space<vmem>> -> memref<128x128xf32, #tpu.memory_space<vmem>>
        %dma_wait3A_1699 = arith.constant 0 : i32
        %dma_wait3A_1700 = tpu.memref_slice %arg6[%dma_wait3A_1692, %dma_wait3A_1693, %dma_wait3A_1699] : memref<5x1x128xi32, #tpu.memory_space<vmem>> -> memref<1x1x128xi32, #tpu.memory_space<vmem>>
        %dma_wait3A_1701 = tpu.memref_squeeze %dma_wait3A_1700 : memref<1x1x128xi32, #tpu.memory_space<vmem>> -> memref<128xi32, #tpu.memory_space<vmem>>
        %dma_wait3A_1702 = arith.constant 0 : i32
        %dma_wait3A_1703 = arith.constant 0 : i32
        %dma_wait3A_1704 = tpu.memref_slice %arg8[%dma_wait3A_1702, %dma_wait3A_1703] : memref<66x128xf32, #tpu.memory_space<vmem_shared>> -> memref<66x128xf32, #tpu.memory_space<vmem_shared>>
        tpu.wait_indirect_dma semaphore(%arg14 : memref<!tpu.dma_semaphore, #tpu.memory_space<semaphore_mem>>) src(%dma_wait3A_1704 : memref<66x128xf32, #tpu.memory_space<vmem_shared>>) dst(%dma_wait3A_1698 : memref<128x128xf32, #tpu.memory_space<vmem>>)
        %sub3A_1705 = arith.constant 1 : i32
        %sub3A_1706 = arith.subi %add3A_138, %sub3A_1705 : i32
        %add3A_1707 = arith.addi %mul3A_2, %sub3A_1706 : i32
        %mul3A_1708 = arith.constant 128 : i32
        %mul3A_1709 = arith.muli %add3A_1707, %mul3A_1708 : i32
        %dma_start3A_1710 = arith.constant 4 : i32
        %dma_start3A_1711 = arith.constant 0 : i32
        %dma_start3A_1712 = arith.constant 0 : i32
        %dma_start3A_1713 = tpu.memref_slice %arg7[%dma_start3A_1710, %dma_start3A_1711, %dma_start3A_1712] : memref<5x128x128xf32, #tpu.memory_space<vmem>> -> memref<1x128x128xf32, #tpu.memory_space<vmem>>
        %dma_start3A_1714 = tpu.memref_squeeze %dma_start3A_1713 : memref<1x128x128xf32, #tpu.memory_space<vmem>> -> memref<128x128xf32, #tpu.memory_space<vmem>>
        %dma_start3A_1715 = arith.constant 0 : i32
        %dma_start3A_1716 = tpu.memref_slice %arg4[%mul3A_1709, %dma_start3A_1715] : memref<3276800x128xf32, #tpu.memory_space<hbm>> -> memref<128x128xf32, #tpu.memory_space<hbm>>
        %dma_start3A_1717 = arith.constant 0 : i32
        %dma_start3A_1718 = tpu.memref_slice %arg4[%mul3A_1709, %dma_start3A_1717] : memref<3276800x128xf32, #tpu.memory_space<hbm>> -> memref<128x128xf32, #tpu.memory_space<hbm>>
        %dma_start3A_1719 = arith.constant 0 : i32
        %dma_start3A_1720 = arith.constant 0 : i32
        %dma_start3A_1721 = tpu.memref_slice %arg7[%dma_start3A_1710, %dma_start3A_1719, %dma_start3A_1720] : memref<5x128x128xf32, #tpu.memory_space<vmem>> -> memref<1x128x128xf32, #tpu.memory_space<vmem>>
        %dma_start3A_1722 = tpu.memref_squeeze %dma_start3A_1721 : memref<1x128x128xf32, #tpu.memory_space<vmem>> -> memref<128x128xf32, #tpu.memory_space<vmem>>
        tpu.enqueue_dma source(%dma_start3A_1722 : memref<128x128xf32, #tpu.memory_space<vmem>>) target(%dma_start3A_1718 : memref<128x128xf32, #tpu.memory_space<hbm>>) target_semaphore(%arg19 : memref<!tpu.dma_semaphore, #tpu.memory_space<semaphore_mem>>)
      } else {
      }
      %add3A_440 = arith.constant 1 : i32
      %add3A_441 = arith.addi %add3A_136, %add3A_440 : i32
      %add3A_442 = arith.addi %mul3A_2, %add3A_441 : i32
      %mul3A_443 = arith.constant 128 : i32
      %mul3A_444 = arith.muli %add3A_442, %mul3A_443 : i32
      %dma_wait3A_445 = arith.constant 128 : i32
      %dma_wait3A_446 = tpu.memref_slice %arg5[%dma_wait3A_445] : memref<640xi32, #tpu.memory_space<vmem>> -> memref<128xi32, #tpu.memory_space<vmem>>
      %dma_wait3A_447 = tpu.memref_slice %arg2[%mul3A_444] : memref<3276800xi32, #tpu.memory_space<hbm>> -> memref<128xi32, #tpu.memory_space<hbm>>
      %dma_wait3A_448 = arith.constant 128 : i32
      %dma_wait3A_449 = tpu.memref_slice %arg5[%dma_wait3A_448] : memref<640xi32, #tpu.memory_space<vmem>> -> memref<128xi32, #tpu.memory_space<vmem>>
      %dma_wait3A_450 = tpu.memref_slice %arg2[%mul3A_444] : memref<3276800xi32, #tpu.memory_space<hbm>> -> memref<128xi32, #tpu.memory_space<hbm>>
      tpu.wait_dma2 semaphore(%arg9 : memref<!tpu.dma_semaphore, #tpu.memory_space<semaphore_mem>>) src(%dma_wait3A_450 : memref<128xi32, #tpu.memory_space<hbm>>) dst(%dma_wait3A_449 : memref<128xi32, #tpu.memory_space<vmem>>)
      %add3A_451 = arith.constant 1 : i32
      %add3A_452 = arith.addi %add3A_441, %add3A_451 : i32
      %lt3A_453 = arith.constant 800 : i32
      %lt3A_454 = arith.cmpi slt, %add3A_452, %lt3A_453 : i32
      %convert_element_type3A_455 = arith.extui %lt3A_454 : i1 to i32
      %cond3A_456 = arith.constant 0 : i32
      %cond3A_457 = arith.cmpi ne, %convert_element_type3A_455, %cond3A_456 : i32
      scf.if %cond3A_457 {
        %add3A_1692 = arith.constant 1 : i32
        %add3A_1693 = arith.addi %add3A_441, %add3A_1692 : i32
        %add3A_1694 = arith.addi %mul3A_2, %add3A_1693 : i32
        %mul3A_1695 = arith.constant 128 : i32
        %mul3A_1696 = arith.muli %add3A_1694, %mul3A_1695 : i32
        %dma_start3A_1697 = arith.constant 256 : i32
        %dma_start3A_1698 = tpu.memref_slice %arg5[%dma_start3A_1697] : memref<640xi32, #tpu.memory_space<vmem>> -> memref<128xi32, #tpu.memory_space<vmem>>
        %dma_start3A_1699 = tpu.memref_slice %arg2[%mul3A_1696] : memref<3276800xi32, #tpu.memory_space<hbm>> -> memref<128xi32, #tpu.memory_space<hbm>>
        %dma_start3A_1700 = arith.constant 256 : i32
        %dma_start3A_1701 = tpu.memref_slice %arg5[%dma_start3A_1700] : memref<640xi32, #tpu.memory_space<vmem>> -> memref<128xi32, #tpu.memory_space<vmem>>
        %dma_start3A_1702 = tpu.memref_slice %arg2[%mul3A_1696] : memref<3276800xi32, #tpu.memory_space<hbm>> -> memref<128xi32, #tpu.memory_space<hbm>>
        tpu.enqueue_dma source(%dma_start3A_1702 : memref<128xi32, #tpu.memory_space<hbm>>) target(%dma_start3A_1701 : memref<128xi32, #tpu.memory_space<vmem>>) target_semaphore(%arg9 : memref<!tpu.dma_semaphore, #tpu.memory_space<semaphore_mem>>)
      } else {
      }
      %get3A_458 = arith.constant 128 : index
      %get3A_459 = tpu.vector_load %arg5[%get3A_458] {strides = array<i32>} : memref<640xi32, #tpu.memory_space<vmem>>, vector<16xi32>,
      %get3A_460 = vector.shape_cast %get3A_459 : vector<16xi32> to vector<16xi32>
      %and3A_461 = arith.constant 4095 : i32
      %and3A_462 = vector.broadcast %and3A_461 : i32 to vector<16xi32>
      %and3A_463 = arith.andi %get3A_460, %and3A_462 : vector<16xi32>
      %shift_right_arithmetic3A_464 = arith.constant 12 : i32
      %shift_right_arithmetic3A_465 = vector.broadcast %shift_right_arithmetic3A_464 : i32 to vector<16xi32>
      %shift_right_arithmetic3A_466 = arith.shrsi %get3A_460, %shift_right_arithmetic3A_465 : vector<16xi32>
      %add3A_467 = arith.constant 32 : i32
      %add3A_468 = vector.broadcast %add3A_467 : i32 to vector<16xi32>
      %add3A_469 = arith.addi %and3A_463, %add3A_468 : vector<16xi32>
      %jit3A_470 = arith.constant 0 : i32
      %jit3A_471 = arith.constant 64 : i32
      %max3A_472 = vector.broadcast %jit3A_470 : i32 to vector<16xi32>
      %max3A_473 = arith.maxsi %max3A_472, %add3A_469 : vector<16xi32>
      %min3A_474 = vector.broadcast %jit3A_471 : i32 to vector<16xi32>
      %min3A_475 = arith.minsi %min3A_474, %max3A_473 : vector<16xi32>
      %mul3A_476 = arith.muli %min3A_475, %shift_right_arithmetic3A_466 : vector<16xi32>
      %sub3A_477 = arith.constant 1 : i32
      %sub3A_478 = vector.broadcast %sub3A_477 : i32 to vector<16xi32>
      %sub3A_479 = arith.subi %sub3A_478, %shift_right_arithmetic3A_466 : vector<16xi32>
      %mul3A_480 = arith.constant 65 : i32
      %mul3A_481 = vector.broadcast %mul3A_480 : i32 to vector<16xi32>
      %mul3A_482 = arith.muli %sub3A_479, %mul3A_481 : vector<16xi32>
      %add3A_483 = arith.addi %mul3A_476, %mul3A_482 : vector<16xi32>
      %swap3A_484 = arith.constant 1 : i32
      %swap3A_485 = arith.constant 0 : i32
      %swap3A_486 = arith.index_cast %swap3A_484 : i32 to index
      %swap3A_487 = arith.index_cast %swap3A_485 : i32 to index
      %swap3A_488 = arith.constant 0 : index
      %swap3A_489 = tpu.vector_load %arg6[%swap3A_486, %swap3A_487, %swap3A_488] {strides = array<i32>} : memref<5x1x128xi32, #tpu.memory_space<vmem>>, vector<1x1x16xi32>,
      %swap3A_490 = vector.shape_cast %swap3A_489 : vector<1x1x16xi32> to vector<16xi32>
      %swap3A_491 = vector.shape_cast %add3A_483 : vector<16xi32> to vector<1x1x16xi32>
      tpu.vector_store %arg6[%swap3A_486, %swap3A_487, %swap3A_488], %swap3A_491 {strides = array<i32>} : memref<5x1x128xi32, #tpu.memory_space<vmem>>, vector<1x1x16xi32>,
      %get3A_492 = arith.constant 144 : index
      %get3A_493 = tpu.vector_load %arg5[%get3A_492] {strides = array<i32>} : memref<640xi32, #tpu.memory_space<vmem>>, vector<16xi32>,
      %get3A_494 = vector.shape_cast %get3A_493 : vector<16xi32> to vector<16xi32>
      %and3A_495 = arith.constant 4095 : i32
      %and3A_496 = vector.broadcast %and3A_495 : i32 to vector<16xi32>
      %and3A_497 = arith.andi %get3A_494, %and3A_496 : vector<16xi32>
      %shift_right_arithmetic3A_498 = arith.constant 12 : i32
      %shift_right_arithmetic3A_499 = vector.broadcast %shift_right_arithmetic3A_498 : i32 to vector<16xi32>
      %shift_right_arithmetic3A_500 = arith.shrsi %get3A_494, %shift_right_arithmetic3A_499 : vector<16xi32>
      %add3A_501 = arith.constant 32 : i32
      %add3A_502 = vector.broadcast %add3A_501 : i32 to vector<16xi32>
      %add3A_503 = arith.addi %and3A_497, %add3A_502 : vector<16xi32>
      %jit3A_504 = arith.constant 0 : i32
      %jit3A_505 = arith.constant 64 : i32
      %max3A_506 = vector.broadcast %jit3A_504 : i32 to vector<16xi32>
      %max3A_507 = arith.maxsi %max3A_506, %add3A_503 : vector<16xi32>
      %min3A_508 = vector.broadcast %jit3A_505 : i32 to vector<16xi32>
      %min3A_509 = arith.minsi %min3A_508, %max3A_507 : vector<16xi32>
      %mul3A_510 = arith.muli %min3A_509, %shift_right_arithmetic3A_500 : vector<16xi32>
      %sub3A_511 = arith.constant 1 : i32
      %sub3A_512 = vector.broadcast %sub3A_511 : i32 to vector<16xi32>
      %sub3A_513 = arith.subi %sub3A_512, %shift_right_arithmetic3A_500 : vector<16xi32>
      %mul3A_514 = arith.constant 65 : i32
      %mul3A_515 = vector.broadcast %mul3A_514 : i32 to vector<16xi32>
      %mul3A_516 = arith.muli %sub3A_513, %mul3A_515 : vector<16xi32>
      %add3A_517 = arith.addi %mul3A_510, %mul3A_516 : vector<16xi32>
      %swap3A_518 = arith.constant 1 : i32
      %swap3A_519 = arith.constant 0 : i32
      %swap3A_520 = arith.index_cast %swap3A_518 : i32 to index
      %swap3A_521 = arith.index_cast %swap3A_519 : i32 to index
      %swap3A_522 = arith.constant 16 : index
      %swap3A_523 = tpu.vector_load %arg6[%swap3A_520, %swap3A_521, %swap3A_522] {strides = array<i32>} : memref<5x1x128xi32, #tpu.memory_space<vmem>>, vector<1x1x16xi32>,
      %swap3A_524 = vector.shape_cast %swap3A_523 : vector<1x1x16xi32> to vector<16xi32>
      %swap3A_525 = vector.shape_cast %add3A_517 : vector<16xi32> to vector<1x1x16xi32>
      tpu.vector_store %arg6[%swap3A_520, %swap3A_521, %swap3A_522], %swap3A_525 {strides = array<i32>} : memref<5x1x128xi32, #tpu.memory_space<vmem>>, vector<1x1x16xi32>,
      %get3A_526 = arith.constant 160 : index
      %get3A_527 = tpu.vector_load %arg5[%get3A_526] {strides = array<i32>} : memref<640xi32, #tpu.memory_space<vmem>>, vector<16xi32>,
      %get3A_528 = vector.shape_cast %get3A_527 : vector<16xi32> to vector<16xi32>
      %and3A_529 = arith.constant 4095 : i32
      %and3A_530 = vector.broadcast %and3A_529 : i32 to vector<16xi32>
      %and3A_531 = arith.andi %get3A_528, %and3A_530 : vector<16xi32>
      %shift_right_arithmetic3A_532 = arith.constant 12 : i32
      %shift_right_arithmetic3A_533 = vector.broadcast %shift_right_arithmetic3A_532 : i32 to vector<16xi32>
      %shift_right_arithmetic3A_534 = arith.shrsi %get3A_528, %shift_right_arithmetic3A_533 : vector<16xi32>
      %add3A_535 = arith.constant 32 : i32
      %add3A_536 = vector.broadcast %add3A_535 : i32 to vector<16xi32>
      %add3A_537 = arith.addi %and3A_531, %add3A_536 : vector<16xi32>
      %jit3A_538 = arith.constant 0 : i32
      %jit3A_539 = arith.constant 64 : i32
      %max3A_540 = vector.broadcast %jit3A_538 : i32 to vector<16xi32>
      %max3A_541 = arith.maxsi %max3A_540, %add3A_537 : vector<16xi32>
      %min3A_542 = vector.broadcast %jit3A_539 : i32 to vector<16xi32>
      %min3A_543 = arith.minsi %min3A_542, %max3A_541 : vector<16xi32>
      %mul3A_544 = arith.muli %min3A_543, %shift_right_arithmetic3A_534 : vector<16xi32>
      %sub3A_545 = arith.constant 1 : i32
      %sub3A_546 = vector.broadcast %sub3A_545 : i32 to vector<16xi32>
      %sub3A_547 = arith.subi %sub3A_546, %shift_right_arithmetic3A_534 : vector<16xi32>
      %mul3A_548 = arith.constant 65 : i32
      %mul3A_549 = vector.broadcast %mul3A_548 : i32 to vector<16xi32>
      %mul3A_550 = arith.muli %sub3A_547, %mul3A_549 : vector<16xi32>
      %add3A_551 = arith.addi %mul3A_544, %mul3A_550 : vector<16xi32>
      %swap3A_552 = arith.constant 1 : i32
      %swap3A_553 = arith.constant 0 : i32
      %swap3A_554 = arith.index_cast %swap3A_552 : i32 to index
      %swap3A_555 = arith.index_cast %swap3A_553 : i32 to index
      %swap3A_556 = arith.constant 32 : index
      %swap3A_557 = tpu.vector_load %arg6[%swap3A_554, %swap3A_555, %swap3A_556] {strides = array<i32>} : memref<5x1x128xi32, #tpu.memory_space<vmem>>, vector<1x1x16xi32>,
      %swap3A_558 = vector.shape_cast %swap3A_557 : vector<1x1x16xi32> to vector<16xi32>
      %swap3A_559 = vector.shape_cast %add3A_551 : vector<16xi32> to vector<1x1x16xi32>
      tpu.vector_store %arg6[%swap3A_554, %swap3A_555, %swap3A_556], %swap3A_559 {strides = array<i32>} : memref<5x1x128xi32, #tpu.memory_space<vmem>>, vector<1x1x16xi32>,
      %get3A_560 = arith.constant 176 : index
      %get3A_561 = tpu.vector_load %arg5[%get3A_560] {strides = array<i32>} : memref<640xi32, #tpu.memory_space<vmem>>, vector<16xi32>,
      %get3A_562 = vector.shape_cast %get3A_561 : vector<16xi32> to vector<16xi32>
      %and3A_563 = arith.constant 4095 : i32
      %and3A_564 = vector.broadcast %and3A_563 : i32 to vector<16xi32>
      %and3A_565 = arith.andi %get3A_562, %and3A_564 : vector<16xi32>
      %shift_right_arithmetic3A_566 = arith.constant 12 : i32
      %shift_right_arithmetic3A_567 = vector.broadcast %shift_right_arithmetic3A_566 : i32 to vector<16xi32>
      %shift_right_arithmetic3A_568 = arith.shrsi %get3A_562, %shift_right_arithmetic3A_567 : vector<16xi32>
      %add3A_569 = arith.constant 32 : i32
      %add3A_570 = vector.broadcast %add3A_569 : i32 to vector<16xi32>
      %add3A_571 = arith.addi %and3A_565, %add3A_570 : vector<16xi32>
      %jit3A_572 = arith.constant 0 : i32
      %jit3A_573 = arith.constant 64 : i32
      %max3A_574 = vector.broadcast %jit3A_572 : i32 to vector<16xi32>
      %max3A_575 = arith.maxsi %max3A_574, %add3A_571 : vector<16xi32>
      %min3A_576 = vector.broadcast %jit3A_573 : i32 to vector<16xi32>
      %min3A_577 = arith.minsi %min3A_576, %max3A_575 : vector<16xi32>
      %mul3A_578 = arith.muli %min3A_577, %shift_right_arithmetic3A_568 : vector<16xi32>
      %sub3A_579 = arith.constant 1 : i32
      %sub3A_580 = vector.broadcast %sub3A_579 : i32 to vector<16xi32>
      %sub3A_581 = arith.subi %sub3A_580, %shift_right_arithmetic3A_568 : vector<16xi32>
      %mul3A_582 = arith.constant 65 : i32
      %mul3A_583 = vector.broadcast %mul3A_582 : i32 to vector<16xi32>
      %mul3A_584 = arith.muli %sub3A_581, %mul3A_583 : vector<16xi32>
      %add3A_585 = arith.addi %mul3A_578, %mul3A_584 : vector<16xi32>
      %swap3A_586 = arith.constant 1 : i32
      %swap3A_587 = arith.constant 0 : i32
      %swap3A_588 = arith.index_cast %swap3A_586 : i32 to index
      %swap3A_589 = arith.index_cast %swap3A_587 : i32 to index
      %swap3A_590 = arith.constant 48 : index
      %swap3A_591 = tpu.vector_load %arg6[%swap3A_588, %swap3A_589, %swap3A_590] {strides = array<i32>} : memref<5x1x128xi32, #tpu.memory_space<vmem>>, vector<1x1x16xi32>,
      %swap3A_592 = vector.shape_cast %swap3A_591 : vector<1x1x16xi32> to vector<16xi32>
      %swap3A_593 = vector.shape_cast %add3A_585 : vector<16xi32> to vector<1x1x16xi32>
      tpu.vector_store %arg6[%swap3A_588, %swap3A_589, %swap3A_590], %swap3A_593 {strides = array<i32>} : memref<5x1x128xi32, #tpu.memory_space<vmem>>, vector<1x1x16xi32>,
      %get3A_594 = arith.constant 192 : index
      %get3A_595 = tpu.vector_load %arg5[%get3A_594] {strides = array<i32>} : memref<640xi32, #tpu.memory_space<vmem>>, vector<16xi32>,
      %get3A_596 = vector.shape_cast %get3A_595 : vector<16xi32> to vector<16xi32>
      %and3A_597 = arith.constant 4095 : i32
      %and3A_598 = vector.broadcast %and3A_597 : i32 to vector<16xi32>
      %and3A_599 = arith.andi %get3A_596, %and3A_598 : vector<16xi32>
      %shift_right_arithmetic3A_600 = arith.constant 12 : i32
      %shift_right_arithmetic3A_601 = vector.broadcast %shift_right_arithmetic3A_600 : i32 to vector<16xi32>
      %shift_right_arithmetic3A_602 = arith.shrsi %get3A_596, %shift_right_arithmetic3A_601 : vector<16xi32>
      %add3A_603 = arith.constant 32 : i32
      %add3A_604 = vector.broadcast %add3A_603 : i32 to vector<16xi32>
      %add3A_605 = arith.addi %and3A_599, %add3A_604 : vector<16xi32>
      %jit3A_606 = arith.constant 0 : i32
      %jit3A_607 = arith.constant 64 : i32
      %max3A_608 = vector.broadcast %jit3A_606 : i32 to vector<16xi32>
      %max3A_609 = arith.maxsi %max3A_608, %add3A_605 : vector<16xi32>
      %min3A_610 = vector.broadcast %jit3A_607 : i32 to vector<16xi32>
      %min3A_611 = arith.minsi %min3A_610, %max3A_609 : vector<16xi32>
      %mul3A_612 = arith.muli %min3A_611, %shift_right_arithmetic3A_602 : vector<16xi32>
      %sub3A_613 = arith.constant 1 : i32
      %sub3A_614 = vector.broadcast %sub3A_613 : i32 to vector<16xi32>
      %sub3A_615 = arith.subi %sub3A_614, %shift_right_arithmetic3A_602 : vector<16xi32>
      %mul3A_616 = arith.constant 65 : i32
      %mul3A_617 = vector.broadcast %mul3A_616 : i32 to vector<16xi32>
      %mul3A_618 = arith.muli %sub3A_615, %mul3A_617 : vector<16xi32>
      %add3A_619 = arith.addi %mul3A_612, %mul3A_618 : vector<16xi32>
      %swap3A_620 = arith.constant 1 : i32
      %swap3A_621 = arith.constant 0 : i32
      %swap3A_622 = arith.index_cast %swap3A_620 : i32 to index
      %swap3A_623 = arith.index_cast %swap3A_621 : i32 to index
      %swap3A_624 = arith.constant 64 : index
      %swap3A_625 = tpu.vector_load %arg6[%swap3A_622, %swap3A_623, %swap3A_624] {strides = array<i32>} : memref<5x1x128xi32, #tpu.memory_space<vmem>>, vector<1x1x16xi32>,
      %swap3A_626 = vector.shape_cast %swap3A_625 : vector<1x1x16xi32> to vector<16xi32>
      %swap3A_627 = vector.shape_cast %add3A_619 : vector<16xi32> to vector<1x1x16xi32>
      tpu.vector_store %arg6[%swap3A_622, %swap3A_623, %swap3A_624], %swap3A_627 {strides = array<i32>} : memref<5x1x128xi32, #tpu.memory_space<vmem>>, vector<1x1x16xi32>,
      %get3A_628 = arith.constant 208 : index
      %get3A_629 = tpu.vector_load %arg5[%get3A_628] {strides = array<i32>} : memref<640xi32, #tpu.memory_space<vmem>>, vector<16xi32>,
      %get3A_630 = vector.shape_cast %get3A_629 : vector<16xi32> to vector<16xi32>
      %and3A_631 = arith.constant 4095 : i32
      %and3A_632 = vector.broadcast %and3A_631 : i32 to vector<16xi32>
      %and3A_633 = arith.andi %get3A_630, %and3A_632 : vector<16xi32>
      %shift_right_arithmetic3A_634 = arith.constant 12 : i32
      %shift_right_arithmetic3A_635 = vector.broadcast %shift_right_arithmetic3A_634 : i32 to vector<16xi32>
      %shift_right_arithmetic3A_636 = arith.shrsi %get3A_630, %shift_right_arithmetic3A_635 : vector<16xi32>
      %add3A_637 = arith.constant 32 : i32
      %add3A_638 = vector.broadcast %add3A_637 : i32 to vector<16xi32>
      %add3A_639 = arith.addi %and3A_633, %add3A_638 : vector<16xi32>
      %jit3A_640 = arith.constant 0 : i32
      %jit3A_641 = arith.constant 64 : i32
      %max3A_642 = vector.broadcast %jit3A_640 : i32 to vector<16xi32>
      %max3A_643 = arith.maxsi %max3A_642, %add3A_639 : vector<16xi32>
      %min3A_644 = vector.broadcast %jit3A_641 : i32 to vector<16xi32>
      %min3A_645 = arith.minsi %min3A_644, %max3A_643 : vector<16xi32>
      %mul3A_646 = arith.muli %min3A_645, %shift_right_arithmetic3A_636 : vector<16xi32>
      %sub3A_647 = arith.constant 1 : i32
      %sub3A_648 = vector.broadcast %sub3A_647 : i32 to vector<16xi32>
      %sub3A_649 = arith.subi %sub3A_648, %shift_right_arithmetic3A_636 : vector<16xi32>
      %mul3A_650 = arith.constant 65 : i32
      %mul3A_651 = vector.broadcast %mul3A_650 : i32 to vector<16xi32>
      %mul3A_652 = arith.muli %sub3A_649, %mul3A_651 : vector<16xi32>
      %add3A_653 = arith.addi %mul3A_646, %mul3A_652 : vector<16xi32>
      %swap3A_654 = arith.constant 1 : i32
      %swap3A_655 = arith.constant 0 : i32
      %swap3A_656 = arith.index_cast %swap3A_654 : i32 to index
      %swap3A_657 = arith.index_cast %swap3A_655 : i32 to index
      %swap3A_658 = arith.constant 80 : index
      %swap3A_659 = tpu.vector_load %arg6[%swap3A_656, %swap3A_657, %swap3A_658] {strides = array<i32>} : memref<5x1x128xi32, #tpu.memory_space<vmem>>, vector<1x1x16xi32>,
      %swap3A_660 = vector.shape_cast %swap3A_659 : vector<1x1x16xi32> to vector<16xi32>
      %swap3A_661 = vector.shape_cast %add3A_653 : vector<16xi32> to vector<1x1x16xi32>
      tpu.vector_store %arg6[%swap3A_656, %swap3A_657, %swap3A_658], %swap3A_661 {strides = array<i32>} : memref<5x1x128xi32, #tpu.memory_space<vmem>>, vector<1x1x16xi32>,
      %get3A_662 = arith.constant 224 : index
      %get3A_663 = tpu.vector_load %arg5[%get3A_662] {strides = array<i32>} : memref<640xi32, #tpu.memory_space<vmem>>, vector<16xi32>,
      %get3A_664 = vector.shape_cast %get3A_663 : vector<16xi32> to vector<16xi32>
      %and3A_665 = arith.constant 4095 : i32
      %and3A_666 = vector.broadcast %and3A_665 : i32 to vector<16xi32>
      %and3A_667 = arith.andi %get3A_664, %and3A_666 : vector<16xi32>
      %shift_right_arithmetic3A_668 = arith.constant 12 : i32
      %shift_right_arithmetic3A_669 = vector.broadcast %shift_right_arithmetic3A_668 : i32 to vector<16xi32>
      %shift_right_arithmetic3A_670 = arith.shrsi %get3A_664, %shift_right_arithmetic3A_669 : vector<16xi32>
      %add3A_671 = arith.constant 32 : i32
      %add3A_672 = vector.broadcast %add3A_671 : i32 to vector<16xi32>
      %add3A_673 = arith.addi %and3A_667, %add3A_672 : vector<16xi32>
      %jit3A_674 = arith.constant 0 : i32
      %jit3A_675 = arith.constant 64 : i32
      %max3A_676 = vector.broadcast %jit3A_674 : i32 to vector<16xi32>
      %max3A_677 = arith.maxsi %max3A_676, %add3A_673 : vector<16xi32>
      %min3A_678 = vector.broadcast %jit3A_675 : i32 to vector<16xi32>
      %min3A_679 = arith.minsi %min3A_678, %max3A_677 : vector<16xi32>
      %mul3A_680 = arith.muli %min3A_679, %shift_right_arithmetic3A_670 : vector<16xi32>
      %sub3A_681 = arith.constant 1 : i32
      %sub3A_682 = vector.broadcast %sub3A_681 : i32 to vector<16xi32>
      %sub3A_683 = arith.subi %sub3A_682, %shift_right_arithmetic3A_670 : vector<16xi32>
      %mul3A_684 = arith.constant 65 : i32
      %mul3A_685 = vector.broadcast %mul3A_684 : i32 to vector<16xi32>
      %mul3A_686 = arith.muli %sub3A_683, %mul3A_685 : vector<16xi32>
      %add3A_687 = arith.addi %mul3A_680, %mul3A_686 : vector<16xi32>
      %swap3A_688 = arith.constant 1 : i32
      %swap3A_689 = arith.constant 0 : i32
      %swap3A_690 = arith.index_cast %swap3A_688 : i32 to index
      %swap3A_691 = arith.index_cast %swap3A_689 : i32 to index
      %swap3A_692 = arith.constant 96 : index
      %swap3A_693 = tpu.vector_load %arg6[%swap3A_690, %swap3A_691, %swap3A_692] {strides = array<i32>} : memref<5x1x128xi32, #tpu.memory_space<vmem>>, vector<1x1x16xi32>,
      %swap3A_694 = vector.shape_cast %swap3A_693 : vector<1x1x16xi32> to vector<16xi32>
      %swap3A_695 = vector.shape_cast %add3A_687 : vector<16xi32> to vector<1x1x16xi32>
      tpu.vector_store %arg6[%swap3A_690, %swap3A_691, %swap3A_692], %swap3A_695 {strides = array<i32>} : memref<5x1x128xi32, #tpu.memory_space<vmem>>, vector<1x1x16xi32>,
      %get3A_696 = arith.constant 240 : index
      %get3A_697 = tpu.vector_load %arg5[%get3A_696] {strides = array<i32>} : memref<640xi32, #tpu.memory_space<vmem>>, vector<16xi32>,
      %get3A_698 = vector.shape_cast %get3A_697 : vector<16xi32> to vector<16xi32>
      %and3A_699 = arith.constant 4095 : i32
      %and3A_700 = vector.broadcast %and3A_699 : i32 to vector<16xi32>
      %and3A_701 = arith.andi %get3A_698, %and3A_700 : vector<16xi32>
      %shift_right_arithmetic3A_702 = arith.constant 12 : i32
      %shift_right_arithmetic3A_703 = vector.broadcast %shift_right_arithmetic3A_702 : i32 to vector<16xi32>
      %shift_right_arithmetic3A_704 = arith.shrsi %get3A_698, %shift_right_arithmetic3A_703 : vector<16xi32>
      %add3A_705 = arith.constant 32 : i32
      %add3A_706 = vector.broadcast %add3A_705 : i32 to vector<16xi32>
      %add3A_707 = arith.addi %and3A_701, %add3A_706 : vector<16xi32>
      %jit3A_708 = arith.constant 0 : i32
      %jit3A_709 = arith.constant 64 : i32
      %max3A_710 = vector.broadcast %jit3A_708 : i32 to vector<16xi32>
      %max3A_711 = arith.maxsi %max3A_710, %add3A_707 : vector<16xi32>
      %min3A_712 = vector.broadcast %jit3A_709 : i32 to vector<16xi32>
      %min3A_713 = arith.minsi %min3A_712, %max3A_711 : vector<16xi32>
      %mul3A_714 = arith.muli %min3A_713, %shift_right_arithmetic3A_704 : vector<16xi32>
      %sub3A_715 = arith.constant 1 : i32
      %sub3A_716 = vector.broadcast %sub3A_715 : i32 to vector<16xi32>
      %sub3A_717 = arith.subi %sub3A_716, %shift_right_arithmetic3A_704 : vector<16xi32>
      %mul3A_718 = arith.constant 65 : i32
      %mul3A_719 = vector.broadcast %mul3A_718 : i32 to vector<16xi32>
      %mul3A_720 = arith.muli %sub3A_717, %mul3A_719 : vector<16xi32>
      %add3A_721 = arith.addi %mul3A_714, %mul3A_720 : vector<16xi32>
      %swap3A_722 = arith.constant 1 : i32
      %swap3A_723 = arith.constant 0 : i32
      %swap3A_724 = arith.index_cast %swap3A_722 : i32 to index
      %swap3A_725 = arith.index_cast %swap3A_723 : i32 to index
      %swap3A_726 = arith.constant 112 : index
      %swap3A_727 = tpu.vector_load %arg6[%swap3A_724, %swap3A_725, %swap3A_726] {strides = array<i32>} : memref<5x1x128xi32, #tpu.memory_space<vmem>>, vector<1x1x16xi32>,
      %swap3A_728 = vector.shape_cast %swap3A_727 : vector<1x1x16xi32> to vector<16xi32>
      %swap3A_729 = vector.shape_cast %add3A_721 : vector<16xi32> to vector<1x1x16xi32>
      tpu.vector_store %arg6[%swap3A_724, %swap3A_725, %swap3A_726], %swap3A_729 {strides = array<i32>} : memref<5x1x128xi32, #tpu.memory_space<vmem>>, vector<1x1x16xi32>,
      %ge3A_730 = arith.constant 5 : i32
      %ge3A_731 = arith.cmpi sge, %add3A_441, %ge3A_730 : i32
      %convert_element_type3A_732 = arith.extui %ge3A_731 : i1 to i32
      %cond3A_733 = arith.constant 0 : i32
      %cond3A_734 = arith.cmpi ne, %convert_element_type3A_732, %cond3A_733 : i32
      scf.if %cond3A_734 {
        %sub3A_1692 = arith.constant 5 : i32
        %sub3A_1693 = arith.subi %add3A_441, %sub3A_1692 : i32
        %add3A_1694 = arith.addi %mul3A_2, %sub3A_1693 : i32
        %mul3A_1695 = arith.constant 128 : i32
        %mul3A_1696 = arith.muli %add3A_1694, %mul3A_1695 : i32
        %dma_wait3A_1697 = arith.constant 1 : i32
        %dma_wait3A_1698 = arith.constant 0 : i32
        %dma_wait3A_1699 = arith.constant 0 : i32
        %dma_wait3A_1700 = tpu.memref_slice %arg7[%dma_wait3A_1697, %dma_wait3A_1698, %dma_wait3A_1699] : memref<5x128x128xf32, #tpu.memory_space<vmem>> -> memref<1x128x128xf32, #tpu.memory_space<vmem>>
        %dma_wait3A_1701 = tpu.memref_squeeze %dma_wait3A_1700 : memref<1x128x128xf32, #tpu.memory_space<vmem>> -> memref<128x128xf32, #tpu.memory_space<vmem>>
        %dma_wait3A_1702 = arith.constant 0 : i32
        %dma_wait3A_1703 = tpu.memref_slice %arg4[%mul3A_1696, %dma_wait3A_1702] : memref<3276800x128xf32, #tpu.memory_space<hbm>> -> memref<128x128xf32, #tpu.memory_space<hbm>>
        %dma_wait3A_1704 = arith.constant 0 : i32
        %dma_wait3A_1705 = tpu.memref_slice %arg4[%mul3A_1696, %dma_wait3A_1704] : memref<3276800x128xf32, #tpu.memory_space<hbm>> -> memref<128x128xf32, #tpu.memory_space<hbm>>
        %dma_wait3A_1706 = arith.constant 0 : i32
        %dma_wait3A_1707 = arith.constant 0 : i32
        %dma_wait3A_1708 = tpu.memref_slice %arg7[%dma_wait3A_1697, %dma_wait3A_1706, %dma_wait3A_1707] : memref<5x128x128xf32, #tpu.memory_space<vmem>> -> memref<1x128x128xf32, #tpu.memory_space<vmem>>
        %dma_wait3A_1709 = tpu.memref_squeeze %dma_wait3A_1708 : memref<1x128x128xf32, #tpu.memory_space<vmem>> -> memref<128x128xf32, #tpu.memory_space<vmem>>
        tpu.wait_dma2 semaphore(%arg16 : memref<!tpu.dma_semaphore, #tpu.memory_space<semaphore_mem>>) src(%dma_wait3A_1709 : memref<128x128xf32, #tpu.memory_space<vmem>>) dst(%dma_wait3A_1705 : memref<128x128xf32, #tpu.memory_space<hbm>>)
      } else {
      }
      %dma_start3A_735 = arith.constant 1 : i32
      %dma_start3A_736 = arith.constant 0 : i32
      %dma_start3A_737 = arith.constant 1 : i32
      %dma_start3A_738 = arith.constant 0 : i32
      %dma_start3A_739 = arith.constant 0 : i32
      %dma_start3A_740 = tpu.memref_slice %arg7[%dma_start3A_737, %dma_start3A_738, %dma_start3A_739] : memref<5x128x128xf32, #tpu.memory_space<vmem>> -> memref<1x128x128xf32, #tpu.memory_space<vmem>>
      %dma_start3A_741 = tpu.memref_squeeze %dma_start3A_740 : memref<1x128x128xf32, #tpu.memory_space<vmem>> -> memref<128x128xf32, #tpu.memory_space<vmem>>
      %dma_start3A_742 = arith.constant 0 : i32
      %dma_start3A_743 = tpu.memref_slice %arg6[%dma_start3A_735, %dma_start3A_736, %dma_start3A_742] : memref<5x1x128xi32, #tpu.memory_space<vmem>> -> memref<1x1x128xi32, #tpu.memory_space<vmem>>
      %dma_start3A_744 = tpu.memref_squeeze %dma_start3A_743 : memref<1x1x128xi32, #tpu.memory_space<vmem>> -> memref<128xi32, #tpu.memory_space<vmem>>
      %dma_start3A_745 = arith.constant 0 : i32
      %dma_start3A_746 = arith.constant 0 : i32
      %dma_start3A_747 = tpu.memref_slice %arg8[%dma_start3A_745, %dma_start3A_746] : memref<66x128xf32, #tpu.memory_space<vmem_shared>> -> memref<66x128xf32, #tpu.memory_space<vmem_shared>>
      tpu.enqueue_indirect_dma source(%dma_start3A_747 : memref<66x128xf32, #tpu.memory_space<vmem_shared>>) target(%dma_start3A_741 : memref<128x128xf32, #tpu.memory_space<vmem>>) offsets(%dma_start3A_744 : memref<128xi32, #tpu.memory_space<vmem>>) semaphore(%arg11 : memref<!tpu.dma_semaphore, #tpu.memory_space<semaphore_mem>>)
      %ge3A_748 = arith.constant 1 : i32
      %ge3A_749 = arith.cmpi sge, %add3A_441, %ge3A_748 : i32
      %convert_element_type3A_750 = arith.extui %ge3A_749 : i1 to i32
      %cond3A_751 = arith.constant 0 : i32
      %cond3A_752 = arith.cmpi ne, %convert_element_type3A_750, %cond3A_751 : i32
      scf.if %cond3A_752 {
        %dma_wait3A_1692 = arith.constant 0 : i32
        %dma_wait3A_1693 = arith.constant 0 : i32
        %dma_wait3A_1694 = arith.constant 0 : i32
        %dma_wait3A_1695 = arith.constant 0 : i32
        %dma_wait3A_1696 = arith.constant 0 : i32
        %dma_wait3A_1697 = tpu.memref_slice %arg7[%dma_wait3A_1694, %dma_wait3A_1695, %dma_wait3A_1696] : memref<5x128x128xf32, #tpu.memory_space<vmem>> -> memref<1x128x128xf32, #tpu.memory_space<vmem>>
        %dma_wait3A_1698 = tpu.memref_squeeze %dma_wait3A_1697 : memref<1x128x128xf32, #tpu.memory_space<vmem>> -> memref<128x128xf32, #tpu.memory_space<vmem>>
        %dma_wait3A_1699 = arith.constant 0 : i32
        %dma_wait3A_1700 = tpu.memref_slice %arg6[%dma_wait3A_1692, %dma_wait3A_1693, %dma_wait3A_1699] : memref<5x1x128xi32, #tpu.memory_space<vmem>> -> memref<1x1x128xi32, #tpu.memory_space<vmem>>
        %dma_wait3A_1701 = tpu.memref_squeeze %dma_wait3A_1700 : memref<1x1x128xi32, #tpu.memory_space<vmem>> -> memref<128xi32, #tpu.memory_space<vmem>>
        %dma_wait3A_1702 = arith.constant 0 : i32
        %dma_wait3A_1703 = arith.constant 0 : i32
        %dma_wait3A_1704 = tpu.memref_slice %arg8[%dma_wait3A_1702, %dma_wait3A_1703] : memref<66x128xf32, #tpu.memory_space<vmem_shared>> -> memref<66x128xf32, #tpu.memory_space<vmem_shared>>
        tpu.wait_indirect_dma semaphore(%arg10 : memref<!tpu.dma_semaphore, #tpu.memory_space<semaphore_mem>>) src(%dma_wait3A_1704 : memref<66x128xf32, #tpu.memory_space<vmem_shared>>) dst(%dma_wait3A_1698 : memref<128x128xf32, #tpu.memory_space<vmem>>)
        %sub3A_1705 = arith.constant 1 : i32
        %sub3A_1706 = arith.subi %add3A_441, %sub3A_1705 : i32
        %add3A_1707 = arith.addi %mul3A_2, %sub3A_1706 : i32
        %mul3A_1708 = arith.constant 128 : i32
        %mul3A_1709 = arith.muli %add3A_1707, %mul3A_1708 : i32
        %dma_start3A_1710 = arith.constant 0 : i32
        %dma_start3A_1711 = arith.constant 0 : i32
        %dma_start3A_1712 = arith.constant 0 : i32
        %dma_start3A_1713 = tpu.memref_slice %arg7[%dma_start3A_1710, %dma_start3A_1711, %dma_start3A_1712] : memref<5x128x128xf32, #tpu.memory_space<vmem>> -> memref<1x128x128xf32, #tpu.memory_space<vmem>>
        %dma_start3A_1714 = tpu.memref_squeeze %dma_start3A_1713 : memref<1x128x128xf32, #tpu.memory_space<vmem>> -> memref<128x128xf32, #tpu.memory_space<vmem>>
        %dma_start3A_1715 = arith.constant 0 : i32
        %dma_start3A_1716 = tpu.memref_slice %arg4[%mul3A_1709, %dma_start3A_1715] : memref<3276800x128xf32, #tpu.memory_space<hbm>> -> memref<128x128xf32, #tpu.memory_space<hbm>>
        %dma_start3A_1717 = arith.constant 0 : i32
        %dma_start3A_1718 = tpu.memref_slice %arg4[%mul3A_1709, %dma_start3A_1717] : memref<3276800x128xf32, #tpu.memory_space<hbm>> -> memref<128x128xf32, #tpu.memory_space<hbm>>
        %dma_start3A_1719 = arith.constant 0 : i32
        %dma_start3A_1720 = arith.constant 0 : i32
        %dma_start3A_1721 = tpu.memref_slice %arg7[%dma_start3A_1710, %dma_start3A_1719, %dma_start3A_1720] : memref<5x128x128xf32, #tpu.memory_space<vmem>> -> memref<1x128x128xf32, #tpu.memory_space<vmem>>
        %dma_start3A_1722 = tpu.memref_squeeze %dma_start3A_1721 : memref<1x128x128xf32, #tpu.memory_space<vmem>> -> memref<128x128xf32, #tpu.memory_space<vmem>>
        tpu.enqueue_dma source(%dma_start3A_1722 : memref<128x128xf32, #tpu.memory_space<vmem>>) target(%dma_start3A_1718 : memref<128x128xf32, #tpu.memory_space<hbm>>) target_semaphore(%arg15 : memref<!tpu.dma_semaphore, #tpu.memory_space<semaphore_mem>>)
      } else {
      }
      %add3A_753 = arith.constant 2 : i32
      %add3A_754 = arith.addi %add3A_136, %add3A_753 : i32
      %add3A_755 = arith.addi %mul3A_2, %add3A_754 : i32
      %mul3A_756 = arith.constant 128 : i32
      %mul3A_757 = arith.muli %add3A_755, %mul3A_756 : i32
      %dma_wait3A_758 = arith.constant 256 : i32
      %dma_wait3A_759 = tpu.memref_slice %arg5[%dma_wait3A_758] : memref<640xi32, #tpu.memory_space<vmem>> -> memref<128xi32, #tpu.memory_space<vmem>>
      %dma_wait3A_760 = tpu.memref_slice %arg2[%mul3A_757] : memref<3276800xi32, #tpu.memory_space<hbm>> -> memref<128xi32, #tpu.memory_space<hbm>>
      %dma_wait3A_761 = arith.constant 256 : i32
      %dma_wait3A_762 = tpu.memref_slice %arg5[%dma_wait3A_761] : memref<640xi32, #tpu.memory_space<vmem>> -> memref<128xi32, #tpu.memory_space<vmem>>
      %dma_wait3A_763 = tpu.memref_slice %arg2[%mul3A_757] : memref<3276800xi32, #tpu.memory_space<hbm>> -> memref<128xi32, #tpu.memory_space<hbm>>
      tpu.wait_dma2 semaphore(%arg9 : memref<!tpu.dma_semaphore, #tpu.memory_space<semaphore_mem>>) src(%dma_wait3A_763 : memref<128xi32, #tpu.memory_space<hbm>>) dst(%dma_wait3A_762 : memref<128xi32, #tpu.memory_space<vmem>>)
      %add3A_764 = arith.constant 1 : i32
      %add3A_765 = arith.addi %add3A_754, %add3A_764 : i32
      %lt3A_766 = arith.constant 800 : i32
      %lt3A_767 = arith.cmpi slt, %add3A_765, %lt3A_766 : i32
      %convert_element_type3A_768 = arith.extui %lt3A_767 : i1 to i32
      %cond3A_769 = arith.constant 0 : i32
      %cond3A_770 = arith.cmpi ne, %convert_element_type3A_768, %cond3A_769 : i32
      scf.if %cond3A_770 {
        %add3A_1692 = arith.constant 1 : i32
        %add3A_1693 = arith.addi %add3A_754, %add3A_1692 : i32
        %add3A_1694 = arith.addi %mul3A_2, %add3A_1693 : i32
        %mul3A_1695 = arith.constant 128 : i32
        %mul3A_1696 = arith.muli %add3A_1694, %mul3A_1695 : i32
        %dma_start3A_1697 = arith.constant 384 : i32
        %dma_start3A_1698 = tpu.memref_slice %arg5[%dma_start3A_1697] : memref<640xi32, #tpu.memory_space<vmem>> -> memref<128xi32, #tpu.memory_space<vmem>>
        %dma_start3A_1699 = tpu.memref_slice %arg2[%mul3A_1696] : memref<3276800xi32, #tpu.memory_space<hbm>> -> memref<128xi32, #tpu.memory_space<hbm>>
        %dma_start3A_1700 = arith.constant 384 : i32
        %dma_start3A_1701 = tpu.memref_slice %arg5[%dma_start3A_1700] : memref<640xi32, #tpu.memory_space<vmem>> -> memref<128xi32, #tpu.memory_space<vmem>>
        %dma_start3A_1702 = tpu.memref_slice %arg2[%mul3A_1696] : memref<3276800xi32, #tpu.memory_space<hbm>> -> memref<128xi32, #tpu.memory_space<hbm>>
        tpu.enqueue_dma source(%dma_start3A_1702 : memref<128xi32, #tpu.memory_space<hbm>>) target(%dma_start3A_1701 : memref<128xi32, #tpu.memory_space<vmem>>) target_semaphore(%arg9 : memref<!tpu.dma_semaphore, #tpu.memory_space<semaphore_mem>>)
      } else {
      }
      %get3A_771 = arith.constant 256 : index
      %get3A_772 = tpu.vector_load %arg5[%get3A_771] {strides = array<i32>} : memref<640xi32, #tpu.memory_space<vmem>>, vector<16xi32>,
      %get3A_773 = vector.shape_cast %get3A_772 : vector<16xi32> to vector<16xi32>
      %and3A_774 = arith.constant 4095 : i32
      %and3A_775 = vector.broadcast %and3A_774 : i32 to vector<16xi32>
      %and3A_776 = arith.andi %get3A_773, %and3A_775 : vector<16xi32>
      %shift_right_arithmetic3A_777 = arith.constant 12 : i32
      %shift_right_arithmetic3A_778 = vector.broadcast %shift_right_arithmetic3A_777 : i32 to vector<16xi32>
      %shift_right_arithmetic3A_779 = arith.shrsi %get3A_773, %shift_right_arithmetic3A_778 : vector<16xi32>
      %add3A_780 = arith.constant 32 : i32
      %add3A_781 = vector.broadcast %add3A_780 : i32 to vector<16xi32>
      %add3A_782 = arith.addi %and3A_776, %add3A_781 : vector<16xi32>
      %jit3A_783 = arith.constant 0 : i32
      %jit3A_784 = arith.constant 64 : i32
      %max3A_785 = vector.broadcast %jit3A_783 : i32 to vector<16xi32>
      %max3A_786 = arith.maxsi %max3A_785, %add3A_782 : vector<16xi32>
      %min3A_787 = vector.broadcast %jit3A_784 : i32 to vector<16xi32>
      %min3A_788 = arith.minsi %min3A_787, %max3A_786 : vector<16xi32>
      %mul3A_789 = arith.muli %min3A_788, %shift_right_arithmetic3A_779 : vector<16xi32>
      %sub3A_790 = arith.constant 1 : i32
      %sub3A_791 = vector.broadcast %sub3A_790 : i32 to vector<16xi32>
      %sub3A_792 = arith.subi %sub3A_791, %shift_right_arithmetic3A_779 : vector<16xi32>
      %mul3A_793 = arith.constant 65 : i32
      %mul3A_794 = vector.broadcast %mul3A_793 : i32 to vector<16xi32>
      %mul3A_795 = arith.muli %sub3A_792, %mul3A_794 : vector<16xi32>
      %add3A_796 = arith.addi %mul3A_789, %mul3A_795 : vector<16xi32>
      %swap3A_797 = arith.constant 2 : i32
      %swap3A_798 = arith.constant 0 : i32
      %swap3A_799 = arith.index_cast %swap3A_797 : i32 to index
      %swap3A_800 = arith.index_cast %swap3A_798 : i32 to index
      %swap3A_801 = arith.constant 0 : index
      %swap3A_802 = tpu.vector_load %arg6[%swap3A_799, %swap3A_800, %swap3A_801] {strides = array<i32>} : memref<5x1x128xi32, #tpu.memory_space<vmem>>, vector<1x1x16xi32>,
      %swap3A_803 = vector.shape_cast %swap3A_802 : vector<1x1x16xi32> to vector<16xi32>
      %swap3A_804 = vector.shape_cast %add3A_796 : vector<16xi32> to vector<1x1x16xi32>
      tpu.vector_store %arg6[%swap3A_799, %swap3A_800, %swap3A_801], %swap3A_804 {strides = array<i32>} : memref<5x1x128xi32, #tpu.memory_space<vmem>>, vector<1x1x16xi32>,
      %get3A_805 = arith.constant 272 : index
      %get3A_806 = tpu.vector_load %arg5[%get3A_805] {strides = array<i32>} : memref<640xi32, #tpu.memory_space<vmem>>, vector<16xi32>,
      %get3A_807 = vector.shape_cast %get3A_806 : vector<16xi32> to vector<16xi32>
      %and3A_808 = arith.constant 4095 : i32
      %and3A_809 = vector.broadcast %and3A_808 : i32 to vector<16xi32>
      %and3A_810 = arith.andi %get3A_807, %and3A_809 : vector<16xi32>
      %shift_right_arithmetic3A_811 = arith.constant 12 : i32
      %shift_right_arithmetic3A_812 = vector.broadcast %shift_right_arithmetic3A_811 : i32 to vector<16xi32>
      %shift_right_arithmetic3A_813 = arith.shrsi %get3A_807, %shift_right_arithmetic3A_812 : vector<16xi32>
      %add3A_814 = arith.constant 32 : i32
      %add3A_815 = vector.broadcast %add3A_814 : i32 to vector<16xi32>
      %add3A_816 = arith.addi %and3A_810, %add3A_815 : vector<16xi32>
      %jit3A_817 = arith.constant 0 : i32
      %jit3A_818 = arith.constant 64 : i32
      %max3A_819 = vector.broadcast %jit3A_817 : i32 to vector<16xi32>
      %max3A_820 = arith.maxsi %max3A_819, %add3A_816 : vector<16xi32>
      %min3A_821 = vector.broadcast %jit3A_818 : i32 to vector<16xi32>
      %min3A_822 = arith.minsi %min3A_821, %max3A_820 : vector<16xi32>
      %mul3A_823 = arith.muli %min3A_822, %shift_right_arithmetic3A_813 : vector<16xi32>
      %sub3A_824 = arith.constant 1 : i32
      %sub3A_825 = vector.broadcast %sub3A_824 : i32 to vector<16xi32>
      %sub3A_826 = arith.subi %sub3A_825, %shift_right_arithmetic3A_813 : vector<16xi32>
      %mul3A_827 = arith.constant 65 : i32
      %mul3A_828 = vector.broadcast %mul3A_827 : i32 to vector<16xi32>
      %mul3A_829 = arith.muli %sub3A_826, %mul3A_828 : vector<16xi32>
      %add3A_830 = arith.addi %mul3A_823, %mul3A_829 : vector<16xi32>
      %swap3A_831 = arith.constant 2 : i32
      %swap3A_832 = arith.constant 0 : i32
      %swap3A_833 = arith.index_cast %swap3A_831 : i32 to index
      %swap3A_834 = arith.index_cast %swap3A_832 : i32 to index
      %swap3A_835 = arith.constant 16 : index
      %swap3A_836 = tpu.vector_load %arg6[%swap3A_833, %swap3A_834, %swap3A_835] {strides = array<i32>} : memref<5x1x128xi32, #tpu.memory_space<vmem>>, vector<1x1x16xi32>,
      %swap3A_837 = vector.shape_cast %swap3A_836 : vector<1x1x16xi32> to vector<16xi32>
      %swap3A_838 = vector.shape_cast %add3A_830 : vector<16xi32> to vector<1x1x16xi32>
      tpu.vector_store %arg6[%swap3A_833, %swap3A_834, %swap3A_835], %swap3A_838 {strides = array<i32>} : memref<5x1x128xi32, #tpu.memory_space<vmem>>, vector<1x1x16xi32>,
      %get3A_839 = arith.constant 288 : index
      %get3A_840 = tpu.vector_load %arg5[%get3A_839] {strides = array<i32>} : memref<640xi32, #tpu.memory_space<vmem>>, vector<16xi32>,
      %get3A_841 = vector.shape_cast %get3A_840 : vector<16xi32> to vector<16xi32>
      %and3A_842 = arith.constant 4095 : i32
      %and3A_843 = vector.broadcast %and3A_842 : i32 to vector<16xi32>
      %and3A_844 = arith.andi %get3A_841, %and3A_843 : vector<16xi32>
      %shift_right_arithmetic3A_845 = arith.constant 12 : i32
      %shift_right_arithmetic3A_846 = vector.broadcast %shift_right_arithmetic3A_845 : i32 to vector<16xi32>
      %shift_right_arithmetic3A_847 = arith.shrsi %get3A_841, %shift_right_arithmetic3A_846 : vector<16xi32>
      %add3A_848 = arith.constant 32 : i32
      %add3A_849 = vector.broadcast %add3A_848 : i32 to vector<16xi32>
      %add3A_850 = arith.addi %and3A_844, %add3A_849 : vector<16xi32>
      %jit3A_851 = arith.constant 0 : i32
      %jit3A_852 = arith.constant 64 : i32
      %max3A_853 = vector.broadcast %jit3A_851 : i32 to vector<16xi32>
      %max3A_854 = arith.maxsi %max3A_853, %add3A_850 : vector<16xi32>
      %min3A_855 = vector.broadcast %jit3A_852 : i32 to vector<16xi32>
      %min3A_856 = arith.minsi %min3A_855, %max3A_854 : vector<16xi32>
      %mul3A_857 = arith.muli %min3A_856, %shift_right_arithmetic3A_847 : vector<16xi32>
      %sub3A_858 = arith.constant 1 : i32
      %sub3A_859 = vector.broadcast %sub3A_858 : i32 to vector<16xi32>
      %sub3A_860 = arith.subi %sub3A_859, %shift_right_arithmetic3A_847 : vector<16xi32>
      %mul3A_861 = arith.constant 65 : i32
      %mul3A_862 = vector.broadcast %mul3A_861 : i32 to vector<16xi32>
      %mul3A_863 = arith.muli %sub3A_860, %mul3A_862 : vector<16xi32>
      %add3A_864 = arith.addi %mul3A_857, %mul3A_863 : vector<16xi32>
      %swap3A_865 = arith.constant 2 : i32
      %swap3A_866 = arith.constant 0 : i32
      %swap3A_867 = arith.index_cast %swap3A_865 : i32 to index
      %swap3A_868 = arith.index_cast %swap3A_866 : i32 to index
      %swap3A_869 = arith.constant 32 : index
      %swap3A_870 = tpu.vector_load %arg6[%swap3A_867, %swap3A_868, %swap3A_869] {strides = array<i32>} : memref<5x1x128xi32, #tpu.memory_space<vmem>>, vector<1x1x16xi32>,
      %swap3A_871 = vector.shape_cast %swap3A_870 : vector<1x1x16xi32> to vector<16xi32>
      %swap3A_872 = vector.shape_cast %add3A_864 : vector<16xi32> to vector<1x1x16xi32>
      tpu.vector_store %arg6[%swap3A_867, %swap3A_868, %swap3A_869], %swap3A_872 {strides = array<i32>} : memref<5x1x128xi32, #tpu.memory_space<vmem>>, vector<1x1x16xi32>,
      %get3A_873 = arith.constant 304 : index
      %get3A_874 = tpu.vector_load %arg5[%get3A_873] {strides = array<i32>} : memref<640xi32, #tpu.memory_space<vmem>>, vector<16xi32>,
      %get3A_875 = vector.shape_cast %get3A_874 : vector<16xi32> to vector<16xi32>
      %and3A_876 = arith.constant 4095 : i32
      %and3A_877 = vector.broadcast %and3A_876 : i32 to vector<16xi32>
      %and3A_878 = arith.andi %get3A_875, %and3A_877 : vector<16xi32>
      %shift_right_arithmetic3A_879 = arith.constant 12 : i32
      %shift_right_arithmetic3A_880 = vector.broadcast %shift_right_arithmetic3A_879 : i32 to vector<16xi32>
      %shift_right_arithmetic3A_881 = arith.shrsi %get3A_875, %shift_right_arithmetic3A_880 : vector<16xi32>
      %add3A_882 = arith.constant 32 : i32
      %add3A_883 = vector.broadcast %add3A_882 : i32 to vector<16xi32>
      %add3A_884 = arith.addi %and3A_878, %add3A_883 : vector<16xi32>
      %jit3A_885 = arith.constant 0 : i32
      %jit3A_886 = arith.constant 64 : i32
      %max3A_887 = vector.broadcast %jit3A_885 : i32 to vector<16xi32>
      %max3A_888 = arith.maxsi %max3A_887, %add3A_884 : vector<16xi32>
      %min3A_889 = vector.broadcast %jit3A_886 : i32 to vector<16xi32>
      %min3A_890 = arith.minsi %min3A_889, %max3A_888 : vector<16xi32>
      %mul3A_891 = arith.muli %min3A_890, %shift_right_arithmetic3A_881 : vector<16xi32>
      %sub3A_892 = arith.constant 1 : i32
      %sub3A_893 = vector.broadcast %sub3A_892 : i32 to vector<16xi32>
      %sub3A_894 = arith.subi %sub3A_893, %shift_right_arithmetic3A_881 : vector<16xi32>
      %mul3A_895 = arith.constant 65 : i32
      %mul3A_896 = vector.broadcast %mul3A_895 : i32 to vector<16xi32>
      %mul3A_897 = arith.muli %sub3A_894, %mul3A_896 : vector<16xi32>
      %add3A_898 = arith.addi %mul3A_891, %mul3A_897 : vector<16xi32>
      %swap3A_899 = arith.constant 2 : i32
      %swap3A_900 = arith.constant 0 : i32
      %swap3A_901 = arith.index_cast %swap3A_899 : i32 to index
      %swap3A_902 = arith.index_cast %swap3A_900 : i32 to index
      %swap3A_903 = arith.constant 48 : index
      %swap3A_904 = tpu.vector_load %arg6[%swap3A_901, %swap3A_902, %swap3A_903] {strides = array<i32>} : memref<5x1x128xi32, #tpu.memory_space<vmem>>, vector<1x1x16xi32>,
      %swap3A_905 = vector.shape_cast %swap3A_904 : vector<1x1x16xi32> to vector<16xi32>
      %swap3A_906 = vector.shape_cast %add3A_898 : vector<16xi32> to vector<1x1x16xi32>
      tpu.vector_store %arg6[%swap3A_901, %swap3A_902, %swap3A_903], %swap3A_906 {strides = array<i32>} : memref<5x1x128xi32, #tpu.memory_space<vmem>>, vector<1x1x16xi32>,
      %get3A_907 = arith.constant 320 : index
      %get3A_908 = tpu.vector_load %arg5[%get3A_907] {strides = array<i32>} : memref<640xi32, #tpu.memory_space<vmem>>, vector<16xi32>,
      %get3A_909 = vector.shape_cast %get3A_908 : vector<16xi32> to vector<16xi32>
      %and3A_910 = arith.constant 4095 : i32
      %and3A_911 = vector.broadcast %and3A_910 : i32 to vector<16xi32>
      %and3A_912 = arith.andi %get3A_909, %and3A_911 : vector<16xi32>
      %shift_right_arithmetic3A_913 = arith.constant 12 : i32
      %shift_right_arithmetic3A_914 = vector.broadcast %shift_right_arithmetic3A_913 : i32 to vector<16xi32>
      %shift_right_arithmetic3A_915 = arith.shrsi %get3A_909, %shift_right_arithmetic3A_914 : vector<16xi32>
      %add3A_916 = arith.constant 32 : i32
      %add3A_917 = vector.broadcast %add3A_916 : i32 to vector<16xi32>
      %add3A_918 = arith.addi %and3A_912, %add3A_917 : vector<16xi32>
      %jit3A_919 = arith.constant 0 : i32
      %jit3A_920 = arith.constant 64 : i32
      %max3A_921 = vector.broadcast %jit3A_919 : i32 to vector<16xi32>
      %max3A_922 = arith.maxsi %max3A_921, %add3A_918 : vector<16xi32>
      %min3A_923 = vector.broadcast %jit3A_920 : i32 to vector<16xi32>
      %min3A_924 = arith.minsi %min3A_923, %max3A_922 : vector<16xi32>
      %mul3A_925 = arith.muli %min3A_924, %shift_right_arithmetic3A_915 : vector<16xi32>
      %sub3A_926 = arith.constant 1 : i32
      %sub3A_927 = vector.broadcast %sub3A_926 : i32 to vector<16xi32>
      %sub3A_928 = arith.subi %sub3A_927, %shift_right_arithmetic3A_915 : vector<16xi32>
      %mul3A_929 = arith.constant 65 : i32
      %mul3A_930 = vector.broadcast %mul3A_929 : i32 to vector<16xi32>
      %mul3A_931 = arith.muli %sub3A_928, %mul3A_930 : vector<16xi32>
      %add3A_932 = arith.addi %mul3A_925, %mul3A_931 : vector<16xi32>
      %swap3A_933 = arith.constant 2 : i32
      %swap3A_934 = arith.constant 0 : i32
      %swap3A_935 = arith.index_cast %swap3A_933 : i32 to index
      %swap3A_936 = arith.index_cast %swap3A_934 : i32 to index
      %swap3A_937 = arith.constant 64 : index
      %swap3A_938 = tpu.vector_load %arg6[%swap3A_935, %swap3A_936, %swap3A_937] {strides = array<i32>} : memref<5x1x128xi32, #tpu.memory_space<vmem>>, vector<1x1x16xi32>,
      %swap3A_939 = vector.shape_cast %swap3A_938 : vector<1x1x16xi32> to vector<16xi32>
      %swap3A_940 = vector.shape_cast %add3A_932 : vector<16xi32> to vector<1x1x16xi32>
      tpu.vector_store %arg6[%swap3A_935, %swap3A_936, %swap3A_937], %swap3A_940 {strides = array<i32>} : memref<5x1x128xi32, #tpu.memory_space<vmem>>, vector<1x1x16xi32>,
      %get3A_941 = arith.constant 336 : index
      %get3A_942 = tpu.vector_load %arg5[%get3A_941] {strides = array<i32>} : memref<640xi32, #tpu.memory_space<vmem>>, vector<16xi32>,
      %get3A_943 = vector.shape_cast %get3A_942 : vector<16xi32> to vector<16xi32>
      %and3A_944 = arith.constant 4095 : i32
      %and3A_945 = vector.broadcast %and3A_944 : i32 to vector<16xi32>
      %and3A_946 = arith.andi %get3A_943, %and3A_945 : vector<16xi32>
      %shift_right_arithmetic3A_947 = arith.constant 12 : i32
      %shift_right_arithmetic3A_948 = vector.broadcast %shift_right_arithmetic3A_947 : i32 to vector<16xi32>
      %shift_right_arithmetic3A_949 = arith.shrsi %get3A_943, %shift_right_arithmetic3A_948 : vector<16xi32>
      %add3A_950 = arith.constant 32 : i32
      %add3A_951 = vector.broadcast %add3A_950 : i32 to vector<16xi32>
      %add3A_952 = arith.addi %and3A_946, %add3A_951 : vector<16xi32>
      %jit3A_953 = arith.constant 0 : i32
      %jit3A_954 = arith.constant 64 : i32
      %max3A_955 = vector.broadcast %jit3A_953 : i32 to vector<16xi32>
      %max3A_956 = arith.maxsi %max3A_955, %add3A_952 : vector<16xi32>
      %min3A_957 = vector.broadcast %jit3A_954 : i32 to vector<16xi32>
      %min3A_958 = arith.minsi %min3A_957, %max3A_956 : vector<16xi32>
      %mul3A_959 = arith.muli %min3A_958, %shift_right_arithmetic3A_949 : vector<16xi32>
      %sub3A_960 = arith.constant 1 : i32
      %sub3A_961 = vector.broadcast %sub3A_960 : i32 to vector<16xi32>
      %sub3A_962 = arith.subi %sub3A_961, %shift_right_arithmetic3A_949 : vector<16xi32>
      %mul3A_963 = arith.constant 65 : i32
      %mul3A_964 = vector.broadcast %mul3A_963 : i32 to vector<16xi32>
      %mul3A_965 = arith.muli %sub3A_962, %mul3A_964 : vector<16xi32>
      %add3A_966 = arith.addi %mul3A_959, %mul3A_965 : vector<16xi32>
      %swap3A_967 = arith.constant 2 : i32
      %swap3A_968 = arith.constant 0 : i32
      %swap3A_969 = arith.index_cast %swap3A_967 : i32 to index
      %swap3A_970 = arith.index_cast %swap3A_968 : i32 to index
      %swap3A_971 = arith.constant 80 : index
      %swap3A_972 = tpu.vector_load %arg6[%swap3A_969, %swap3A_970, %swap3A_971] {strides = array<i32>} : memref<5x1x128xi32, #tpu.memory_space<vmem>>, vector<1x1x16xi32>,
      %swap3A_973 = vector.shape_cast %swap3A_972 : vector<1x1x16xi32> to vector<16xi32>
      %swap3A_974 = vector.shape_cast %add3A_966 : vector<16xi32> to vector<1x1x16xi32>
      tpu.vector_store %arg6[%swap3A_969, %swap3A_970, %swap3A_971], %swap3A_974 {strides = array<i32>} : memref<5x1x128xi32, #tpu.memory_space<vmem>>, vector<1x1x16xi32>,
      %get3A_975 = arith.constant 352 : index
      %get3A_976 = tpu.vector_load %arg5[%get3A_975] {strides = array<i32>} : memref<640xi32, #tpu.memory_space<vmem>>, vector<16xi32>,
      %get3A_977 = vector.shape_cast %get3A_976 : vector<16xi32> to vector<16xi32>
      %and3A_978 = arith.constant 4095 : i32
      %and3A_979 = vector.broadcast %and3A_978 : i32 to vector<16xi32>
      %and3A_980 = arith.andi %get3A_977, %and3A_979 : vector<16xi32>
      %shift_right_arithmetic3A_981 = arith.constant 12 : i32
      %shift_right_arithmetic3A_982 = vector.broadcast %shift_right_arithmetic3A_981 : i32 to vector<16xi32>
      %shift_right_arithmetic3A_983 = arith.shrsi %get3A_977, %shift_right_arithmetic3A_982 : vector<16xi32>
      %add3A_984 = arith.constant 32 : i32
      %add3A_985 = vector.broadcast %add3A_984 : i32 to vector<16xi32>
      %add3A_986 = arith.addi %and3A_980, %add3A_985 : vector<16xi32>
      %jit3A_987 = arith.constant 0 : i32
      %jit3A_988 = arith.constant 64 : i32
      %max3A_989 = vector.broadcast %jit3A_987 : i32 to vector<16xi32>
      %max3A_990 = arith.maxsi %max3A_989, %add3A_986 : vector<16xi32>
      %min3A_991 = vector.broadcast %jit3A_988 : i32 to vector<16xi32>
      %min3A_992 = arith.minsi %min3A_991, %max3A_990 : vector<16xi32>
      %mul3A_993 = arith.muli %min3A_992, %shift_right_arithmetic3A_983 : vector<16xi32>
      %sub3A_994 = arith.constant 1 : i32
      %sub3A_995 = vector.broadcast %sub3A_994 : i32 to vector<16xi32>
      %sub3A_996 = arith.subi %sub3A_995, %shift_right_arithmetic3A_983 : vector<16xi32>
      %mul3A_997 = arith.constant 65 : i32
      %mul3A_998 = vector.broadcast %mul3A_997 : i32 to vector<16xi32>
      %mul3A_999 = arith.muli %sub3A_996, %mul3A_998 : vector<16xi32>
      %add3A_1000 = arith.addi %mul3A_993, %mul3A_999 : vector<16xi32>
      %swap3A_1001 = arith.constant 2 : i32
      %swap3A_1002 = arith.constant 0 : i32
      %swap3A_1003 = arith.index_cast %swap3A_1001 : i32 to index
      %swap3A_1004 = arith.index_cast %swap3A_1002 : i32 to index
      %swap3A_1005 = arith.constant 96 : index
      %swap3A_1006 = tpu.vector_load %arg6[%swap3A_1003, %swap3A_1004, %swap3A_1005] {strides = array<i32>} : memref<5x1x128xi32, #tpu.memory_space<vmem>>, vector<1x1x16xi32>,
      %swap3A_1007 = vector.shape_cast %swap3A_1006 : vector<1x1x16xi32> to vector<16xi32>
      %swap3A_1008 = vector.shape_cast %add3A_1000 : vector<16xi32> to vector<1x1x16xi32>
      tpu.vector_store %arg6[%swap3A_1003, %swap3A_1004, %swap3A_1005], %swap3A_1008 {strides = array<i32>} : memref<5x1x128xi32, #tpu.memory_space<vmem>>, vector<1x1x16xi32>,
      %get3A_1009 = arith.constant 368 : index
      %get3A_1010 = tpu.vector_load %arg5[%get3A_1009] {strides = array<i32>} : memref<640xi32, #tpu.memory_space<vmem>>, vector<16xi32>,
      %get3A_1011 = vector.shape_cast %get3A_1010 : vector<16xi32> to vector<16xi32>
      %and3A_1012 = arith.constant 4095 : i32
      %and3A_1013 = vector.broadcast %and3A_1012 : i32 to vector<16xi32>
      %and3A_1014 = arith.andi %get3A_1011, %and3A_1013 : vector<16xi32>
      %shift_right_arithmetic3A_1015 = arith.constant 12 : i32
      %shift_right_arithmetic3A_1016 = vector.broadcast %shift_right_arithmetic3A_1015 : i32 to vector<16xi32>
      %shift_right_arithmetic3A_1017 = arith.shrsi %get3A_1011, %shift_right_arithmetic3A_1016 : vector<16xi32>
      %add3A_1018 = arith.constant 32 : i32
      %add3A_1019 = vector.broadcast %add3A_1018 : i32 to vector<16xi32>
      %add3A_1020 = arith.addi %and3A_1014, %add3A_1019 : vector<16xi32>
      %jit3A_1021 = arith.constant 0 : i32
      %jit3A_1022 = arith.constant 64 : i32
      %max3A_1023 = vector.broadcast %jit3A_1021 : i32 to vector<16xi32>
      %max3A_1024 = arith.maxsi %max3A_1023, %add3A_1020 : vector<16xi32>
      %min3A_1025 = vector.broadcast %jit3A_1022 : i32 to vector<16xi32>
      %min3A_1026 = arith.minsi %min3A_1025, %max3A_1024 : vector<16xi32>
      %mul3A_1027 = arith.muli %min3A_1026, %shift_right_arithmetic3A_1017 : vector<16xi32>
      %sub3A_1028 = arith.constant 1 : i32
      %sub3A_1029 = vector.broadcast %sub3A_1028 : i32 to vector<16xi32>
      %sub3A_1030 = arith.subi %sub3A_1029, %shift_right_arithmetic3A_1017 : vector<16xi32>
      %mul3A_1031 = arith.constant 65 : i32
      %mul3A_1032 = vector.broadcast %mul3A_1031 : i32 to vector<16xi32>
      %mul3A_1033 = arith.muli %sub3A_1030, %mul3A_1032 : vector<16xi32>
      %add3A_1034 = arith.addi %mul3A_1027, %mul3A_1033 : vector<16xi32>
      %swap3A_1035 = arith.constant 2 : i32
      %swap3A_1036 = arith.constant 0 : i32
      %swap3A_1037 = arith.index_cast %swap3A_1035 : i32 to index
      %swap3A_1038 = arith.index_cast %swap3A_1036 : i32 to index
      %swap3A_1039 = arith.constant 112 : index
      %swap3A_1040 = tpu.vector_load %arg6[%swap3A_1037, %swap3A_1038, %swap3A_1039] {strides = array<i32>} : memref<5x1x128xi32, #tpu.memory_space<vmem>>, vector<1x1x16xi32>,
      %swap3A_1041 = vector.shape_cast %swap3A_1040 : vector<1x1x16xi32> to vector<16xi32>
      %swap3A_1042 = vector.shape_cast %add3A_1034 : vector<16xi32> to vector<1x1x16xi32>
      tpu.vector_store %arg6[%swap3A_1037, %swap3A_1038, %swap3A_1039], %swap3A_1042 {strides = array<i32>} : memref<5x1x128xi32, #tpu.memory_space<vmem>>, vector<1x1x16xi32>,
      %ge3A_1043 = arith.constant 5 : i32
      %ge3A_1044 = arith.cmpi sge, %add3A_754, %ge3A_1043 : i32
      %convert_element_type3A_1045 = arith.extui %ge3A_1044 : i1 to i32
      %cond3A_1046 = arith.constant 0 : i32
      %cond3A_1047 = arith.cmpi ne, %convert_element_type3A_1045, %cond3A_1046 : i32
      scf.if %cond3A_1047 {
        %sub3A_1692 = arith.constant 5 : i32
        %sub3A_1693 = arith.subi %add3A_754, %sub3A_1692 : i32
        %add3A_1694 = arith.addi %mul3A_2, %sub3A_1693 : i32
        %mul3A_1695 = arith.constant 128 : i32
        %mul3A_1696 = arith.muli %add3A_1694, %mul3A_1695 : i32
        %dma_wait3A_1697 = arith.constant 2 : i32
        %dma_wait3A_1698 = arith.constant 0 : i32
        %dma_wait3A_1699 = arith.constant 0 : i32
        %dma_wait3A_1700 = tpu.memref_slice %arg7[%dma_wait3A_1697, %dma_wait3A_1698, %dma_wait3A_1699] : memref<5x128x128xf32, #tpu.memory_space<vmem>> -> memref<1x128x128xf32, #tpu.memory_space<vmem>>
        %dma_wait3A_1701 = tpu.memref_squeeze %dma_wait3A_1700 : memref<1x128x128xf32, #tpu.memory_space<vmem>> -> memref<128x128xf32, #tpu.memory_space<vmem>>
        %dma_wait3A_1702 = arith.constant 0 : i32
        %dma_wait3A_1703 = tpu.memref_slice %arg4[%mul3A_1696, %dma_wait3A_1702] : memref<3276800x128xf32, #tpu.memory_space<hbm>> -> memref<128x128xf32, #tpu.memory_space<hbm>>
        %dma_wait3A_1704 = arith.constant 0 : i32
        %dma_wait3A_1705 = tpu.memref_slice %arg4[%mul3A_1696, %dma_wait3A_1704] : memref<3276800x128xf32, #tpu.memory_space<hbm>> -> memref<128x128xf32, #tpu.memory_space<hbm>>
        %dma_wait3A_1706 = arith.constant 0 : i32
        %dma_wait3A_1707 = arith.constant 0 : i32
        %dma_wait3A_1708 = tpu.memref_slice %arg7[%dma_wait3A_1697, %dma_wait3A_1706, %dma_wait3A_1707] : memref<5x128x128xf32, #tpu.memory_space<vmem>> -> memref<1x128x128xf32, #tpu.memory_space<vmem>>
        %dma_wait3A_1709 = tpu.memref_squeeze %dma_wait3A_1708 : memref<1x128x128xf32, #tpu.memory_space<vmem>> -> memref<128x128xf32, #tpu.memory_space<vmem>>
        tpu.wait_dma2 semaphore(%arg17 : memref<!tpu.dma_semaphore, #tpu.memory_space<semaphore_mem>>) src(%dma_wait3A_1709 : memref<128x128xf32, #tpu.memory_space<vmem>>) dst(%dma_wait3A_1705 : memref<128x128xf32, #tpu.memory_space<hbm>>)
      } else {
      }
      %dma_start3A_1048 = arith.constant 2 : i32
      %dma_start3A_1049 = arith.constant 0 : i32
      %dma_start3A_1050 = arith.constant 2 : i32
      %dma_start3A_1051 = arith.constant 0 : i32
      %dma_start3A_1052 = arith.constant 0 : i32
      %dma_start3A_1053 = tpu.memref_slice %arg7[%dma_start3A_1050, %dma_start3A_1051, %dma_start3A_1052] : memref<5x128x128xf32, #tpu.memory_space<vmem>> -> memref<1x128x128xf32, #tpu.memory_space<vmem>>
      %dma_start3A_1054 = tpu.memref_squeeze %dma_start3A_1053 : memref<1x128x128xf32, #tpu.memory_space<vmem>> -> memref<128x128xf32, #tpu.memory_space<vmem>>
      %dma_start3A_1055 = arith.constant 0 : i32
      %dma_start3A_1056 = tpu.memref_slice %arg6[%dma_start3A_1048, %dma_start3A_1049, %dma_start3A_1055] : memref<5x1x128xi32, #tpu.memory_space<vmem>> -> memref<1x1x128xi32, #tpu.memory_space<vmem>>
      %dma_start3A_1057 = tpu.memref_squeeze %dma_start3A_1056 : memref<1x1x128xi32, #tpu.memory_space<vmem>> -> memref<128xi32, #tpu.memory_space<vmem>>
      %dma_start3A_1058 = arith.constant 0 : i32
      %dma_start3A_1059 = arith.constant 0 : i32
      %dma_start3A_1060 = tpu.memref_slice %arg8[%dma_start3A_1058, %dma_start3A_1059] : memref<66x128xf32, #tpu.memory_space<vmem_shared>> -> memref<66x128xf32, #tpu.memory_space<vmem_shared>>
      tpu.enqueue_indirect_dma source(%dma_start3A_1060 : memref<66x128xf32, #tpu.memory_space<vmem_shared>>) target(%dma_start3A_1054 : memref<128x128xf32, #tpu.memory_space<vmem>>) offsets(%dma_start3A_1057 : memref<128xi32, #tpu.memory_space<vmem>>) semaphore(%arg12 : memref<!tpu.dma_semaphore, #tpu.memory_space<semaphore_mem>>)
      %ge3A_1061 = arith.constant 1 : i32
      %ge3A_1062 = arith.cmpi sge, %add3A_754, %ge3A_1061 : i32
      %convert_element_type3A_1063 = arith.extui %ge3A_1062 : i1 to i32
      %cond3A_1064 = arith.constant 0 : i32
      %cond3A_1065 = arith.cmpi ne, %convert_element_type3A_1063, %cond3A_1064 : i32
      scf.if %cond3A_1065 {
        %dma_wait3A_1692 = arith.constant 1 : i32
        %dma_wait3A_1693 = arith.constant 0 : i32
        %dma_wait3A_1694 = arith.constant 1 : i32
        %dma_wait3A_1695 = arith.constant 0 : i32
        %dma_wait3A_1696 = arith.constant 0 : i32
        %dma_wait3A_1697 = tpu.memref_slice %arg7[%dma_wait3A_1694, %dma_wait3A_1695, %dma_wait3A_1696] : memref<5x128x128xf32, #tpu.memory_space<vmem>> -> memref<1x128x128xf32, #tpu.memory_space<vmem>>
        %dma_wait3A_1698 = tpu.memref_squeeze %dma_wait3A_1697 : memref<1x128x128xf32, #tpu.memory_space<vmem>> -> memref<128x128xf32, #tpu.memory_space<vmem>>
        %dma_wait3A_1699 = arith.constant 0 : i32
        %dma_wait3A_1700 = tpu.memref_slice %arg6[%dma_wait3A_1692, %dma_wait3A_1693, %dma_wait3A_1699] : memref<5x1x128xi32, #tpu.memory_space<vmem>> -> memref<1x1x128xi32, #tpu.memory_space<vmem>>
        %dma_wait3A_1701 = tpu.memref_squeeze %dma_wait3A_1700 : memref<1x1x128xi32, #tpu.memory_space<vmem>> -> memref<128xi32, #tpu.memory_space<vmem>>
        %dma_wait3A_1702 = arith.constant 0 : i32
        %dma_wait3A_1703 = arith.constant 0 : i32
        %dma_wait3A_1704 = tpu.memref_slice %arg8[%dma_wait3A_1702, %dma_wait3A_1703] : memref<66x128xf32, #tpu.memory_space<vmem_shared>> -> memref<66x128xf32, #tpu.memory_space<vmem_shared>>
        tpu.wait_indirect_dma semaphore(%arg11 : memref<!tpu.dma_semaphore, #tpu.memory_space<semaphore_mem>>) src(%dma_wait3A_1704 : memref<66x128xf32, #tpu.memory_space<vmem_shared>>) dst(%dma_wait3A_1698 : memref<128x128xf32, #tpu.memory_space<vmem>>)
        %sub3A_1705 = arith.constant 1 : i32
        %sub3A_1706 = arith.subi %add3A_754, %sub3A_1705 : i32
        %add3A_1707 = arith.addi %mul3A_2, %sub3A_1706 : i32
        %mul3A_1708 = arith.constant 128 : i32
        %mul3A_1709 = arith.muli %add3A_1707, %mul3A_1708 : i32
        %dma_start3A_1710 = arith.constant 1 : i32
        %dma_start3A_1711 = arith.constant 0 : i32
        %dma_start3A_1712 = arith.constant 0 : i32
        %dma_start3A_1713 = tpu.memref_slice %arg7[%dma_start3A_1710, %dma_start3A_1711, %dma_start3A_1712] : memref<5x128x128xf32, #tpu.memory_space<vmem>> -> memref<1x128x128xf32, #tpu.memory_space<vmem>>
        %dma_start3A_1714 = tpu.memref_squeeze %dma_start3A_1713 : memref<1x128x128xf32, #tpu.memory_space<vmem>> -> memref<128x128xf32, #tpu.memory_space<vmem>>
        %dma_start3A_1715 = arith.constant 0 : i32
        %dma_start3A_1716 = tpu.memref_slice %arg4[%mul3A_1709, %dma_start3A_1715] : memref<3276800x128xf32, #tpu.memory_space<hbm>> -> memref<128x128xf32, #tpu.memory_space<hbm>>
        %dma_start3A_1717 = arith.constant 0 : i32
        %dma_start3A_1718 = tpu.memref_slice %arg4[%mul3A_1709, %dma_start3A_1717] : memref<3276800x128xf32, #tpu.memory_space<hbm>> -> memref<128x128xf32, #tpu.memory_space<hbm>>
        %dma_start3A_1719 = arith.constant 0 : i32
        %dma_start3A_1720 = arith.constant 0 : i32
        %dma_start3A_1721 = tpu.memref_slice %arg7[%dma_start3A_1710, %dma_start3A_1719, %dma_start3A_1720] : memref<5x128x128xf32, #tpu.memory_space<vmem>> -> memref<1x128x128xf32, #tpu.memory_space<vmem>>
        %dma_start3A_1722 = tpu.memref_squeeze %dma_start3A_1721 : memref<1x128x128xf32, #tpu.memory_space<vmem>> -> memref<128x128xf32, #tpu.memory_space<vmem>>
        tpu.enqueue_dma source(%dma_start3A_1722 : memref<128x128xf32, #tpu.memory_space<vmem>>) target(%dma_start3A_1718 : memref<128x128xf32, #tpu.memory_space<hbm>>) target_semaphore(%arg16 : memref<!tpu.dma_semaphore, #tpu.memory_space<semaphore_mem>>)
      } else {
      }
      %add3A_1066 = arith.constant 3 : i32
      %add3A_1067 = arith.addi %add3A_136, %add3A_1066 : i32
      %add3A_1068 = arith.addi %mul3A_2, %add3A_1067 : i32
      %mul3A_1069 = arith.constant 128 : i32
      %mul3A_1070 = arith.muli %add3A_1068, %mul3A_1069 : i32
      %dma_wait3A_1071 = arith.constant 384 : i32
      %dma_wait3A_1072 = tpu.memref_slice %arg5[%dma_wait3A_1071] : memref<640xi32, #tpu.memory_space<vmem>> -> memref<128xi32, #tpu.memory_space<vmem>>
      %dma_wait3A_1073 = tpu.memref_slice %arg2[%mul3A_1070] : memref<3276800xi32, #tpu.memory_space<hbm>> -> memref<128xi32, #tpu.memory_space<hbm>>
      %dma_wait3A_1074 = arith.constant 384 : i32
      %dma_wait3A_1075 = tpu.memref_slice %arg5[%dma_wait3A_1074] : memref<640xi32, #tpu.memory_space<vmem>> -> memref<128xi32, #tpu.memory_space<vmem>>
      %dma_wait3A_1076 = tpu.memref_slice %arg2[%mul3A_1070] : memref<3276800xi32, #tpu.memory_space<hbm>> -> memref<128xi32, #tpu.memory_space<hbm>>
      tpu.wait_dma2 semaphore(%arg9 : memref<!tpu.dma_semaphore, #tpu.memory_space<semaphore_mem>>) src(%dma_wait3A_1076 : memref<128xi32, #tpu.memory_space<hbm>>) dst(%dma_wait3A_1075 : memref<128xi32, #tpu.memory_space<vmem>>)
      %add3A_1077 = arith.constant 1 : i32
      %add3A_1078 = arith.addi %add3A_1067, %add3A_1077 : i32
      %lt3A_1079 = arith.constant 800 : i32
      %lt3A_1080 = arith.cmpi slt, %add3A_1078, %lt3A_1079 : i32
      %convert_element_type3A_1081 = arith.extui %lt3A_1080 : i1 to i32
      %cond3A_1082 = arith.constant 0 : i32
      %cond3A_1083 = arith.cmpi ne, %convert_element_type3A_1081, %cond3A_1082 : i32
      scf.if %cond3A_1083 {
        %add3A_1692 = arith.constant 1 : i32
        %add3A_1693 = arith.addi %add3A_1067, %add3A_1692 : i32
        %add3A_1694 = arith.addi %mul3A_2, %add3A_1693 : i32
        %mul3A_1695 = arith.constant 128 : i32
        %mul3A_1696 = arith.muli %add3A_1694, %mul3A_1695 : i32
        %dma_start3A_1697 = arith.constant 512 : i32
        %dma_start3A_1698 = tpu.memref_slice %arg5[%dma_start3A_1697] : memref<640xi32, #tpu.memory_space<vmem>> -> memref<128xi32, #tpu.memory_space<vmem>>
        %dma_start3A_1699 = tpu.memref_slice %arg2[%mul3A_1696] : memref<3276800xi32, #tpu.memory_space<hbm>> -> memref<128xi32, #tpu.memory_space<hbm>>
        %dma_start3A_1700 = arith.constant 512 : i32
        %dma_start3A_1701 = tpu.memref_slice %arg5[%dma_start3A_1700] : memref<640xi32, #tpu.memory_space<vmem>> -> memref<128xi32, #tpu.memory_space<vmem>>
        %dma_start3A_1702 = tpu.memref_slice %arg2[%mul3A_1696] : memref<3276800xi32, #tpu.memory_space<hbm>> -> memref<128xi32, #tpu.memory_space<hbm>>
        tpu.enqueue_dma source(%dma_start3A_1702 : memref<128xi32, #tpu.memory_space<hbm>>) target(%dma_start3A_1701 : memref<128xi32, #tpu.memory_space<vmem>>) target_semaphore(%arg9 : memref<!tpu.dma_semaphore, #tpu.memory_space<semaphore_mem>>)
      } else {
      }
      %get3A_1084 = arith.constant 384 : index
      %get3A_1085 = tpu.vector_load %arg5[%get3A_1084] {strides = array<i32>} : memref<640xi32, #tpu.memory_space<vmem>>, vector<16xi32>,
      %get3A_1086 = vector.shape_cast %get3A_1085 : vector<16xi32> to vector<16xi32>
      %and3A_1087 = arith.constant 4095 : i32
      %and3A_1088 = vector.broadcast %and3A_1087 : i32 to vector<16xi32>
      %and3A_1089 = arith.andi %get3A_1086, %and3A_1088 : vector<16xi32>
      %shift_right_arithmetic3A_1090 = arith.constant 12 : i32
      %shift_right_arithmetic3A_1091 = vector.broadcast %shift_right_arithmetic3A_1090 : i32 to vector<16xi32>
      %shift_right_arithmetic3A_1092 = arith.shrsi %get3A_1086, %shift_right_arithmetic3A_1091 : vector<16xi32>
      %add3A_1093 = arith.constant 32 : i32
      %add3A_1094 = vector.broadcast %add3A_1093 : i32 to vector<16xi32>
      %add3A_1095 = arith.addi %and3A_1089, %add3A_1094 : vector<16xi32>
      %jit3A_1096 = arith.constant 0 : i32
      %jit3A_1097 = arith.constant 64 : i32
      %max3A_1098 = vector.broadcast %jit3A_1096 : i32 to vector<16xi32>
      %max3A_1099 = arith.maxsi %max3A_1098, %add3A_1095 : vector<16xi32>
      %min3A_1100 = vector.broadcast %jit3A_1097 : i32 to vector<16xi32>
      %min3A_1101 = arith.minsi %min3A_1100, %max3A_1099 : vector<16xi32>
      %mul3A_1102 = arith.muli %min3A_1101, %shift_right_arithmetic3A_1092 : vector<16xi32>
      %sub3A_1103 = arith.constant 1 : i32
      %sub3A_1104 = vector.broadcast %sub3A_1103 : i32 to vector<16xi32>
      %sub3A_1105 = arith.subi %sub3A_1104, %shift_right_arithmetic3A_1092 : vector<16xi32>
      %mul3A_1106 = arith.constant 65 : i32
      %mul3A_1107 = vector.broadcast %mul3A_1106 : i32 to vector<16xi32>
      %mul3A_1108 = arith.muli %sub3A_1105, %mul3A_1107 : vector<16xi32>
      %add3A_1109 = arith.addi %mul3A_1102, %mul3A_1108 : vector<16xi32>
      %swap3A_1110 = arith.constant 3 : i32
      %swap3A_1111 = arith.constant 0 : i32
      %swap3A_1112 = arith.index_cast %swap3A_1110 : i32 to index
      %swap3A_1113 = arith.index_cast %swap3A_1111 : i32 to index
      %swap3A_1114 = arith.constant 0 : index
      %swap3A_1115 = tpu.vector_load %arg6[%swap3A_1112, %swap3A_1113, %swap3A_1114] {strides = array<i32>} : memref<5x1x128xi32, #tpu.memory_space<vmem>>, vector<1x1x16xi32>,
      %swap3A_1116 = vector.shape_cast %swap3A_1115 : vector<1x1x16xi32> to vector<16xi32>
      %swap3A_1117 = vector.shape_cast %add3A_1109 : vector<16xi32> to vector<1x1x16xi32>
      tpu.vector_store %arg6[%swap3A_1112, %swap3A_1113, %swap3A_1114], %swap3A_1117 {strides = array<i32>} : memref<5x1x128xi32, #tpu.memory_space<vmem>>, vector<1x1x16xi32>,
      %get3A_1118 = arith.constant 400 : index
      %get3A_1119 = tpu.vector_load %arg5[%get3A_1118] {strides = array<i32>} : memref<640xi32, #tpu.memory_space<vmem>>, vector<16xi32>,
      %get3A_1120 = vector.shape_cast %get3A_1119 : vector<16xi32> to vector<16xi32>
      %and3A_1121 = arith.constant 4095 : i32
      %and3A_1122 = vector.broadcast %and3A_1121 : i32 to vector<16xi32>
      %and3A_1123 = arith.andi %get3A_1120, %and3A_1122 : vector<16xi32>
      %shift_right_arithmetic3A_1124 = arith.constant 12 : i32
      %shift_right_arithmetic3A_1125 = vector.broadcast %shift_right_arithmetic3A_1124 : i32 to vector<16xi32>
      %shift_right_arithmetic3A_1126 = arith.shrsi %get3A_1120, %shift_right_arithmetic3A_1125 : vector<16xi32>
      %add3A_1127 = arith.constant 32 : i32
      %add3A_1128 = vector.broadcast %add3A_1127 : i32 to vector<16xi32>
      %add3A_1129 = arith.addi %and3A_1123, %add3A_1128 : vector<16xi32>
      %jit3A_1130 = arith.constant 0 : i32
      %jit3A_1131 = arith.constant 64 : i32
      %max3A_1132 = vector.broadcast %jit3A_1130 : i32 to vector<16xi32>
      %max3A_1133 = arith.maxsi %max3A_1132, %add3A_1129 : vector<16xi32>
      %min3A_1134 = vector.broadcast %jit3A_1131 : i32 to vector<16xi32>
      %min3A_1135 = arith.minsi %min3A_1134, %max3A_1133 : vector<16xi32>
      %mul3A_1136 = arith.muli %min3A_1135, %shift_right_arithmetic3A_1126 : vector<16xi32>
      %sub3A_1137 = arith.constant 1 : i32
      %sub3A_1138 = vector.broadcast %sub3A_1137 : i32 to vector<16xi32>
      %sub3A_1139 = arith.subi %sub3A_1138, %shift_right_arithmetic3A_1126 : vector<16xi32>
      %mul3A_1140 = arith.constant 65 : i32
      %mul3A_1141 = vector.broadcast %mul3A_1140 : i32 to vector<16xi32>
      %mul3A_1142 = arith.muli %sub3A_1139, %mul3A_1141 : vector<16xi32>
      %add3A_1143 = arith.addi %mul3A_1136, %mul3A_1142 : vector<16xi32>
      %swap3A_1144 = arith.constant 3 : i32
      %swap3A_1145 = arith.constant 0 : i32
      %swap3A_1146 = arith.index_cast %swap3A_1144 : i32 to index
      %swap3A_1147 = arith.index_cast %swap3A_1145 : i32 to index
      %swap3A_1148 = arith.constant 16 : index
      %swap3A_1149 = tpu.vector_load %arg6[%swap3A_1146, %swap3A_1147, %swap3A_1148] {strides = array<i32>} : memref<5x1x128xi32, #tpu.memory_space<vmem>>, vector<1x1x16xi32>,
      %swap3A_1150 = vector.shape_cast %swap3A_1149 : vector<1x1x16xi32> to vector<16xi32>
      %swap3A_1151 = vector.shape_cast %add3A_1143 : vector<16xi32> to vector<1x1x16xi32>
      tpu.vector_store %arg6[%swap3A_1146, %swap3A_1147, %swap3A_1148], %swap3A_1151 {strides = array<i32>} : memref<5x1x128xi32, #tpu.memory_space<vmem>>, vector<1x1x16xi32>,
      %get3A_1152 = arith.constant 416 : index
      %get3A_1153 = tpu.vector_load %arg5[%get3A_1152] {strides = array<i32>} : memref<640xi32, #tpu.memory_space<vmem>>, vector<16xi32>,
      %get3A_1154 = vector.shape_cast %get3A_1153 : vector<16xi32> to vector<16xi32>
      %and3A_1155 = arith.constant 4095 : i32
      %and3A_1156 = vector.broadcast %and3A_1155 : i32 to vector<16xi32>
      %and3A_1157 = arith.andi %get3A_1154, %and3A_1156 : vector<16xi32>
      %shift_right_arithmetic3A_1158 = arith.constant 12 : i32
      %shift_right_arithmetic3A_1159 = vector.broadcast %shift_right_arithmetic3A_1158 : i32 to vector<16xi32>
      %shift_right_arithmetic3A_1160 = arith.shrsi %get3A_1154, %shift_right_arithmetic3A_1159 : vector<16xi32>
      %add3A_1161 = arith.constant 32 : i32
      %add3A_1162 = vector.broadcast %add3A_1161 : i32 to vector<16xi32>
      %add3A_1163 = arith.addi %and3A_1157, %add3A_1162 : vector<16xi32>
      %jit3A_1164 = arith.constant 0 : i32
      %jit3A_1165 = arith.constant 64 : i32
      %max3A_1166 = vector.broadcast %jit3A_1164 : i32 to vector<16xi32>
      %max3A_1167 = arith.maxsi %max3A_1166, %add3A_1163 : vector<16xi32>
      %min3A_1168 = vector.broadcast %jit3A_1165 : i32 to vector<16xi32>
      %min3A_1169 = arith.minsi %min3A_1168, %max3A_1167 : vector<16xi32>
      %mul3A_1170 = arith.muli %min3A_1169, %shift_right_arithmetic3A_1160 : vector<16xi32>
      %sub3A_1171 = arith.constant 1 : i32
      %sub3A_1172 = vector.broadcast %sub3A_1171 : i32 to vector<16xi32>
      %sub3A_1173 = arith.subi %sub3A_1172, %shift_right_arithmetic3A_1160 : vector<16xi32>
      %mul3A_1174 = arith.constant 65 : i32
      %mul3A_1175 = vector.broadcast %mul3A_1174 : i32 to vector<16xi32>
      %mul3A_1176 = arith.muli %sub3A_1173, %mul3A_1175 : vector<16xi32>
      %add3A_1177 = arith.addi %mul3A_1170, %mul3A_1176 : vector<16xi32>
      %swap3A_1178 = arith.constant 3 : i32
      %swap3A_1179 = arith.constant 0 : i32
      %swap3A_1180 = arith.index_cast %swap3A_1178 : i32 to index
      %swap3A_1181 = arith.index_cast %swap3A_1179 : i32 to index
      %swap3A_1182 = arith.constant 32 : index
      %swap3A_1183 = tpu.vector_load %arg6[%swap3A_1180, %swap3A_1181, %swap3A_1182] {strides = array<i32>} : memref<5x1x128xi32, #tpu.memory_space<vmem>>, vector<1x1x16xi32>,
      %swap3A_1184 = vector.shape_cast %swap3A_1183 : vector<1x1x16xi32> to vector<16xi32>
      %swap3A_1185 = vector.shape_cast %add3A_1177 : vector<16xi32> to vector<1x1x16xi32>
      tpu.vector_store %arg6[%swap3A_1180, %swap3A_1181, %swap3A_1182], %swap3A_1185 {strides = array<i32>} : memref<5x1x128xi32, #tpu.memory_space<vmem>>, vector<1x1x16xi32>,
      %get3A_1186 = arith.constant 432 : index
      %get3A_1187 = tpu.vector_load %arg5[%get3A_1186] {strides = array<i32>} : memref<640xi32, #tpu.memory_space<vmem>>, vector<16xi32>,
      %get3A_1188 = vector.shape_cast %get3A_1187 : vector<16xi32> to vector<16xi32>
      %and3A_1189 = arith.constant 4095 : i32
      %and3A_1190 = vector.broadcast %and3A_1189 : i32 to vector<16xi32>
      %and3A_1191 = arith.andi %get3A_1188, %and3A_1190 : vector<16xi32>
      %shift_right_arithmetic3A_1192 = arith.constant 12 : i32
      %shift_right_arithmetic3A_1193 = vector.broadcast %shift_right_arithmetic3A_1192 : i32 to vector<16xi32>
      %shift_right_arithmetic3A_1194 = arith.shrsi %get3A_1188, %shift_right_arithmetic3A_1193 : vector<16xi32>
      %add3A_1195 = arith.constant 32 : i32
      %add3A_1196 = vector.broadcast %add3A_1195 : i32 to vector<16xi32>
      %add3A_1197 = arith.addi %and3A_1191, %add3A_1196 : vector<16xi32>
      %jit3A_1198 = arith.constant 0 : i32
      %jit3A_1199 = arith.constant 64 : i32
      %max3A_1200 = vector.broadcast %jit3A_1198 : i32 to vector<16xi32>
      %max3A_1201 = arith.maxsi %max3A_1200, %add3A_1197 : vector<16xi32>
      %min3A_1202 = vector.broadcast %jit3A_1199 : i32 to vector<16xi32>
      %min3A_1203 = arith.minsi %min3A_1202, %max3A_1201 : vector<16xi32>
      %mul3A_1204 = arith.muli %min3A_1203, %shift_right_arithmetic3A_1194 : vector<16xi32>
      %sub3A_1205 = arith.constant 1 : i32
      %sub3A_1206 = vector.broadcast %sub3A_1205 : i32 to vector<16xi32>
      %sub3A_1207 = arith.subi %sub3A_1206, %shift_right_arithmetic3A_1194 : vector<16xi32>
      %mul3A_1208 = arith.constant 65 : i32
      %mul3A_1209 = vector.broadcast %mul3A_1208 : i32 to vector<16xi32>
      %mul3A_1210 = arith.muli %sub3A_1207, %mul3A_1209 : vector<16xi32>
      %add3A_1211 = arith.addi %mul3A_1204, %mul3A_1210 : vector<16xi32>
      %swap3A_1212 = arith.constant 3 : i32
      %swap3A_1213 = arith.constant 0 : i32
      %swap3A_1214 = arith.index_cast %swap3A_1212 : i32 to index
      %swap3A_1215 = arith.index_cast %swap3A_1213 : i32 to index
      %swap3A_1216 = arith.constant 48 : index
      %swap3A_1217 = tpu.vector_load %arg6[%swap3A_1214, %swap3A_1215, %swap3A_1216] {strides = array<i32>} : memref<5x1x128xi32, #tpu.memory_space<vmem>>, vector<1x1x16xi32>,
      %swap3A_1218 = vector.shape_cast %swap3A_1217 : vector<1x1x16xi32> to vector<16xi32>
      %swap3A_1219 = vector.shape_cast %add3A_1211 : vector<16xi32> to vector<1x1x16xi32>
      tpu.vector_store %arg6[%swap3A_1214, %swap3A_1215, %swap3A_1216], %swap3A_1219 {strides = array<i32>} : memref<5x1x128xi32, #tpu.memory_space<vmem>>, vector<1x1x16xi32>,
      %get3A_1220 = arith.constant 448 : index
      %get3A_1221 = tpu.vector_load %arg5[%get3A_1220] {strides = array<i32>} : memref<640xi32, #tpu.memory_space<vmem>>, vector<16xi32>,
      %get3A_1222 = vector.shape_cast %get3A_1221 : vector<16xi32> to vector<16xi32>
      %and3A_1223 = arith.constant 4095 : i32
      %and3A_1224 = vector.broadcast %and3A_1223 : i32 to vector<16xi32>
      %and3A_1225 = arith.andi %get3A_1222, %and3A_1224 : vector<16xi32>
      %shift_right_arithmetic3A_1226 = arith.constant 12 : i32
      %shift_right_arithmetic3A_1227 = vector.broadcast %shift_right_arithmetic3A_1226 : i32 to vector<16xi32>
      %shift_right_arithmetic3A_1228 = arith.shrsi %get3A_1222, %shift_right_arithmetic3A_1227 : vector<16xi32>
      %add3A_1229 = arith.constant 32 : i32
      %add3A_1230 = vector.broadcast %add3A_1229 : i32 to vector<16xi32>
      %add3A_1231 = arith.addi %and3A_1225, %add3A_1230 : vector<16xi32>
      %jit3A_1232 = arith.constant 0 : i32
      %jit3A_1233 = arith.constant 64 : i32
      %max3A_1234 = vector.broadcast %jit3A_1232 : i32 to vector<16xi32>
      %max3A_1235 = arith.maxsi %max3A_1234, %add3A_1231 : vector<16xi32>
      %min3A_1236 = vector.broadcast %jit3A_1233 : i32 to vector<16xi32>
      %min3A_1237 = arith.minsi %min3A_1236, %max3A_1235 : vector<16xi32>
      %mul3A_1238 = arith.muli %min3A_1237, %shift_right_arithmetic3A_1228 : vector<16xi32>
      %sub3A_1239 = arith.constant 1 : i32
      %sub3A_1240 = vector.broadcast %sub3A_1239 : i32 to vector<16xi32>
      %sub3A_1241 = arith.subi %sub3A_1240, %shift_right_arithmetic3A_1228 : vector<16xi32>
      %mul3A_1242 = arith.constant 65 : i32
      %mul3A_1243 = vector.broadcast %mul3A_1242 : i32 to vector<16xi32>
      %mul3A_1244 = arith.muli %sub3A_1241, %mul3A_1243 : vector<16xi32>
      %add3A_1245 = arith.addi %mul3A_1238, %mul3A_1244 : vector<16xi32>
      %swap3A_1246 = arith.constant 3 : i32
      %swap3A_1247 = arith.constant 0 : i32
      %swap3A_1248 = arith.index_cast %swap3A_1246 : i32 to index
      %swap3A_1249 = arith.index_cast %swap3A_1247 : i32 to index
      %swap3A_1250 = arith.constant 64 : index
      %swap3A_1251 = tpu.vector_load %arg6[%swap3A_1248, %swap3A_1249, %swap3A_1250] {strides = array<i32>} : memref<5x1x128xi32, #tpu.memory_space<vmem>>, vector<1x1x16xi32>,
      %swap3A_1252 = vector.shape_cast %swap3A_1251 : vector<1x1x16xi32> to vector<16xi32>
      %swap3A_1253 = vector.shape_cast %add3A_1245 : vector<16xi32> to vector<1x1x16xi32>
      tpu.vector_store %arg6[%swap3A_1248, %swap3A_1249, %swap3A_1250], %swap3A_1253 {strides = array<i32>} : memref<5x1x128xi32, #tpu.memory_space<vmem>>, vector<1x1x16xi32>,
      %get3A_1254 = arith.constant 464 : index
      %get3A_1255 = tpu.vector_load %arg5[%get3A_1254] {strides = array<i32>} : memref<640xi32, #tpu.memory_space<vmem>>, vector<16xi32>,
      %get3A_1256 = vector.shape_cast %get3A_1255 : vector<16xi32> to vector<16xi32>
      %and3A_1257 = arith.constant 4095 : i32
      %and3A_1258 = vector.broadcast %and3A_1257 : i32 to vector<16xi32>
      %and3A_1259 = arith.andi %get3A_1256, %and3A_1258 : vector<16xi32>
      %shift_right_arithmetic3A_1260 = arith.constant 12 : i32
      %shift_right_arithmetic3A_1261 = vector.broadcast %shift_right_arithmetic3A_1260 : i32 to vector<16xi32>
      %shift_right_arithmetic3A_1262 = arith.shrsi %get3A_1256, %shift_right_arithmetic3A_1261 : vector<16xi32>
      %add3A_1263 = arith.constant 32 : i32
      %add3A_1264 = vector.broadcast %add3A_1263 : i32 to vector<16xi32>
      %add3A_1265 = arith.addi %and3A_1259, %add3A_1264 : vector<16xi32>
      %jit3A_1266 = arith.constant 0 : i32
      %jit3A_1267 = arith.constant 64 : i32
      %max3A_1268 = vector.broadcast %jit3A_1266 : i32 to vector<16xi32>
      %max3A_1269 = arith.maxsi %max3A_1268, %add3A_1265 : vector<16xi32>
      %min3A_1270 = vector.broadcast %jit3A_1267 : i32 to vector<16xi32>
      %min3A_1271 = arith.minsi %min3A_1270, %max3A_1269 : vector<16xi32>
      %mul3A_1272 = arith.muli %min3A_1271, %shift_right_arithmetic3A_1262 : vector<16xi32>
      %sub3A_1273 = arith.constant 1 : i32
      %sub3A_1274 = vector.broadcast %sub3A_1273 : i32 to vector<16xi32>
      %sub3A_1275 = arith.subi %sub3A_1274, %shift_right_arithmetic3A_1262 : vector<16xi32>
      %mul3A_1276 = arith.constant 65 : i32
      %mul3A_1277 = vector.broadcast %mul3A_1276 : i32 to vector<16xi32>
      %mul3A_1278 = arith.muli %sub3A_1275, %mul3A_1277 : vector<16xi32>
      %add3A_1279 = arith.addi %mul3A_1272, %mul3A_1278 : vector<16xi32>
      %swap3A_1280 = arith.constant 3 : i32
      %swap3A_1281 = arith.constant 0 : i32
      %swap3A_1282 = arith.index_cast %swap3A_1280 : i32 to index
      %swap3A_1283 = arith.index_cast %swap3A_1281 : i32 to index
      %swap3A_1284 = arith.constant 80 : index
      %swap3A_1285 = tpu.vector_load %arg6[%swap3A_1282, %swap3A_1283, %swap3A_1284] {strides = array<i32>} : memref<5x1x128xi32, #tpu.memory_space<vmem>>, vector<1x1x16xi32>,
      %swap3A_1286 = vector.shape_cast %swap3A_1285 : vector<1x1x16xi32> to vector<16xi32>
      %swap3A_1287 = vector.shape_cast %add3A_1279 : vector<16xi32> to vector<1x1x16xi32>
      tpu.vector_store %arg6[%swap3A_1282, %swap3A_1283, %swap3A_1284], %swap3A_1287 {strides = array<i32>} : memref<5x1x128xi32, #tpu.memory_space<vmem>>, vector<1x1x16xi32>,
      %get3A_1288 = arith.constant 480 : index
      %get3A_1289 = tpu.vector_load %arg5[%get3A_1288] {strides = array<i32>} : memref<640xi32, #tpu.memory_space<vmem>>, vector<16xi32>,
      %get3A_1290 = vector.shape_cast %get3A_1289 : vector<16xi32> to vector<16xi32>
      %and3A_1291 = arith.constant 4095 : i32
      %and3A_1292 = vector.broadcast %and3A_1291 : i32 to vector<16xi32>
      %and3A_1293 = arith.andi %get3A_1290, %and3A_1292 : vector<16xi32>
      %shift_right_arithmetic3A_1294 = arith.constant 12 : i32
      %shift_right_arithmetic3A_1295 = vector.broadcast %shift_right_arithmetic3A_1294 : i32 to vector<16xi32>
      %shift_right_arithmetic3A_1296 = arith.shrsi %get3A_1290, %shift_right_arithmetic3A_1295 : vector<16xi32>
      %add3A_1297 = arith.constant 32 : i32
      %add3A_1298 = vector.broadcast %add3A_1297 : i32 to vector<16xi32>
      %add3A_1299 = arith.addi %and3A_1293, %add3A_1298 : vector<16xi32>
      %jit3A_1300 = arith.constant 0 : i32
      %jit3A_1301 = arith.constant 64 : i32
      %max3A_1302 = vector.broadcast %jit3A_1300 : i32 to vector<16xi32>
      %max3A_1303 = arith.maxsi %max3A_1302, %add3A_1299 : vector<16xi32>
      %min3A_1304 = vector.broadcast %jit3A_1301 : i32 to vector<16xi32>
      %min3A_1305 = arith.minsi %min3A_1304, %max3A_1303 : vector<16xi32>
      %mul3A_1306 = arith.muli %min3A_1305, %shift_right_arithmetic3A_1296 : vector<16xi32>
      %sub3A_1307 = arith.constant 1 : i32
      %sub3A_1308 = vector.broadcast %sub3A_1307 : i32 to vector<16xi32>
      %sub3A_1309 = arith.subi %sub3A_1308, %shift_right_arithmetic3A_1296 : vector<16xi32>
      %mul3A_1310 = arith.constant 65 : i32
      %mul3A_1311 = vector.broadcast %mul3A_1310 : i32 to vector<16xi32>
      %mul3A_1312 = arith.muli %sub3A_1309, %mul3A_1311 : vector<16xi32>
      %add3A_1313 = arith.addi %mul3A_1306, %mul3A_1312 : vector<16xi32>
      %swap3A_1314 = arith.constant 3 : i32
      %swap3A_1315 = arith.constant 0 : i32
      %swap3A_1316 = arith.index_cast %swap3A_1314 : i32 to index
      %swap3A_1317 = arith.index_cast %swap3A_1315 : i32 to index
      %swap3A_1318 = arith.constant 96 : index
      %swap3A_1319 = tpu.vector_load %arg6[%swap3A_1316, %swap3A_1317, %swap3A_1318] {strides = array<i32>} : memref<5x1x128xi32, #tpu.memory_space<vmem>>, vector<1x1x16xi32>,
      %swap3A_1320 = vector.shape_cast %swap3A_1319 : vector<1x1x16xi32> to vector<16xi32>
      %swap3A_1321 = vector.shape_cast %add3A_1313 : vector<16xi32> to vector<1x1x16xi32>
      tpu.vector_store %arg6[%swap3A_1316, %swap3A_1317, %swap3A_1318], %swap3A_1321 {strides = array<i32>} : memref<5x1x128xi32, #tpu.memory_space<vmem>>, vector<1x1x16xi32>,
      %get3A_1322 = arith.constant 496 : index
      %get3A_1323 = tpu.vector_load %arg5[%get3A_1322] {strides = array<i32>} : memref<640xi32, #tpu.memory_space<vmem>>, vector<16xi32>,
      %get3A_1324 = vector.shape_cast %get3A_1323 : vector<16xi32> to vector<16xi32>
      %and3A_1325 = arith.constant 4095 : i32
      %and3A_1326 = vector.broadcast %and3A_1325 : i32 to vector<16xi32>
      %and3A_1327 = arith.andi %get3A_1324, %and3A_1326 : vector<16xi32>
      %shift_right_arithmetic3A_1328 = arith.constant 12 : i32
      %shift_right_arithmetic3A_1329 = vector.broadcast %shift_right_arithmetic3A_1328 : i32 to vector<16xi32>
      %shift_right_arithmetic3A_1330 = arith.shrsi %get3A_1324, %shift_right_arithmetic3A_1329 : vector<16xi32>
      %add3A_1331 = arith.constant 32 : i32
      %add3A_1332 = vector.broadcast %add3A_1331 : i32 to vector<16xi32>
      %add3A_1333 = arith.addi %and3A_1327, %add3A_1332 : vector<16xi32>
      %jit3A_1334 = arith.constant 0 : i32
      %jit3A_1335 = arith.constant 64 : i32
      %max3A_1336 = vector.broadcast %jit3A_1334 : i32 to vector<16xi32>
      %max3A_1337 = arith.maxsi %max3A_1336, %add3A_1333 : vector<16xi32>
      %min3A_1338 = vector.broadcast %jit3A_1335 : i32 to vector<16xi32>
      %min3A_1339 = arith.minsi %min3A_1338, %max3A_1337 : vector<16xi32>
      %mul3A_1340 = arith.muli %min3A_1339, %shift_right_arithmetic3A_1330 : vector<16xi32>
      %sub3A_1341 = arith.constant 1 : i32
      %sub3A_1342 = vector.broadcast %sub3A_1341 : i32 to vector<16xi32>
      %sub3A_1343 = arith.subi %sub3A_1342, %shift_right_arithmetic3A_1330 : vector<16xi32>
      %mul3A_1344 = arith.constant 65 : i32
      %mul3A_1345 = vector.broadcast %mul3A_1344 : i32 to vector<16xi32>
      %mul3A_1346 = arith.muli %sub3A_1343, %mul3A_1345 : vector<16xi32>
      %add3A_1347 = arith.addi %mul3A_1340, %mul3A_1346 : vector<16xi32>
      %swap3A_1348 = arith.constant 3 : i32
      %swap3A_1349 = arith.constant 0 : i32
      %swap3A_1350 = arith.index_cast %swap3A_1348 : i32 to index
      %swap3A_1351 = arith.index_cast %swap3A_1349 : i32 to index
      %swap3A_1352 = arith.constant 112 : index
      %swap3A_1353 = tpu.vector_load %arg6[%swap3A_1350, %swap3A_1351, %swap3A_1352] {strides = array<i32>} : memref<5x1x128xi32, #tpu.memory_space<vmem>>, vector<1x1x16xi32>,
      %swap3A_1354 = vector.shape_cast %swap3A_1353 : vector<1x1x16xi32> to vector<16xi32>
      %swap3A_1355 = vector.shape_cast %add3A_1347 : vector<16xi32> to vector<1x1x16xi32>
      tpu.vector_store %arg6[%swap3A_1350, %swap3A_1351, %swap3A_1352], %swap3A_1355 {strides = array<i32>} : memref<5x1x128xi32, #tpu.memory_space<vmem>>, vector<1x1x16xi32>,
      %ge3A_1356 = arith.constant 5 : i32
      %ge3A_1357 = arith.cmpi sge, %add3A_1067, %ge3A_1356 : i32
      %convert_element_type3A_1358 = arith.extui %ge3A_1357 : i1 to i32
      %cond3A_1359 = arith.constant 0 : i32
      %cond3A_1360 = arith.cmpi ne, %convert_element_type3A_1358, %cond3A_1359 : i32
      scf.if %cond3A_1360 {
        %sub3A_1692 = arith.constant 5 : i32
        %sub3A_1693 = arith.subi %add3A_1067, %sub3A_1692 : i32
        %add3A_1694 = arith.addi %mul3A_2, %sub3A_1693 : i32
        %mul3A_1695 = arith.constant 128 : i32
        %mul3A_1696 = arith.muli %add3A_1694, %mul3A_1695 : i32
        %dma_wait3A_1697 = arith.constant 3 : i32
        %dma_wait3A_1698 = arith.constant 0 : i32
        %dma_wait3A_1699 = arith.constant 0 : i32
        %dma_wait3A_1700 = tpu.memref_slice %arg7[%dma_wait3A_1697, %dma_wait3A_1698, %dma_wait3A_1699] : memref<5x128x128xf32, #tpu.memory_space<vmem>> -> memref<1x128x128xf32, #tpu.memory_space<vmem>>
        %dma_wait3A_1701 = tpu.memref_squeeze %dma_wait3A_1700 : memref<1x128x128xf32, #tpu.memory_space<vmem>> -> memref<128x128xf32, #tpu.memory_space<vmem>>
        %dma_wait3A_1702 = arith.constant 0 : i32
        %dma_wait3A_1703 = tpu.memref_slice %arg4[%mul3A_1696, %dma_wait3A_1702] : memref<3276800x128xf32, #tpu.memory_space<hbm>> -> memref<128x128xf32, #tpu.memory_space<hbm>>
        %dma_wait3A_1704 = arith.constant 0 : i32
        %dma_wait3A_1705 = tpu.memref_slice %arg4[%mul3A_1696, %dma_wait3A_1704] : memref<3276800x128xf32, #tpu.memory_space<hbm>> -> memref<128x128xf32, #tpu.memory_space<hbm>>
        %dma_wait3A_1706 = arith.constant 0 : i32
        %dma_wait3A_1707 = arith.constant 0 : i32
        %dma_wait3A_1708 = tpu.memref_slice %arg7[%dma_wait3A_1697, %dma_wait3A_1706, %dma_wait3A_1707] : memref<5x128x128xf32, #tpu.memory_space<vmem>> -> memref<1x128x128xf32, #tpu.memory_space<vmem>>
        %dma_wait3A_1709 = tpu.memref_squeeze %dma_wait3A_1708 : memref<1x128x128xf32, #tpu.memory_space<vmem>> -> memref<128x128xf32, #tpu.memory_space<vmem>>
        tpu.wait_dma2 semaphore(%arg18 : memref<!tpu.dma_semaphore, #tpu.memory_space<semaphore_mem>>) src(%dma_wait3A_1709 : memref<128x128xf32, #tpu.memory_space<vmem>>) dst(%dma_wait3A_1705 : memref<128x128xf32, #tpu.memory_space<hbm>>)
      } else {
      }
      %dma_start3A_1361 = arith.constant 3 : i32
      %dma_start3A_1362 = arith.constant 0 : i32
      %dma_start3A_1363 = arith.constant 3 : i32
      %dma_start3A_1364 = arith.constant 0 : i32
      %dma_start3A_1365 = arith.constant 0 : i32
      %dma_start3A_1366 = tpu.memref_slice %arg7[%dma_start3A_1363, %dma_start3A_1364, %dma_start3A_1365] : memref<5x128x128xf32, #tpu.memory_space<vmem>> -> memref<1x128x128xf32, #tpu.memory_space<vmem>>
      %dma_start3A_1367 = tpu.memref_squeeze %dma_start3A_1366 : memref<1x128x128xf32, #tpu.memory_space<vmem>> -> memref<128x128xf32, #tpu.memory_space<vmem>>
      %dma_start3A_1368 = arith.constant 0 : i32
      %dma_start3A_1369 = tpu.memref_slice %arg6[%dma_start3A_1361, %dma_start3A_1362, %dma_start3A_1368] : memref<5x1x128xi32, #tpu.memory_space<vmem>> -> memref<1x1x128xi32, #tpu.memory_space<vmem>>
      %dma_start3A_1370 = tpu.memref_squeeze %dma_start3A_1369 : memref<1x1x128xi32, #tpu.memory_space<vmem>> -> memref<128xi32, #tpu.memory_space<vmem>>
      %dma_start3A_1371 = arith.constant 0 : i32
      %dma_start3A_1372 = arith.constant 0 : i32
      %dma_start3A_1373 = tpu.memref_slice %arg8[%dma_start3A_1371, %dma_start3A_1372] : memref<66x128xf32, #tpu.memory_space<vmem_shared>> -> memref<66x128xf32, #tpu.memory_space<vmem_shared>>
      tpu.enqueue_indirect_dma source(%dma_start3A_1373 : memref<66x128xf32, #tpu.memory_space<vmem_shared>>) target(%dma_start3A_1367 : memref<128x128xf32, #tpu.memory_space<vmem>>) offsets(%dma_start3A_1370 : memref<128xi32, #tpu.memory_space<vmem>>) semaphore(%arg13 : memref<!tpu.dma_semaphore, #tpu.memory_space<semaphore_mem>>)
      %ge3A_1374 = arith.constant 1 : i32
      %ge3A_1375 = arith.cmpi sge, %add3A_1067, %ge3A_1374 : i32
      %convert_element_type3A_1376 = arith.extui %ge3A_1375 : i1 to i32
      %cond3A_1377 = arith.constant 0 : i32
      %cond3A_1378 = arith.cmpi ne, %convert_element_type3A_1376, %cond3A_1377 : i32
      scf.if %cond3A_1378 {
        %dma_wait3A_1692 = arith.constant 2 : i32
        %dma_wait3A_1693 = arith.constant 0 : i32
        %dma_wait3A_1694 = arith.constant 2 : i32
        %dma_wait3A_1695 = arith.constant 0 : i32
        %dma_wait3A_1696 = arith.constant 0 : i32
        %dma_wait3A_1697 = tpu.memref_slice %arg7[%dma_wait3A_1694, %dma_wait3A_1695, %dma_wait3A_1696] : memref<5x128x128xf32, #tpu.memory_space<vmem>> -> memref<1x128x128xf32, #tpu.memory_space<vmem>>
        %dma_wait3A_1698 = tpu.memref_squeeze %dma_wait3A_1697 : memref<1x128x128xf32, #tpu.memory_space<vmem>> -> memref<128x128xf32, #tpu.memory_space<vmem>>
        %dma_wait3A_1699 = arith.constant 0 : i32
        %dma_wait3A_1700 = tpu.memref_slice %arg6[%dma_wait3A_1692, %dma_wait3A_1693, %dma_wait3A_1699] : memref<5x1x128xi32, #tpu.memory_space<vmem>> -> memref<1x1x128xi32, #tpu.memory_space<vmem>>
        %dma_wait3A_1701 = tpu.memref_squeeze %dma_wait3A_1700 : memref<1x1x128xi32, #tpu.memory_space<vmem>> -> memref<128xi32, #tpu.memory_space<vmem>>
        %dma_wait3A_1702 = arith.constant 0 : i32
        %dma_wait3A_1703 = arith.constant 0 : i32
        %dma_wait3A_1704 = tpu.memref_slice %arg8[%dma_wait3A_1702, %dma_wait3A_1703] : memref<66x128xf32, #tpu.memory_space<vmem_shared>> -> memref<66x128xf32, #tpu.memory_space<vmem_shared>>
        tpu.wait_indirect_dma semaphore(%arg12 : memref<!tpu.dma_semaphore, #tpu.memory_space<semaphore_mem>>) src(%dma_wait3A_1704 : memref<66x128xf32, #tpu.memory_space<vmem_shared>>) dst(%dma_wait3A_1698 : memref<128x128xf32, #tpu.memory_space<vmem>>)
        %sub3A_1705 = arith.constant 1 : i32
        %sub3A_1706 = arith.subi %add3A_1067, %sub3A_1705 : i32
        %add3A_1707 = arith.addi %mul3A_2, %sub3A_1706 : i32
        %mul3A_1708 = arith.constant 128 : i32
        %mul3A_1709 = arith.muli %add3A_1707, %mul3A_1708 : i32
        %dma_start3A_1710 = arith.constant 2 : i32
        %dma_start3A_1711 = arith.constant 0 : i32
        %dma_start3A_1712 = arith.constant 0 : i32
        %dma_start3A_1713 = tpu.memref_slice %arg7[%dma_start3A_1710, %dma_start3A_1711, %dma_start3A_1712] : memref<5x128x128xf32, #tpu.memory_space<vmem>> -> memref<1x128x128xf32, #tpu.memory_space<vmem>>
        %dma_start3A_1714 = tpu.memref_squeeze %dma_start3A_1713 : memref<1x128x128xf32, #tpu.memory_space<vmem>> -> memref<128x128xf32, #tpu.memory_space<vmem>>
        %dma_start3A_1715 = arith.constant 0 : i32
        %dma_start3A_1716 = tpu.memref_slice %arg4[%mul3A_1709, %dma_start3A_1715] : memref<3276800x128xf32, #tpu.memory_space<hbm>> -> memref<128x128xf32, #tpu.memory_space<hbm>>
        %dma_start3A_1717 = arith.constant 0 : i32
        %dma_start3A_1718 = tpu.memref_slice %arg4[%mul3A_1709, %dma_start3A_1717] : memref<3276800x128xf32, #tpu.memory_space<hbm>> -> memref<128x128xf32, #tpu.memory_space<hbm>>
        %dma_start3A_1719 = arith.constant 0 : i32
        %dma_start3A_1720 = arith.constant 0 : i32
        %dma_start3A_1721 = tpu.memref_slice %arg7[%dma_start3A_1710, %dma_start3A_1719, %dma_start3A_1720] : memref<5x128x128xf32, #tpu.memory_space<vmem>> -> memref<1x128x128xf32, #tpu.memory_space<vmem>>
        %dma_start3A_1722 = tpu.memref_squeeze %dma_start3A_1721 : memref<1x128x128xf32, #tpu.memory_space<vmem>> -> memref<128x128xf32, #tpu.memory_space<vmem>>
        tpu.enqueue_dma source(%dma_start3A_1722 : memref<128x128xf32, #tpu.memory_space<vmem>>) target(%dma_start3A_1718 : memref<128x128xf32, #tpu.memory_space<hbm>>) target_semaphore(%arg17 : memref<!tpu.dma_semaphore, #tpu.memory_space<semaphore_mem>>)
      } else {
      }
      %add3A_1379 = arith.constant 4 : i32
      %add3A_1380 = arith.addi %add3A_136, %add3A_1379 : i32
      %add3A_1381 = arith.addi %mul3A_2, %add3A_1380 : i32
      %mul3A_1382 = arith.constant 128 : i32
      %mul3A_1383 = arith.muli %add3A_1381, %mul3A_1382 : i32
      %dma_wait3A_1384 = arith.constant 512 : i32
      %dma_wait3A_1385 = tpu.memref_slice %arg5[%dma_wait3A_1384] : memref<640xi32, #tpu.memory_space<vmem>> -> memref<128xi32, #tpu.memory_space<vmem>>
      %dma_wait3A_1386 = tpu.memref_slice %arg2[%mul3A_1383] : memref<3276800xi32, #tpu.memory_space<hbm>> -> memref<128xi32, #tpu.memory_space<hbm>>
      %dma_wait3A_1387 = arith.constant 512 : i32
      %dma_wait3A_1388 = tpu.memref_slice %arg5[%dma_wait3A_1387] : memref<640xi32, #tpu.memory_space<vmem>> -> memref<128xi32, #tpu.memory_space<vmem>>
      %dma_wait3A_1389 = tpu.memref_slice %arg2[%mul3A_1383] : memref<3276800xi32, #tpu.memory_space<hbm>> -> memref<128xi32, #tpu.memory_space<hbm>>
      tpu.wait_dma2 semaphore(%arg9 : memref<!tpu.dma_semaphore, #tpu.memory_space<semaphore_mem>>) src(%dma_wait3A_1389 : memref<128xi32, #tpu.memory_space<hbm>>) dst(%dma_wait3A_1388 : memref<128xi32, #tpu.memory_space<vmem>>)
      %add3A_1390 = arith.constant 1 : i32
      %add3A_1391 = arith.addi %add3A_1380, %add3A_1390 : i32
      %lt3A_1392 = arith.constant 800 : i32
      %lt3A_1393 = arith.cmpi slt, %add3A_1391, %lt3A_1392 : i32
      %convert_element_type3A_1394 = arith.extui %lt3A_1393 : i1 to i32
      %cond3A_1395 = arith.constant 0 : i32
      %cond3A_1396 = arith.cmpi ne, %convert_element_type3A_1394, %cond3A_1395 : i32
      scf.if %cond3A_1396 {
        %add3A_1692 = arith.constant 1 : i32
        %add3A_1693 = arith.addi %add3A_1380, %add3A_1692 : i32
        %add3A_1694 = arith.addi %mul3A_2, %add3A_1693 : i32
        %mul3A_1695 = arith.constant 128 : i32
        %mul3A_1696 = arith.muli %add3A_1694, %mul3A_1695 : i32
        %dma_start3A_1697 = arith.constant 0 : i32
        %dma_start3A_1698 = tpu.memref_slice %arg5[%dma_start3A_1697] : memref<640xi32, #tpu.memory_space<vmem>> -> memref<128xi32, #tpu.memory_space<vmem>>
        %dma_start3A_1699 = tpu.memref_slice %arg2[%mul3A_1696] : memref<3276800xi32, #tpu.memory_space<hbm>> -> memref<128xi32, #tpu.memory_space<hbm>>
        %dma_start3A_1700 = arith.constant 0 : i32
        %dma_start3A_1701 = tpu.memref_slice %arg5[%dma_start3A_1700] : memref<640xi32, #tpu.memory_space<vmem>> -> memref<128xi32, #tpu.memory_space<vmem>>
        %dma_start3A_1702 = tpu.memref_slice %arg2[%mul3A_1696] : memref<3276800xi32, #tpu.memory_space<hbm>> -> memref<128xi32, #tpu.memory_space<hbm>>
        tpu.enqueue_dma source(%dma_start3A_1702 : memref<128xi32, #tpu.memory_space<hbm>>) target(%dma_start3A_1701 : memref<128xi32, #tpu.memory_space<vmem>>) target_semaphore(%arg9 : memref<!tpu.dma_semaphore, #tpu.memory_space<semaphore_mem>>)
      } else {
      }
      %get3A_1397 = arith.constant 512 : index
      %get3A_1398 = tpu.vector_load %arg5[%get3A_1397] {strides = array<i32>} : memref<640xi32, #tpu.memory_space<vmem>>, vector<16xi32>,
      %get3A_1399 = vector.shape_cast %get3A_1398 : vector<16xi32> to vector<16xi32>
      %and3A_1400 = arith.constant 4095 : i32
      %and3A_1401 = vector.broadcast %and3A_1400 : i32 to vector<16xi32>
      %and3A_1402 = arith.andi %get3A_1399, %and3A_1401 : vector<16xi32>
      %shift_right_arithmetic3A_1403 = arith.constant 12 : i32
      %shift_right_arithmetic3A_1404 = vector.broadcast %shift_right_arithmetic3A_1403 : i32 to vector<16xi32>
      %shift_right_arithmetic3A_1405 = arith.shrsi %get3A_1399, %shift_right_arithmetic3A_1404 : vector<16xi32>
      %add3A_1406 = arith.constant 32 : i32
      %add3A_1407 = vector.broadcast %add3A_1406 : i32 to vector<16xi32>
      %add3A_1408 = arith.addi %and3A_1402, %add3A_1407 : vector<16xi32>
      %jit3A_1409 = arith.constant 0 : i32
      %jit3A_1410 = arith.constant 64 : i32
      %max3A_1411 = vector.broadcast %jit3A_1409 : i32 to vector<16xi32>
      %max3A_1412 = arith.maxsi %max3A_1411, %add3A_1408 : vector<16xi32>
      %min3A_1413 = vector.broadcast %jit3A_1410 : i32 to vector<16xi32>
      %min3A_1414 = arith.minsi %min3A_1413, %max3A_1412 : vector<16xi32>
      %mul3A_1415 = arith.muli %min3A_1414, %shift_right_arithmetic3A_1405 : vector<16xi32>
      %sub3A_1416 = arith.constant 1 : i32
      %sub3A_1417 = vector.broadcast %sub3A_1416 : i32 to vector<16xi32>
      %sub3A_1418 = arith.subi %sub3A_1417, %shift_right_arithmetic3A_1405 : vector<16xi32>
      %mul3A_1419 = arith.constant 65 : i32
      %mul3A_1420 = vector.broadcast %mul3A_1419 : i32 to vector<16xi32>
      %mul3A_1421 = arith.muli %sub3A_1418, %mul3A_1420 : vector<16xi32>
      %add3A_1422 = arith.addi %mul3A_1415, %mul3A_1421 : vector<16xi32>
      %swap3A_1423 = arith.constant 4 : i32
      %swap3A_1424 = arith.constant 0 : i32
      %swap3A_1425 = arith.index_cast %swap3A_1423 : i32 to index
      %swap3A_1426 = arith.index_cast %swap3A_1424 : i32 to index
      %swap3A_1427 = arith.constant 0 : index
      %swap3A_1428 = tpu.vector_load %arg6[%swap3A_1425, %swap3A_1426, %swap3A_1427] {strides = array<i32>} : memref<5x1x128xi32, #tpu.memory_space<vmem>>, vector<1x1x16xi32>,
      %swap3A_1429 = vector.shape_cast %swap3A_1428 : vector<1x1x16xi32> to vector<16xi32>
      %swap3A_1430 = vector.shape_cast %add3A_1422 : vector<16xi32> to vector<1x1x16xi32>
      tpu.vector_store %arg6[%swap3A_1425, %swap3A_1426, %swap3A_1427], %swap3A_1430 {strides = array<i32>} : memref<5x1x128xi32, #tpu.memory_space<vmem>>, vector<1x1x16xi32>,
      %get3A_1431 = arith.constant 528 : index
      %get3A_1432 = tpu.vector_load %arg5[%get3A_1431] {strides = array<i32>} : memref<640xi32, #tpu.memory_space<vmem>>, vector<16xi32>,
      %get3A_1433 = vector.shape_cast %get3A_1432 : vector<16xi32> to vector<16xi32>
      %and3A_1434 = arith.constant 4095 : i32
      %and3A_1435 = vector.broadcast %and3A_1434 : i32 to vector<16xi32>
      %and3A_1436 = arith.andi %get3A_1433, %and3A_1435 : vector<16xi32>
      %shift_right_arithmetic3A_1437 = arith.constant 12 : i32
      %shift_right_arithmetic3A_1438 = vector.broadcast %shift_right_arithmetic3A_1437 : i32 to vector<16xi32>
      %shift_right_arithmetic3A_1439 = arith.shrsi %get3A_1433, %shift_right_arithmetic3A_1438 : vector<16xi32>
      %add3A_1440 = arith.constant 32 : i32
      %add3A_1441 = vector.broadcast %add3A_1440 : i32 to vector<16xi32>
      %add3A_1442 = arith.addi %and3A_1436, %add3A_1441 : vector<16xi32>
      %jit3A_1443 = arith.constant 0 : i32
      %jit3A_1444 = arith.constant 64 : i32
      %max3A_1445 = vector.broadcast %jit3A_1443 : i32 to vector<16xi32>
      %max3A_1446 = arith.maxsi %max3A_1445, %add3A_1442 : vector<16xi32>
      %min3A_1447 = vector.broadcast %jit3A_1444 : i32 to vector<16xi32>
      %min3A_1448 = arith.minsi %min3A_1447, %max3A_1446 : vector<16xi32>
      %mul3A_1449 = arith.muli %min3A_1448, %shift_right_arithmetic3A_1439 : vector<16xi32>
      %sub3A_1450 = arith.constant 1 : i32
      %sub3A_1451 = vector.broadcast %sub3A_1450 : i32 to vector<16xi32>
      %sub3A_1452 = arith.subi %sub3A_1451, %shift_right_arithmetic3A_1439 : vector<16xi32>
      %mul3A_1453 = arith.constant 65 : i32
      %mul3A_1454 = vector.broadcast %mul3A_1453 : i32 to vector<16xi32>
      %mul3A_1455 = arith.muli %sub3A_1452, %mul3A_1454 : vector<16xi32>
      %add3A_1456 = arith.addi %mul3A_1449, %mul3A_1455 : vector<16xi32>
      %swap3A_1457 = arith.constant 4 : i32
      %swap3A_1458 = arith.constant 0 : i32
      %swap3A_1459 = arith.index_cast %swap3A_1457 : i32 to index
      %swap3A_1460 = arith.index_cast %swap3A_1458 : i32 to index
      %swap3A_1461 = arith.constant 16 : index
      %swap3A_1462 = tpu.vector_load %arg6[%swap3A_1459, %swap3A_1460, %swap3A_1461] {strides = array<i32>} : memref<5x1x128xi32, #tpu.memory_space<vmem>>, vector<1x1x16xi32>,
      %swap3A_1463 = vector.shape_cast %swap3A_1462 : vector<1x1x16xi32> to vector<16xi32>
      %swap3A_1464 = vector.shape_cast %add3A_1456 : vector<16xi32> to vector<1x1x16xi32>
      tpu.vector_store %arg6[%swap3A_1459, %swap3A_1460, %swap3A_1461], %swap3A_1464 {strides = array<i32>} : memref<5x1x128xi32, #tpu.memory_space<vmem>>, vector<1x1x16xi32>,
      %get3A_1465 = arith.constant 544 : index
      %get3A_1466 = tpu.vector_load %arg5[%get3A_1465] {strides = array<i32>} : memref<640xi32, #tpu.memory_space<vmem>>, vector<16xi32>,
      %get3A_1467 = vector.shape_cast %get3A_1466 : vector<16xi32> to vector<16xi32>
      %and3A_1468 = arith.constant 4095 : i32
      %and3A_1469 = vector.broadcast %and3A_1468 : i32 to vector<16xi32>
      %and3A_1470 = arith.andi %get3A_1467, %and3A_1469 : vector<16xi32>
      %shift_right_arithmetic3A_1471 = arith.constant 12 : i32
      %shift_right_arithmetic3A_1472 = vector.broadcast %shift_right_arithmetic3A_1471 : i32 to vector<16xi32>
      %shift_right_arithmetic3A_1473 = arith.shrsi %get3A_1467, %shift_right_arithmetic3A_1472 : vector<16xi32>
      %add3A_1474 = arith.constant 32 : i32
      %add3A_1475 = vector.broadcast %add3A_1474 : i32 to vector<16xi32>
      %add3A_1476 = arith.addi %and3A_1470, %add3A_1475 : vector<16xi32>
      %jit3A_1477 = arith.constant 0 : i32
      %jit3A_1478 = arith.constant 64 : i32
      %max3A_1479 = vector.broadcast %jit3A_1477 : i32 to vector<16xi32>
      %max3A_1480 = arith.maxsi %max3A_1479, %add3A_1476 : vector<16xi32>
      %min3A_1481 = vector.broadcast %jit3A_1478 : i32 to vector<16xi32>
      %min3A_1482 = arith.minsi %min3A_1481, %max3A_1480 : vector<16xi32>
      %mul3A_1483 = arith.muli %min3A_1482, %shift_right_arithmetic3A_1473 : vector<16xi32>
      %sub3A_1484 = arith.constant 1 : i32
      %sub3A_1485 = vector.broadcast %sub3A_1484 : i32 to vector<16xi32>
      %sub3A_1486 = arith.subi %sub3A_1485, %shift_right_arithmetic3A_1473 : vector<16xi32>
      %mul3A_1487 = arith.constant 65 : i32
      %mul3A_1488 = vector.broadcast %mul3A_1487 : i32 to vector<16xi32>
      %mul3A_1489 = arith.muli %sub3A_1486, %mul3A_1488 : vector<16xi32>
      %add3A_1490 = arith.addi %mul3A_1483, %mul3A_1489 : vector<16xi32>
      %swap3A_1491 = arith.constant 4 : i32
      %swap3A_1492 = arith.constant 0 : i32
      %swap3A_1493 = arith.index_cast %swap3A_1491 : i32 to index
      %swap3A_1494 = arith.index_cast %swap3A_1492 : i32 to index
      %swap3A_1495 = arith.constant 32 : index
      %swap3A_1496 = tpu.vector_load %arg6[%swap3A_1493, %swap3A_1494, %swap3A_1495] {strides = array<i32>} : memref<5x1x128xi32, #tpu.memory_space<vmem>>, vector<1x1x16xi32>,
      %swap3A_1497 = vector.shape_cast %swap3A_1496 : vector<1x1x16xi32> to vector<16xi32>
      %swap3A_1498 = vector.shape_cast %add3A_1490 : vector<16xi32> to vector<1x1x16xi32>
      tpu.vector_store %arg6[%swap3A_1493, %swap3A_1494, %swap3A_1495], %swap3A_1498 {strides = array<i32>} : memref<5x1x128xi32, #tpu.memory_space<vmem>>, vector<1x1x16xi32>,
      %get3A_1499 = arith.constant 560 : index
      %get3A_1500 = tpu.vector_load %arg5[%get3A_1499] {strides = array<i32>} : memref<640xi32, #tpu.memory_space<vmem>>, vector<16xi32>,
      %get3A_1501 = vector.shape_cast %get3A_1500 : vector<16xi32> to vector<16xi32>
      %and3A_1502 = arith.constant 4095 : i32
      %and3A_1503 = vector.broadcast %and3A_1502 : i32 to vector<16xi32>
      %and3A_1504 = arith.andi %get3A_1501, %and3A_1503 : vector<16xi32>
      %shift_right_arithmetic3A_1505 = arith.constant 12 : i32
      %shift_right_arithmetic3A_1506 = vector.broadcast %shift_right_arithmetic3A_1505 : i32 to vector<16xi32>
      %shift_right_arithmetic3A_1507 = arith.shrsi %get3A_1501, %shift_right_arithmetic3A_1506 : vector<16xi32>
      %add3A_1508 = arith.constant 32 : i32
      %add3A_1509 = vector.broadcast %add3A_1508 : i32 to vector<16xi32>
      %add3A_1510 = arith.addi %and3A_1504, %add3A_1509 : vector<16xi32>
      %jit3A_1511 = arith.constant 0 : i32
      %jit3A_1512 = arith.constant 64 : i32
      %max3A_1513 = vector.broadcast %jit3A_1511 : i32 to vector<16xi32>
      %max3A_1514 = arith.maxsi %max3A_1513, %add3A_1510 : vector<16xi32>
      %min3A_1515 = vector.broadcast %jit3A_1512 : i32 to vector<16xi32>
      %min3A_1516 = arith.minsi %min3A_1515, %max3A_1514 : vector<16xi32>
      %mul3A_1517 = arith.muli %min3A_1516, %shift_right_arithmetic3A_1507 : vector<16xi32>
      %sub3A_1518 = arith.constant 1 : i32
      %sub3A_1519 = vector.broadcast %sub3A_1518 : i32 to vector<16xi32>
      %sub3A_1520 = arith.subi %sub3A_1519, %shift_right_arithmetic3A_1507 : vector<16xi32>
      %mul3A_1521 = arith.constant 65 : i32
      %mul3A_1522 = vector.broadcast %mul3A_1521 : i32 to vector<16xi32>
      %mul3A_1523 = arith.muli %sub3A_1520, %mul3A_1522 : vector<16xi32>
      %add3A_1524 = arith.addi %mul3A_1517, %mul3A_1523 : vector<16xi32>
      %swap3A_1525 = arith.constant 4 : i32
      %swap3A_1526 = arith.constant 0 : i32
      %swap3A_1527 = arith.index_cast %swap3A_1525 : i32 to index
      %swap3A_1528 = arith.index_cast %swap3A_1526 : i32 to index
      %swap3A_1529 = arith.constant 48 : index
      %swap3A_1530 = tpu.vector_load %arg6[%swap3A_1527, %swap3A_1528, %swap3A_1529] {strides = array<i32>} : memref<5x1x128xi32, #tpu.memory_space<vmem>>, vector<1x1x16xi32>,
      %swap3A_1531 = vector.shape_cast %swap3A_1530 : vector<1x1x16xi32> to vector<16xi32>
      %swap3A_1532 = vector.shape_cast %add3A_1524 : vector<16xi32> to vector<1x1x16xi32>
      tpu.vector_store %arg6[%swap3A_1527, %swap3A_1528, %swap3A_1529], %swap3A_1532 {strides = array<i32>} : memref<5x1x128xi32, #tpu.memory_space<vmem>>, vector<1x1x16xi32>,
      %get3A_1533 = arith.constant 576 : index
      %get3A_1534 = tpu.vector_load %arg5[%get3A_1533] {strides = array<i32>} : memref<640xi32, #tpu.memory_space<vmem>>, vector<16xi32>,
      %get3A_1535 = vector.shape_cast %get3A_1534 : vector<16xi32> to vector<16xi32>
      %and3A_1536 = arith.constant 4095 : i32
      %and3A_1537 = vector.broadcast %and3A_1536 : i32 to vector<16xi32>
      %and3A_1538 = arith.andi %get3A_1535, %and3A_1537 : vector<16xi32>
      %shift_right_arithmetic3A_1539 = arith.constant 12 : i32
      %shift_right_arithmetic3A_1540 = vector.broadcast %shift_right_arithmetic3A_1539 : i32 to vector<16xi32>
      %shift_right_arithmetic3A_1541 = arith.shrsi %get3A_1535, %shift_right_arithmetic3A_1540 : vector<16xi32>
      %add3A_1542 = arith.constant 32 : i32
      %add3A_1543 = vector.broadcast %add3A_1542 : i32 to vector<16xi32>
      %add3A_1544 = arith.addi %and3A_1538, %add3A_1543 : vector<16xi32>
      %jit3A_1545 = arith.constant 0 : i32
      %jit3A_1546 = arith.constant 64 : i32
      %max3A_1547 = vector.broadcast %jit3A_1545 : i32 to vector<16xi32>
      %max3A_1548 = arith.maxsi %max3A_1547, %add3A_1544 : vector<16xi32>
      %min3A_1549 = vector.broadcast %jit3A_1546 : i32 to vector<16xi32>
      %min3A_1550 = arith.minsi %min3A_1549, %max3A_1548 : vector<16xi32>
      %mul3A_1551 = arith.muli %min3A_1550, %shift_right_arithmetic3A_1541 : vector<16xi32>
      %sub3A_1552 = arith.constant 1 : i32
      %sub3A_1553 = vector.broadcast %sub3A_1552 : i32 to vector<16xi32>
      %sub3A_1554 = arith.subi %sub3A_1553, %shift_right_arithmetic3A_1541 : vector<16xi32>
      %mul3A_1555 = arith.constant 65 : i32
      %mul3A_1556 = vector.broadcast %mul3A_1555 : i32 to vector<16xi32>
      %mul3A_1557 = arith.muli %sub3A_1554, %mul3A_1556 : vector<16xi32>
      %add3A_1558 = arith.addi %mul3A_1551, %mul3A_1557 : vector<16xi32>
      %swap3A_1559 = arith.constant 4 : i32
      %swap3A_1560 = arith.constant 0 : i32
      %swap3A_1561 = arith.index_cast %swap3A_1559 : i32 to index
      %swap3A_1562 = arith.index_cast %swap3A_1560 : i32 to index
      %swap3A_1563 = arith.constant 64 : index
      %swap3A_1564 = tpu.vector_load %arg6[%swap3A_1561, %swap3A_1562, %swap3A_1563] {strides = array<i32>} : memref<5x1x128xi32, #tpu.memory_space<vmem>>, vector<1x1x16xi32>,
      %swap3A_1565 = vector.shape_cast %swap3A_1564 : vector<1x1x16xi32> to vector<16xi32>
      %swap3A_1566 = vector.shape_cast %add3A_1558 : vector<16xi32> to vector<1x1x16xi32>
      tpu.vector_store %arg6[%swap3A_1561, %swap3A_1562, %swap3A_1563], %swap3A_1566 {strides = array<i32>} : memref<5x1x128xi32, #tpu.memory_space<vmem>>, vector<1x1x16xi32>,
      %get3A_1567 = arith.constant 592 : index
      %get3A_1568 = tpu.vector_load %arg5[%get3A_1567] {strides = array<i32>} : memref<640xi32, #tpu.memory_space<vmem>>, vector<16xi32>,
      %get3A_1569 = vector.shape_cast %get3A_1568 : vector<16xi32> to vector<16xi32>
      %and3A_1570 = arith.constant 4095 : i32
      %and3A_1571 = vector.broadcast %and3A_1570 : i32 to vector<16xi32>
      %and3A_1572 = arith.andi %get3A_1569, %and3A_1571 : vector<16xi32>
      %shift_right_arithmetic3A_1573 = arith.constant 12 : i32
      %shift_right_arithmetic3A_1574 = vector.broadcast %shift_right_arithmetic3A_1573 : i32 to vector<16xi32>
      %shift_right_arithmetic3A_1575 = arith.shrsi %get3A_1569, %shift_right_arithmetic3A_1574 : vector<16xi32>
      %add3A_1576 = arith.constant 32 : i32
      %add3A_1577 = vector.broadcast %add3A_1576 : i32 to vector<16xi32>
      %add3A_1578 = arith.addi %and3A_1572, %add3A_1577 : vector<16xi32>
      %jit3A_1579 = arith.constant 0 : i32
      %jit3A_1580 = arith.constant 64 : i32
      %max3A_1581 = vector.broadcast %jit3A_1579 : i32 to vector<16xi32>
      %max3A_1582 = arith.maxsi %max3A_1581, %add3A_1578 : vector<16xi32>
      %min3A_1583 = vector.broadcast %jit3A_1580 : i32 to vector<16xi32>
      %min3A_1584 = arith.minsi %min3A_1583, %max3A_1582 : vector<16xi32>
      %mul3A_1585 = arith.muli %min3A_1584, %shift_right_arithmetic3A_1575 : vector<16xi32>
      %sub3A_1586 = arith.constant 1 : i32
      %sub3A_1587 = vector.broadcast %sub3A_1586 : i32 to vector<16xi32>
      %sub3A_1588 = arith.subi %sub3A_1587, %shift_right_arithmetic3A_1575 : vector<16xi32>
      %mul3A_1589 = arith.constant 65 : i32
      %mul3A_1590 = vector.broadcast %mul3A_1589 : i32 to vector<16xi32>
      %mul3A_1591 = arith.muli %sub3A_1588, %mul3A_1590 : vector<16xi32>
      %add3A_1592 = arith.addi %mul3A_1585, %mul3A_1591 : vector<16xi32>
      %swap3A_1593 = arith.constant 4 : i32
      %swap3A_1594 = arith.constant 0 : i32
      %swap3A_1595 = arith.index_cast %swap3A_1593 : i32 to index
      %swap3A_1596 = arith.index_cast %swap3A_1594 : i32 to index
      %swap3A_1597 = arith.constant 80 : index
      %swap3A_1598 = tpu.vector_load %arg6[%swap3A_1595, %swap3A_1596, %swap3A_1597] {strides = array<i32>} : memref<5x1x128xi32, #tpu.memory_space<vmem>>, vector<1x1x16xi32>,
      %swap3A_1599 = vector.shape_cast %swap3A_1598 : vector<1x1x16xi32> to vector<16xi32>
      %swap3A_1600 = vector.shape_cast %add3A_1592 : vector<16xi32> to vector<1x1x16xi32>
      tpu.vector_store %arg6[%swap3A_1595, %swap3A_1596, %swap3A_1597], %swap3A_1600 {strides = array<i32>} : memref<5x1x128xi32, #tpu.memory_space<vmem>>, vector<1x1x16xi32>,
      %get3A_1601 = arith.constant 608 : index
      %get3A_1602 = tpu.vector_load %arg5[%get3A_1601] {strides = array<i32>} : memref<640xi32, #tpu.memory_space<vmem>>, vector<16xi32>,
      %get3A_1603 = vector.shape_cast %get3A_1602 : vector<16xi32> to vector<16xi32>
      %and3A_1604 = arith.constant 4095 : i32
      %and3A_1605 = vector.broadcast %and3A_1604 : i32 to vector<16xi32>
      %and3A_1606 = arith.andi %get3A_1603, %and3A_1605 : vector<16xi32>
      %shift_right_arithmetic3A_1607 = arith.constant 12 : i32
      %shift_right_arithmetic3A_1608 = vector.broadcast %shift_right_arithmetic3A_1607 : i32 to vector<16xi32>
      %shift_right_arithmetic3A_1609 = arith.shrsi %get3A_1603, %shift_right_arithmetic3A_1608 : vector<16xi32>
      %add3A_1610 = arith.constant 32 : i32
      %add3A_1611 = vector.broadcast %add3A_1610 : i32 to vector<16xi32>
      %add3A_1612 = arith.addi %and3A_1606, %add3A_1611 : vector<16xi32>
      %jit3A_1613 = arith.constant 0 : i32
      %jit3A_1614 = arith.constant 64 : i32
      %max3A_1615 = vector.broadcast %jit3A_1613 : i32 to vector<16xi32>
      %max3A_1616 = arith.maxsi %max3A_1615, %add3A_1612 : vector<16xi32>
      %min3A_1617 = vector.broadcast %jit3A_1614 : i32 to vector<16xi32>
      %min3A_1618 = arith.minsi %min3A_1617, %max3A_1616 : vector<16xi32>
      %mul3A_1619 = arith.muli %min3A_1618, %shift_right_arithmetic3A_1609 : vector<16xi32>
      %sub3A_1620 = arith.constant 1 : i32
      %sub3A_1621 = vector.broadcast %sub3A_1620 : i32 to vector<16xi32>
      %sub3A_1622 = arith.subi %sub3A_1621, %shift_right_arithmetic3A_1609 : vector<16xi32>
      %mul3A_1623 = arith.constant 65 : i32
      %mul3A_1624 = vector.broadcast %mul3A_1623 : i32 to vector<16xi32>
      %mul3A_1625 = arith.muli %sub3A_1622, %mul3A_1624 : vector<16xi32>
      %add3A_1626 = arith.addi %mul3A_1619, %mul3A_1625 : vector<16xi32>
      %swap3A_1627 = arith.constant 4 : i32
      %swap3A_1628 = arith.constant 0 : i32
      %swap3A_1629 = arith.index_cast %swap3A_1627 : i32 to index
      %swap3A_1630 = arith.index_cast %swap3A_1628 : i32 to index
      %swap3A_1631 = arith.constant 96 : index
      %swap3A_1632 = tpu.vector_load %arg6[%swap3A_1629, %swap3A_1630, %swap3A_1631] {strides = array<i32>} : memref<5x1x128xi32, #tpu.memory_space<vmem>>, vector<1x1x16xi32>,
      %swap3A_1633 = vector.shape_cast %swap3A_1632 : vector<1x1x16xi32> to vector<16xi32>
      %swap3A_1634 = vector.shape_cast %add3A_1626 : vector<16xi32> to vector<1x1x16xi32>
      tpu.vector_store %arg6[%swap3A_1629, %swap3A_1630, %swap3A_1631], %swap3A_1634 {strides = array<i32>} : memref<5x1x128xi32, #tpu.memory_space<vmem>>, vector<1x1x16xi32>,
      %get3A_1635 = arith.constant 624 : index
      %get3A_1636 = tpu.vector_load %arg5[%get3A_1635] {strides = array<i32>} : memref<640xi32, #tpu.memory_space<vmem>>, vector<16xi32>,
      %get3A_1637 = vector.shape_cast %get3A_1636 : vector<16xi32> to vector<16xi32>
      %and3A_1638 = arith.constant 4095 : i32
      %and3A_1639 = vector.broadcast %and3A_1638 : i32 to vector<16xi32>
      %and3A_1640 = arith.andi %get3A_1637, %and3A_1639 : vector<16xi32>
      %shift_right_arithmetic3A_1641 = arith.constant 12 : i32
      %shift_right_arithmetic3A_1642 = vector.broadcast %shift_right_arithmetic3A_1641 : i32 to vector<16xi32>
      %shift_right_arithmetic3A_1643 = arith.shrsi %get3A_1637, %shift_right_arithmetic3A_1642 : vector<16xi32>
      %add3A_1644 = arith.constant 32 : i32
      %add3A_1645 = vector.broadcast %add3A_1644 : i32 to vector<16xi32>
      %add3A_1646 = arith.addi %and3A_1640, %add3A_1645 : vector<16xi32>
      %jit3A_1647 = arith.constant 0 : i32
      %jit3A_1648 = arith.constant 64 : i32
      %max3A_1649 = vector.broadcast %jit3A_1647 : i32 to vector<16xi32>
      %max3A_1650 = arith.maxsi %max3A_1649, %add3A_1646 : vector<16xi32>
      %min3A_1651 = vector.broadcast %jit3A_1648 : i32 to vector<16xi32>
      %min3A_1652 = arith.minsi %min3A_1651, %max3A_1650 : vector<16xi32>
      %mul3A_1653 = arith.muli %min3A_1652, %shift_right_arithmetic3A_1643 : vector<16xi32>
      %sub3A_1654 = arith.constant 1 : i32
      %sub3A_1655 = vector.broadcast %sub3A_1654 : i32 to vector<16xi32>
      %sub3A_1656 = arith.subi %sub3A_1655, %shift_right_arithmetic3A_1643 : vector<16xi32>
      %mul3A_1657 = arith.constant 65 : i32
      %mul3A_1658 = vector.broadcast %mul3A_1657 : i32 to vector<16xi32>
      %mul3A_1659 = arith.muli %sub3A_1656, %mul3A_1658 : vector<16xi32>
      %add3A_1660 = arith.addi %mul3A_1653, %mul3A_1659 : vector<16xi32>
      %swap3A_1661 = arith.constant 4 : i32
      %swap3A_1662 = arith.constant 0 : i32
      %swap3A_1663 = arith.index_cast %swap3A_1661 : i32 to index
      %swap3A_1664 = arith.index_cast %swap3A_1662 : i32 to index
      %swap3A_1665 = arith.constant 112 : index
      %swap3A_1666 = tpu.vector_load %arg6[%swap3A_1663, %swap3A_1664, %swap3A_1665] {strides = array<i32>} : memref<5x1x128xi32, #tpu.memory_space<vmem>>, vector<1x1x16xi32>,
      %swap3A_1667 = vector.shape_cast %swap3A_1666 : vector<1x1x16xi32> to vector<16xi32>
      %swap3A_1668 = vector.shape_cast %add3A_1660 : vector<16xi32> to vector<1x1x16xi32>
      tpu.vector_store %arg6[%swap3A_1663, %swap3A_1664, %swap3A_1665], %swap3A_1668 {strides = array<i32>} : memref<5x1x128xi32, #tpu.memory_space<vmem>>, vector<1x1x16xi32>,
      %ge3A_1669 = arith.constant 5 : i32
      %ge3A_1670 = arith.cmpi sge, %add3A_1380, %ge3A_1669 : i32
      %convert_element_type3A_1671 = arith.extui %ge3A_1670 : i1 to i32
      %cond3A_1672 = arith.constant 0 : i32
      %cond3A_1673 = arith.cmpi ne, %convert_element_type3A_1671, %cond3A_1672 : i32
      scf.if %cond3A_1673 {
        %sub3A_1692 = arith.constant 5 : i32
        %sub3A_1693 = arith.subi %add3A_1380, %sub3A_1692 : i32
        %add3A_1694 = arith.addi %mul3A_2, %sub3A_1693 : i32
        %mul3A_1695 = arith.constant 128 : i32
        %mul3A_1696 = arith.muli %add3A_1694, %mul3A_1695 : i32
        %dma_wait3A_1697 = arith.constant 4 : i32
        %dma_wait3A_1698 = arith.constant 0 : i32
        %dma_wait3A_1699 = arith.constant 0 : i32
        %dma_wait3A_1700 = tpu.memref_slice %arg7[%dma_wait3A_1697, %dma_wait3A_1698, %dma_wait3A_1699] : memref<5x128x128xf32, #tpu.memory_space<vmem>> -> memref<1x128x128xf32, #tpu.memory_space<vmem>>
        %dma_wait3A_1701 = tpu.memref_squeeze %dma_wait3A_1700 : memref<1x128x128xf32, #tpu.memory_space<vmem>> -> memref<128x128xf32, #tpu.memory_space<vmem>>
        %dma_wait3A_1702 = arith.constant 0 : i32
        %dma_wait3A_1703 = tpu.memref_slice %arg4[%mul3A_1696, %dma_wait3A_1702] : memref<3276800x128xf32, #tpu.memory_space<hbm>> -> memref<128x128xf32, #tpu.memory_space<hbm>>
        %dma_wait3A_1704 = arith.constant 0 : i32
        %dma_wait3A_1705 = tpu.memref_slice %arg4[%mul3A_1696, %dma_wait3A_1704] : memref<3276800x128xf32, #tpu.memory_space<hbm>> -> memref<128x128xf32, #tpu.memory_space<hbm>>
        %dma_wait3A_1706 = arith.constant 0 : i32
        %dma_wait3A_1707 = arith.constant 0 : i32
        %dma_wait3A_1708 = tpu.memref_slice %arg7[%dma_wait3A_1697, %dma_wait3A_1706, %dma_wait3A_1707] : memref<5x128x128xf32, #tpu.memory_space<vmem>> -> memref<1x128x128xf32, #tpu.memory_space<vmem>>
        %dma_wait3A_1709 = tpu.memref_squeeze %dma_wait3A_1708 : memref<1x128x128xf32, #tpu.memory_space<vmem>> -> memref<128x128xf32, #tpu.memory_space<vmem>>
        tpu.wait_dma2 semaphore(%arg19 : memref<!tpu.dma_semaphore, #tpu.memory_space<semaphore_mem>>) src(%dma_wait3A_1709 : memref<128x128xf32, #tpu.memory_space<vmem>>) dst(%dma_wait3A_1705 : memref<128x128xf32, #tpu.memory_space<hbm>>)
      } else {
      }
      %dma_start3A_1674 = arith.constant 4 : i32
      %dma_start3A_1675 = arith.constant 0 : i32
      %dma_start3A_1676 = arith.constant 4 : i32
      %dma_start3A_1677 = arith.constant 0 : i32
      %dma_start3A_1678 = arith.constant 0 : i32
      %dma_start3A_1679 = tpu.memref_slice %arg7[%dma_start3A_1676, %dma_start3A_1677, %dma_start3A_1678] : memref<5x128x128xf32, #tpu.memory_space<vmem>> -> memref<1x128x128xf32, #tpu.memory_space<vmem>>
      %dma_start3A_1680 = tpu.memref_squeeze %dma_start3A_1679 : memref<1x128x128xf32, #tpu.memory_space<vmem>> -> memref<128x128xf32, #tpu.memory_space<vmem>>
      %dma_start3A_1681 = arith.constant 0 : i32
      %dma_start3A_1682 = tpu.memref_slice %arg6[%dma_start3A_1674, %dma_start3A_1675, %dma_start3A_1681] : memref<5x1x128xi32, #tpu.memory_space<vmem>> -> memref<1x1x128xi32, #tpu.memory_space<vmem>>
      %dma_start3A_1683 = tpu.memref_squeeze %dma_start3A_1682 : memref<1x1x128xi32, #tpu.memory_space<vmem>> -> memref<128xi32, #tpu.memory_space<vmem>>
      %dma_start3A_1684 = arith.constant 0 : i32
      %dma_start3A_1685 = arith.constant 0 : i32
      %dma_start3A_1686 = tpu.memref_slice %arg8[%dma_start3A_1684, %dma_start3A_1685] : memref<66x128xf32, #tpu.memory_space<vmem_shared>> -> memref<66x128xf32, #tpu.memory_space<vmem_shared>>
      tpu.enqueue_indirect_dma source(%dma_start3A_1686 : memref<66x128xf32, #tpu.memory_space<vmem_shared>>) target(%dma_start3A_1680 : memref<128x128xf32, #tpu.memory_space<vmem>>) offsets(%dma_start3A_1683 : memref<128xi32, #tpu.memory_space<vmem>>) semaphore(%arg14 : memref<!tpu.dma_semaphore, #tpu.memory_space<semaphore_mem>>)
      %ge3A_1687 = arith.constant 1 : i32
      %ge3A_1688 = arith.cmpi sge, %add3A_1380, %ge3A_1687 : i32
      %convert_element_type3A_1689 = arith.extui %ge3A_1688 : i1 to i32
      %cond3A_1690 = arith.constant 0 : i32
      %cond3A_1691 = arith.cmpi ne, %convert_element_type3A_1689, %cond3A_1690 : i32
      scf.if %cond3A_1691 {
        %dma_wait3A_1692 = arith.constant 3 : i32
        %dma_wait3A_1693 = arith.constant 0 : i32
        %dma_wait3A_1694 = arith.constant 3 : i32
        %dma_wait3A_1695 = arith.constant 0 : i32
        %dma_wait3A_1696 = arith.constant 0 : i32
        %dma_wait3A_1697 = tpu.memref_slice %arg7[%dma_wait3A_1694, %dma_wait3A_1695, %dma_wait3A_1696] : memref<5x128x128xf32, #tpu.memory_space<vmem>> -> memref<1x128x128xf32, #tpu.memory_space<vmem>>
        %dma_wait3A_1698 = tpu.memref_squeeze %dma_wait3A_1697 : memref<1x128x128xf32, #tpu.memory_space<vmem>> -> memref<128x128xf32, #tpu.memory_space<vmem>>
        %dma_wait3A_1699 = arith.constant 0 : i32
        %dma_wait3A_1700 = tpu.memref_slice %arg6[%dma_wait3A_1692, %dma_wait3A_1693, %dma_wait3A_1699] : memref<5x1x128xi32, #tpu.memory_space<vmem>> -> memref<1x1x128xi32, #tpu.memory_space<vmem>>
        %dma_wait3A_1701 = tpu.memref_squeeze %dma_wait3A_1700 : memref<1x1x128xi32, #tpu.memory_space<vmem>> -> memref<128xi32, #tpu.memory_space<vmem>>
        %dma_wait3A_1702 = arith.constant 0 : i32
        %dma_wait3A_1703 = arith.constant 0 : i32
        %dma_wait3A_1704 = tpu.memref_slice %arg8[%dma_wait3A_1702, %dma_wait3A_1703] : memref<66x128xf32, #tpu.memory_space<vmem_shared>> -> memref<66x128xf32, #tpu.memory_space<vmem_shared>>
        tpu.wait_indirect_dma semaphore(%arg13 : memref<!tpu.dma_semaphore, #tpu.memory_space<semaphore_mem>>) src(%dma_wait3A_1704 : memref<66x128xf32, #tpu.memory_space<vmem_shared>>) dst(%dma_wait3A_1698 : memref<128x128xf32, #tpu.memory_space<vmem>>)
        %sub3A_1705 = arith.constant 1 : i32
        %sub3A_1706 = arith.subi %add3A_1380, %sub3A_1705 : i32
        %add3A_1707 = arith.addi %mul3A_2, %sub3A_1706 : i32
        %mul3A_1708 = arith.constant 128 : i32
        %mul3A_1709 = arith.muli %add3A_1707, %mul3A_1708 : i32
        %dma_start3A_1710 = arith.constant 3 : i32
        %dma_start3A_1711 = arith.constant 0 : i32
        %dma_start3A_1712 = arith.constant 0 : i32
        %dma_start3A_1713 = tpu.memref_slice %arg7[%dma_start3A_1710, %dma_start3A_1711, %dma_start3A_1712] : memref<5x128x128xf32, #tpu.memory_space<vmem>> -> memref<1x128x128xf32, #tpu.memory_space<vmem>>
        %dma_start3A_1714 = tpu.memref_squeeze %dma_start3A_1713 : memref<1x128x128xf32, #tpu.memory_space<vmem>> -> memref<128x128xf32, #tpu.memory_space<vmem>>
        %dma_start3A_1715 = arith.constant 0 : i32
        %dma_start3A_1716 = tpu.memref_slice %arg4[%mul3A_1709, %dma_start3A_1715] : memref<3276800x128xf32, #tpu.memory_space<hbm>> -> memref<128x128xf32, #tpu.memory_space<hbm>>
        %dma_start3A_1717 = arith.constant 0 : i32
        %dma_start3A_1718 = tpu.memref_slice %arg4[%mul3A_1709, %dma_start3A_1717] : memref<3276800x128xf32, #tpu.memory_space<hbm>> -> memref<128x128xf32, #tpu.memory_space<hbm>>
        %dma_start3A_1719 = arith.constant 0 : i32
        %dma_start3A_1720 = arith.constant 0 : i32
        %dma_start3A_1721 = tpu.memref_slice %arg7[%dma_start3A_1710, %dma_start3A_1719, %dma_start3A_1720] : memref<5x128x128xf32, #tpu.memory_space<vmem>> -> memref<1x128x128xf32, #tpu.memory_space<vmem>>
        %dma_start3A_1722 = tpu.memref_squeeze %dma_start3A_1721 : memref<1x128x128xf32, #tpu.memory_space<vmem>> -> memref<128x128xf32, #tpu.memory_space<vmem>>
        tpu.enqueue_dma source(%dma_start3A_1722 : memref<128x128xf32, #tpu.memory_space<vmem>>) target(%dma_start3A_1718 : memref<128x128xf32, #tpu.memory_space<hbm>>) target_semaphore(%arg18 : memref<!tpu.dma_semaphore, #tpu.memory_space<semaphore_mem>>)
      } else {
      }
    }
    %scan3A_17 = arith.constant 160 : i32
    %dma_wait3A = arith.constant 4 : i32
    %dma_wait3A_18 = arith.constant 0 : i32
    %dma_wait3A_19 = arith.constant 4 : i32
    %dma_wait3A_20 = arith.constant 0 : i32
    %dma_wait3A_21 = arith.constant 0 : i32
    %dma_wait3A_22 = tpu.memref_slice %arg7[%dma_wait3A_19, %dma_wait3A_20, %dma_wait3A_21] : memref<5x128x128xf32, #tpu.memory_space<vmem>> -> memref<1x128x128xf32, #tpu.memory_space<vmem>>
    %dma_wait3A_23 = tpu.memref_squeeze %dma_wait3A_22 : memref<1x128x128xf32, #tpu.memory_space<vmem>> -> memref<128x128xf32, #tpu.memory_space<vmem>>
    %dma_wait3A_24 = arith.constant 0 : i32
    %dma_wait3A_25 = tpu.memref_slice %arg6[%dma_wait3A, %dma_wait3A_18, %dma_wait3A_24] : memref<5x1x128xi32, #tpu.memory_space<vmem>> -> memref<1x1x128xi32, #tpu.memory_space<vmem>>
    %dma_wait3A_26 = tpu.memref_squeeze %dma_wait3A_25 : memref<1x1x128xi32, #tpu.memory_space<vmem>> -> memref<128xi32, #tpu.memory_space<vmem>>
    %dma_wait3A_27 = arith.constant 0 : i32
    %dma_wait3A_28 = arith.constant 0 : i32
    %dma_wait3A_29 = tpu.memref_slice %arg8[%dma_wait3A_27, %dma_wait3A_28] : memref<66x128xf32, #tpu.memory_space<vmem_shared>> -> memref<66x128xf32, #tpu.memory_space<vmem_shared>>
    tpu.wait_indirect_dma semaphore(%arg14 : memref<!tpu.dma_semaphore, #tpu.memory_space<semaphore_mem>>) src(%dma_wait3A_29 : memref<66x128xf32, #tpu.memory_space<vmem_shared>>) dst(%dma_wait3A_23 : memref<128x128xf32, #tpu.memory_space<vmem>>)
    %add3A_30 = arith.constant 799 : i32
    %add3A_31 = arith.addi %mul3A_2, %add3A_30 : i32
    %mul3A_32 = arith.constant 128 : i32
    %mul3A_33 = arith.muli %add3A_31, %mul3A_32 : i32
    %dma_start3A_34 = arith.constant 4 : i32
    %dma_start3A_35 = arith.constant 0 : i32
    %dma_start3A_36 = arith.constant 0 : i32
    %dma_start3A_37 = tpu.memref_slice %arg7[%dma_start3A_34, %dma_start3A_35, %dma_start3A_36] : memref<5x128x128xf32, #tpu.memory_space<vmem>> -> memref<1x128x128xf32, #tpu.memory_space<vmem>>
    %dma_start3A_38 = tpu.memref_squeeze %dma_start3A_37 : memref<1x128x128xf32, #tpu.memory_space<vmem>> -> memref<128x128xf32, #tpu.memory_space<vmem>>
    %dma_start3A_39 = arith.constant 0 : i32
    %dma_start3A_40 = tpu.memref_slice %arg4[%mul3A_33, %dma_start3A_39] : memref<3276800x128xf32, #tpu.memory_space<hbm>> -> memref<128x128xf32, #tpu.memory_space<hbm>>
    %dma_start3A_41 = arith.constant 0 : i32
    %dma_start3A_42 = tpu.memref_slice %arg4[%mul3A_33, %dma_start3A_41] : memref<3276800x128xf32, #tpu.memory_space<hbm>> -> memref<128x128xf32, #tpu.memory_space<hbm>>
    %dma_start3A_43 = arith.constant 0 : i32
    %dma_start3A_44 = arith.constant 0 : i32
    %dma_start3A_45 = tpu.memref_slice %arg7[%dma_start3A_34, %dma_start3A_43, %dma_start3A_44] : memref<5x128x128xf32, #tpu.memory_space<vmem>> -> memref<1x128x128xf32, #tpu.memory_space<vmem>>
    %dma_start3A_46 = tpu.memref_squeeze %dma_start3A_45 : memref<1x128x128xf32, #tpu.memory_space<vmem>> -> memref<128x128xf32, #tpu.memory_space<vmem>>
    tpu.enqueue_dma source(%dma_start3A_46 : memref<128x128xf32, #tpu.memory_space<vmem>>) target(%dma_start3A_42 : memref<128x128xf32, #tpu.memory_space<hbm>>) target_semaphore(%arg19 : memref<!tpu.dma_semaphore, #tpu.memory_space<semaphore_mem>>)
    %add3A_47 = arith.constant 795 : i32
    %add3A_48 = arith.addi %mul3A_2, %add3A_47 : i32
    %mul3A_49 = arith.constant 128 : i32
    %mul3A_50 = arith.muli %add3A_48, %mul3A_49 : i32
    %dma_wait3A_51 = arith.constant 0 : i32
    %dma_wait3A_52 = arith.constant 0 : i32
    %dma_wait3A_53 = arith.constant 0 : i32
    %dma_wait3A_54 = tpu.memref_slice %arg7[%dma_wait3A_51, %dma_wait3A_52, %dma_wait3A_53] : memref<5x128x128xf32, #tpu.memory_space<vmem>> -> memref<1x128x128xf32, #tpu.memory_space<vmem>>
    %dma_wait3A_55 = tpu.memref_squeeze %dma_wait3A_54 : memref<1x128x128xf32, #tpu.memory_space<vmem>> -> memref<128x128xf32, #tpu.memory_space<vmem>>
    %dma_wait3A_56 = arith.constant 0 : i32
    %dma_wait3A_57 = tpu.memref_slice %arg4[%mul3A_50, %dma_wait3A_56] : memref<3276800x128xf32, #tpu.memory_space<hbm>> -> memref<128x128xf32, #tpu.memory_space<hbm>>
    %dma_wait3A_58 = arith.constant 0 : i32
    %dma_wait3A_59 = tpu.memref_slice %arg4[%mul3A_50, %dma_wait3A_58] : memref<3276800x128xf32, #tpu.memory_space<hbm>> -> memref<128x128xf32, #tpu.memory_space<hbm>>
    %dma_wait3A_60 = arith.constant 0 : i32
    %dma_wait3A_61 = arith.constant 0 : i32
    %dma_wait3A_62 = tpu.memref_slice %arg7[%dma_wait3A_51, %dma_wait3A_60, %dma_wait3A_61] : memref<5x128x128xf32, #tpu.memory_space<vmem>> -> memref<1x128x128xf32, #tpu.memory_space<vmem>>
    %dma_wait3A_63 = tpu.memref_squeeze %dma_wait3A_62 : memref<1x128x128xf32, #tpu.memory_space<vmem>> -> memref<128x128xf32, #tpu.memory_space<vmem>>
    tpu.wait_dma2 semaphore(%arg15 : memref<!tpu.dma_semaphore, #tpu.memory_space<semaphore_mem>>) src(%dma_wait3A_63 : memref<128x128xf32, #tpu.memory_space<vmem>>) dst(%dma_wait3A_59 : memref<128x128xf32, #tpu.memory_space<hbm>>)
    %add3A_64 = arith.constant 796 : i32
    %add3A_65 = arith.addi %mul3A_2, %add3A_64 : i32
    %mul3A_66 = arith.constant 128 : i32
    %mul3A_67 = arith.muli %add3A_65, %mul3A_66 : i32
    %dma_wait3A_68 = arith.constant 1 : i32
    %dma_wait3A_69 = arith.constant 0 : i32
    %dma_wait3A_70 = arith.constant 0 : i32
    %dma_wait3A_71 = tpu.memref_slice %arg7[%dma_wait3A_68, %dma_wait3A_69, %dma_wait3A_70] : memref<5x128x128xf32, #tpu.memory_space<vmem>> -> memref<1x128x128xf32, #tpu.memory_space<vmem>>
    %dma_wait3A_72 = tpu.memref_squeeze %dma_wait3A_71 : memref<1x128x128xf32, #tpu.memory_space<vmem>> -> memref<128x128xf32, #tpu.memory_space<vmem>>
    %dma_wait3A_73 = arith.constant 0 : i32
    %dma_wait3A_74 = tpu.memref_slice %arg4[%mul3A_67, %dma_wait3A_73] : memref<3276800x128xf32, #tpu.memory_space<hbm>> -> memref<128x128xf32, #tpu.memory_space<hbm>>
    %dma_wait3A_75 = arith.constant 0 : i32
    %dma_wait3A_76 = tpu.memref_slice %arg4[%mul3A_67, %dma_wait3A_75] : memref<3276800x128xf32, #tpu.memory_space<hbm>> -> memref<128x128xf32, #tpu.memory_space<hbm>>
    %dma_wait3A_77 = arith.constant 0 : i32
    %dma_wait3A_78 = arith.constant 0 : i32
    %dma_wait3A_79 = tpu.memref_slice %arg7[%dma_wait3A_68, %dma_wait3A_77, %dma_wait3A_78] : memref<5x128x128xf32, #tpu.memory_space<vmem>> -> memref<1x128x128xf32, #tpu.memory_space<vmem>>
    %dma_wait3A_80 = tpu.memref_squeeze %dma_wait3A_79 : memref<1x128x128xf32, #tpu.memory_space<vmem>> -> memref<128x128xf32, #tpu.memory_space<vmem>>
    tpu.wait_dma2 semaphore(%arg16 : memref<!tpu.dma_semaphore, #tpu.memory_space<semaphore_mem>>) src(%dma_wait3A_80 : memref<128x128xf32, #tpu.memory_space<vmem>>) dst(%dma_wait3A_76 : memref<128x128xf32, #tpu.memory_space<hbm>>)
    %add3A_81 = arith.constant 797 : i32
    %add3A_82 = arith.addi %mul3A_2, %add3A_81 : i32
    %mul3A_83 = arith.constant 128 : i32
    %mul3A_84 = arith.muli %add3A_82, %mul3A_83 : i32
    %dma_wait3A_85 = arith.constant 2 : i32
    %dma_wait3A_86 = arith.constant 0 : i32
    %dma_wait3A_87 = arith.constant 0 : i32
    %dma_wait3A_88 = tpu.memref_slice %arg7[%dma_wait3A_85, %dma_wait3A_86, %dma_wait3A_87] : memref<5x128x128xf32, #tpu.memory_space<vmem>> -> memref<1x128x128xf32, #tpu.memory_space<vmem>>
    %dma_wait3A_89 = tpu.memref_squeeze %dma_wait3A_88 : memref<1x128x128xf32, #tpu.memory_space<vmem>> -> memref<128x128xf32, #tpu.memory_space<vmem>>
    %dma_wait3A_90 = arith.constant 0 : i32
    %dma_wait3A_91 = tpu.memref_slice %arg4[%mul3A_84, %dma_wait3A_90] : memref<3276800x128xf32, #tpu.memory_space<hbm>> -> memref<128x128xf32, #tpu.memory_space<hbm>>
    %dma_wait3A_92 = arith.constant 0 : i32
    %dma_wait3A_93 = tpu.memref_slice %arg4[%mul3A_84, %dma_wait3A_92] : memref<3276800x128xf32, #tpu.memory_space<hbm>> -> memref<128x128xf32, #tpu.memory_space<hbm>>
    %dma_wait3A_94 = arith.constant 0 : i32
    %dma_wait3A_95 = arith.constant 0 : i32
    %dma_wait3A_96 = tpu.memref_slice %arg7[%dma_wait3A_85, %dma_wait3A_94, %dma_wait3A_95] : memref<5x128x128xf32, #tpu.memory_space<vmem>> -> memref<1x128x128xf32, #tpu.memory_space<vmem>>
    %dma_wait3A_97 = tpu.memref_squeeze %dma_wait3A_96 : memref<1x128x128xf32, #tpu.memory_space<vmem>> -> memref<128x128xf32, #tpu.memory_space<vmem>>
    tpu.wait_dma2 semaphore(%arg17 : memref<!tpu.dma_semaphore, #tpu.memory_space<semaphore_mem>>) src(%dma_wait3A_97 : memref<128x128xf32, #tpu.memory_space<vmem>>) dst(%dma_wait3A_93 : memref<128x128xf32, #tpu.memory_space<hbm>>)
    %add3A_98 = arith.constant 798 : i32
    %add3A_99 = arith.addi %mul3A_2, %add3A_98 : i32
    %mul3A_100 = arith.constant 128 : i32
    %mul3A_101 = arith.muli %add3A_99, %mul3A_100 : i32
    %dma_wait3A_102 = arith.constant 3 : i32
    %dma_wait3A_103 = arith.constant 0 : i32
    %dma_wait3A_104 = arith.constant 0 : i32
    %dma_wait3A_105 = tpu.memref_slice %arg7[%dma_wait3A_102, %dma_wait3A_103, %dma_wait3A_104] : memref<5x128x128xf32, #tpu.memory_space<vmem>> -> memref<1x128x128xf32, #tpu.memory_space<vmem>>
    %dma_wait3A_106 = tpu.memref_squeeze %dma_wait3A_105 : memref<1x128x128xf32, #tpu.memory_space<vmem>> -> memref<128x128xf32, #tpu.memory_space<vmem>>
    %dma_wait3A_107 = arith.constant 0 : i32
    %dma_wait3A_108 = tpu.memref_slice %arg4[%mul3A_101, %dma_wait3A_107] : memref<3276800x128xf32, #tpu.memory_space<hbm>> -> memref<128x128xf32, #tpu.memory_space<hbm>>
    %dma_wait3A_109 = arith.constant 0 : i32
    %dma_wait3A_110 = tpu.memref_slice %arg4[%mul3A_101, %dma_wait3A_109] : memref<3276800x128xf32, #tpu.memory_space<hbm>> -> memref<128x128xf32, #tpu.memory_space<hbm>>
    %dma_wait3A_111 = arith.constant 0 : i32
    %dma_wait3A_112 = arith.constant 0 : i32
    %dma_wait3A_113 = tpu.memref_slice %arg7[%dma_wait3A_102, %dma_wait3A_111, %dma_wait3A_112] : memref<5x128x128xf32, #tpu.memory_space<vmem>> -> memref<1x128x128xf32, #tpu.memory_space<vmem>>
    %dma_wait3A_114 = tpu.memref_squeeze %dma_wait3A_113 : memref<1x128x128xf32, #tpu.memory_space<vmem>> -> memref<128x128xf32, #tpu.memory_space<vmem>>
    tpu.wait_dma2 semaphore(%arg18 : memref<!tpu.dma_semaphore, #tpu.memory_space<semaphore_mem>>) src(%dma_wait3A_114 : memref<128x128xf32, #tpu.memory_space<vmem>>) dst(%dma_wait3A_110 : memref<128x128xf32, #tpu.memory_space<hbm>>)
    %add3A_115 = arith.constant 799 : i32
    %add3A_116 = arith.addi %mul3A_2, %add3A_115 : i32
    %mul3A_117 = arith.constant 128 : i32
    %mul3A_118 = arith.muli %add3A_116, %mul3A_117 : i32
    %dma_wait3A_119 = arith.constant 4 : i32
    %dma_wait3A_120 = arith.constant 0 : i32
    %dma_wait3A_121 = arith.constant 0 : i32
    %dma_wait3A_122 = tpu.memref_slice %arg7[%dma_wait3A_119, %dma_wait3A_120, %dma_wait3A_121] : memref<5x128x128xf32, #tpu.memory_space<vmem>> -> memref<1x128x128xf32, #tpu.memory_space<vmem>>
    %dma_wait3A_123 = tpu.memref_squeeze %dma_wait3A_122 : memref<1x128x128xf32, #tpu.memory_space<vmem>> -> memref<128x128xf32, #tpu.memory_space<vmem>>
    %dma_wait3A_124 = arith.constant 0 : i32
    %dma_wait3A_125 = tpu.memref_slice %arg4[%mul3A_118, %dma_wait3A_124] : memref<3276800x128xf32, #tpu.memory_space<hbm>> -> memref<128x128xf32, #tpu.memory_space<hbm>>
    %dma_wait3A_126 = arith.constant 0 : i32
    %dma_wait3A_127 = tpu.memref_slice %arg4[%mul3A_118, %dma_wait3A_126] : memref<3276800x128xf32, #tpu.memory_space<hbm>> -> memref<128x128xf32, #tpu.memory_space<hbm>>
    %dma_wait3A_128 = arith.constant 0 : i32
    %dma_wait3A_129 = arith.constant 0 : i32
    %dma_wait3A_130 = tpu.memref_slice %arg7[%dma_wait3A_119, %dma_wait3A_128, %dma_wait3A_129] : memref<5x128x128xf32, #tpu.memory_space<vmem>> -> memref<1x128x128xf32, #tpu.memory_space<vmem>>
    %dma_wait3A_131 = tpu.memref_squeeze %dma_wait3A_130 : memref<1x128x128xf32, #tpu.memory_space<vmem>> -> memref<128x128xf32, #tpu.memory_space<vmem>>
    tpu.wait_dma2 semaphore(%arg19 : memref<!tpu.dma_semaphore, #tpu.memory_space<semaphore_mem>>) src(%dma_wait3A_131 : memref<128x128xf32, #tpu.memory_space<vmem>>) dst(%dma_wait3A_127 : memref<128x128xf32, #tpu.memory_space<hbm>>)
    return
  }
}

</mosaic_0001>

<sc_bundles>
// kernel: kernel.3.cloned.1.call-start
scs
__scs_entry_jumppad:
0x0: {  	(pc) =	sbr.rel $0x88, $3  }
0x1: {  	(tag) =	ssettag $0x0;
	lr =	simm.s32 $0x1  }
0x2: {  	[smem:$0x3F9E] =	sst lr;
	_ =	strace $0xD0000000  }
0x3: {  	_ = 	snop  }
0x4: {  	_ = 	snop  }
0x5: {  	_ = 	snop  }
0x6: {  	_ = 	snop  }
0x7: {  	_ = 	snop  }
__scs_overlays_trampoline_lowered:
0x8: {  	[smem:$0x3FAD] =	sst s0  }
0x9: {  	[smem:$0x3FAE] =	sst s1  }
0xa: {  	[smem:$0x3FAF] =	sst s2  }
0xb: {  	[smem:$0x3FB0] =	sst s3  }
0xc: {  	[smem:$0x3FB1] =	sst s4  }
0xd: {  	[smem:$0x3FB2] =	sst s5  }
0xe: {  	[smem:$0x3FB3] =	sst s6  }
0xf: {  	[smem:$0x3FB4] =	sst s7  }
0x10: {  	[smem:$0x3FB5] =	sst s8  }
0x11: {  	[smem:$0x3FB6] =	sst s9;
	s0 =	simm.s32 @!p0 $0x0  }
0x12: {  	s1 =	sld [smem:$0x3F9C];
	s0 =	simm.s32 @p0 $0x1  }
0x13: {  	[smem:$0x3FB7] =	sst s0;
	s0 =	simm.s32 @!p1 $0x0  }
0x14: {  	s2 =	sld [smem:$0x3F9B];
	s0 =	simm.s32 @p1 $0x1  }
0x15: {  	[smem:$0x3FB8] =	sst s0;
	s0 =	simm.s32 @!p2 $0x0  }
0x16: {  	s3 =	sld [smem:$0x3FDB];
	s0 =	simm.s32 @p2 $0x1  }
0x17: {  	s4 =	simm.s32 $0x1BF5;
	[smem:$0x3FBA] =	sst s0  }
0x18: {  	s0 =	sld [smem:$0x3F9D];
	_ =	swait.ge [sflag:s4], $0x0  }
0x19: {  	s7 =	sld [smem:$0x3F9E]  }
0x1a: {  	s8 =	sadd.s32 $0xFFFFE003, lr  }
0x1b: {  	s9 =	sadd.s32 $0xFFFFFEF7, lr;
	s5 =	simm.s32 $0xFFFFFFFF;
	p2 =	slt.u32 s8, $0xFFFFF086  }
0x1c: {  	p1 =	slt.u32 s9, $0xF7A;
	s5 =	simm.s32 @!p2 $0x0  }
0x1d: {  	s5 =	simm.s32 @p1 $0x1;
	p0 =	seq.s32 s7, s2  }
0x1e: {  	s7 =	smul.u32 @!p0 $0xF7A, s2;
	p2 =	seq.s32 @!p0 s5, $0x0  }
0x1f: {  	s9 =	smul.u32 $0xF7A, s1;
	s8 =	simm.s32 @!p0 $0x1BF5;
	p2 =	por !p2, p0  }
0x20: {  	[sflag:s8] =	ssyncset.s32 @!p0 $0xFFFFF086;
	s6 =	sadd.s32 @!p0 s3, s7;
	s7 =	simm.s32 @!p0 $0x108  }
0x21: {  	s3 =	sadd.s32 s3, s9;
	s6 =	sadd.s32 @!p0 $0x88, s6;
	s7 =	simm.s32 @p2 $0x1082  }
0x22: {  	[simem:s7], [sflag:s8] =	dma.local @!p0 [hbm:s6], $0xF7A  }
0x23: {  	s9 =	sor.u32 $0xD0000000, s2;
	s6 =	simm.s32 $0x108;
	_ =	swait.ge @!p0 [sflag:s8], $0x0  }
0x24: {  	s3 =	sadd.s32 $0x88, s3;
	s6 =	simm.s32 @!p1 $0x1082;
	[sflag:s4] =	ssyncset.s32 $0xFFFFF086  }
0x25: {  	[simem:s6], [sflag:s4] =	dma.local [hbm:s3], $0xF7A  }
0x26: {  	[smem:$0x3F9E] =	sst s1;
	(tag) =	ssettag s2;
	_ =	strace s9  }
0x27: {  	s1 =	sld [smem:$0x3FAE]  }
0x28: {  	s2 =	sld [smem:$0x3FAF]  }
0x29: {  	s4 =	sld [smem:$0x3FB1]  }
0x2a: {  	p0 =	seq.s32 s5, $0x0;
	s5 =	sld [smem:$0x3FB2]  }
0x2b: {  	s6 =	sld [smem:$0x3FB3]  }
0x2c: {  	s7 =	sld [smem:$0x3FB4]  }
0x2d: {  	s3 =	simm.s32 $0x108;
	s8 =	sld [smem:$0x3FB5]  }
0x2e: {  	s3 =	simm.s32 @!p0 $0x1082;
	s9 =	sld [smem:$0x3FB6]  }
0x2f: {  	lr =	sadd.s32 s0, s3;
	s0 =	sld [smem:$0x3FAD]  }
0x30: {  	s3 =	sld [smem:$0x3FB0]  }
0x31: {  	[smem:$0x3FB9] =	sst s10  }
0x32: {  	s10 =	sld [smem:$0x3FB7];
	_ =	sdelay $0x3  }
0x33: {  	p0 =	seq.s32 s10, $0x1;
	s10 =	sld [smem:$0x3FB9];
	_ =	sdelay $0x3  }
0x34: {  	[smem:$0x3FB9] =	sst s10  }
0x35: {  	s10 =	sld [smem:$0x3FB8];
	_ =	sdelay $0x3  }
0x36: {  	p1 =	seq.s32 s10, $0x1;
	s10 =	sld [smem:$0x3FB9];
	_ =	sdelay $0x3  }
0x37: {  	[smem:$0x3FB9] =	sst s10  }
0x38: {  	s10 =	sld [smem:$0x3FBA]  }
0x39: {  	_ = 	snop;
	(pc) =	sbr.ind lr, $3  }
0x3a: {  	_ = 	snop  }
0x3b: {  	_ = 	snop  }
0x3c: {  	p2 =	seq.s32 s10, $0x1;
	s10 =	sld [smem:$0x3FB9]  }
0x3d: {  	_ =	shalt  }
0x3e: {  	_ =	shalt  }
0x3f: {  	_ =	shalt  }
0x40: {  	_ =	shalt  }
0x41: {  	_ =	shalt  }
0x42: {  	_ =	shalt  }
0x43: {  	_ =	shalt  }
0x44: {  	_ =	shalt  }
0x45: {  	_ =	shalt  }
0x46: {  	_ =	shalt  }
0x47: {  	_ =	shalt  }
0x48: {  	_ =	shalt  }
0x49: {  	_ =	shalt  }
0x4a: {  	_ =	shalt  }
0x4b: {  	_ =	shalt  }
0x4c: {  	_ =	shalt  }
0x4d: {  	_ =	shalt  }
0x4e: {  	_ =	shalt  }
0x4f: {  	_ =	shalt  }
0x50: {  	_ =	shalt  }
0x51: {  	_ =	shalt  }
0x52: {  	_ =	shalt  }
0x53: {  	_ =	shalt  }
0x54: {  	_ =	shalt  }
0x55: {  	_ =	shalt  }
0x56: {  	_ =	shalt  }
0x57: {  	_ =	shalt  }
0x58: {  	_ =	shalt  }
0x59: {  	_ =	shalt  }
0x5a: {  	_ =	shalt  }
0x5b: {  	_ =	shalt  }
0x5c: {  	_ =	shalt  }
0x5d: {  	_ =	shalt  }
0x5e: {  	_ =	shalt  }
0x5f: {  	_ =	shalt  }
0x60: {  	_ =	shalt  }
0x61: {  	_ =	shalt  }
0x62: {  	_ =	shalt  }
0x63: {  	_ =	shalt  }
0x64: {  	_ =	shalt  }
0x65: {  	_ =	shalt  }
0x66: {  	_ =	shalt  }
0x67: {  	_ =	shalt  }
0x68: {  	_ =	shalt  }
0x69: {  	_ =	shalt  }
0x6a: {  	_ =	shalt  }
0x6b: {  	_ =	shalt  }
0x6c: {  	_ =	shalt  }
0x6d: {  	_ =	shalt  }
0x6e: {  	_ =	shalt  }
0x6f: {  	_ =	shalt  }
0x70: {  	_ =	shalt  }
0x71: {  	_ =	shalt  }
0x72: {  	_ =	shalt  }
0x73: {  	_ =	shalt  }
0x74: {  	_ =	shalt  }
0x75: {  	_ =	shalt  }
0x76: {  	_ =	shalt  }
0x77: {  	_ =	shalt  }
0x78: {  	_ =	shalt  }
0x79: {  	_ =	shalt  }
0x7a: {  	_ =	shalt  }
0x7b: {  	_ =	shalt  }
0x7c: {  	_ =	shalt  }
0x7d: {  	_ =	shalt  }
0x7e: {  	_ =	shalt  }
0x7f: {  	_ =	shalt  }
0x80: {  	_ =	shalt  }
0x81: {  	_ =	shalt  }
0x82: {  	_ =	shalt  }
0x83: {  	_ =	shalt  }
0x84: {  	_ =	shalt  }
0x85: {  	_ =	shalt  }
0x86: {  	_ =	shalt  }
0x87: {  	_ =	shalt  }
.Lfunc_end0:
.L_simem_size_0:
called_computation_lowered:
.L_overlay_start_0:
0x88: {  	s2 =	sld [smem:$0x3FD9]  }
0x89: {  	s3 =	sld [smem:$0x3FFE];
	_ =	sdelay $0x1  }
0x8a: {  	s1 =	srdreg.scid  }
0x8b: {  	s0 =	sand.u32 $0x1, s1  }
0x8c: {  	s17 =	sshll.u32 s0, $0xA;
	s2 =	sadd.s32 s3, s2  }
0x8d: {  	s2 =	sadd.s32 s2, s17  }
0x8e: {  	[smem:$0x3FC5] =	sst s2  }
0x8f: {  	_ = 	snop  }
0x90: {  	s2 =	sld [smem:$0x3FC7]  }
0x91: {  	s18 =	sld [smem:$0x3FD0];
	(tm) =	ssettm $0x1  }
0x92: {  	s4 =	sld [smem:$0x3FFB];
	_ =	sdelay $0x3  }
0x93: {  	_ =	strace s4  }
0x94: {  	s4 =	sld [smem:$0x3FFC];
	_ =	sdelay $0x3  }
0x95: {  	_ =	strace s4  }
0x96: {  	s4 =	sld [smem:$0x3FFD];
	_ =	sdelay $0x3  }
0x97: {  	_ =	strace s4  }
0x98: {  	_ =	strace $0x8FFFFFFF  }
0x99: {  	s19 =	sld [smem:$0x3FDB];
	_ =	sdelay $0x1  }
0x9a: {  	s5 =	simm.s32 $_scs_section_size  }
0x9b: {  	s6 =	simm.s32 $_size__tile_overlayer_lowered;
	s7 =	simm.s32 $_tile_overlayer_lowered  }
0x9c: {  	s22 =	simm.s32 $0x1BFF;
	s21 =	sshll.u32 s7, $0x1;
	s4 =	sadd.s32 s5, s19  }
0x9d: {  	s8 =	simm.s32 $0x0;
	s20 =	sshll.u32 s6, $0x1;
	s6 =	sadd.s32 s21, s4  }
0x9e: {  	[timem:s8], [sflag:s22] =	dma.local [hbm:s6], s20  }
0x9f: {  	_ =	swait.ge [sflag:s22], s20  }
0xa0: {  	s5 =	ssub.s32 $0x0, s20;
	[sflag:s22] =	ssyncset.done $0x0  }
0xa1: {  	[sflag:s22] =	ssyncadd.s32 s5;
	_ =	sdelay $0x1  }
0xa2: {  	s23 =	simm.s32 $0x1B8B  }
0xa3: {  	_ =	swait.ge [sflag:s23], $0x1  }
0xa4: {  	[sflag:s23] =	ssyncset.done $0x0  }
0xa5: {  	s25 =	simm.s32 $0x1B8E;
	s24 =	sld [smem:$0x3FFE];
	[sflag:s23] =	ssyncadd.s32 $0xFFFFFFFF  }
0xa6: {  	s26 =	simm.s32 $execute0_lowered;
	[smem:$0x3FD2] =	sst s25  }
0xa7: {  	s6 =	sshll.u32 s26, $0x1;
	_ =	strace $0x80000046;
	[dreg:$0x1] =	wrdreg $0xFFFFFFFF  }
0xa8: {  	s28 =	simm.s32 $_size_execute0_lowered;
	s4 =	sadd.s32 s4, s6;
	[dreg:$0x0] =	wrdreg $0x0  }
0xa9: {  	s6 =	sshll.u32 s28, $0x1;
	[dreg:$0x2] =	wrdreg s4  }
0xaa: {  	[dreg:$0x3] =	wrdreg s6  }
0xab: {  	[dreg:$0x4] =	wrdreg $0xC0  }
0xac: {  	_ =	task [dreg:s8], $0x5FFFF  }
0xad: {  	[dreg:$0x1] =	wrdreg $0xFFFFFFFF  }
0xae: {  	[dreg:$0x0] =	wrdreg $0x60  }
0xaf: {  	[dreg:$0x2] =	wrdreg s24  }
0xb0: {  	[dreg:$0x3] =	wrdreg s2  }
0xb1: {  	[dreg:$0x4] =	wrdreg s18  }
0xb2: {  	[dreg:$0x5] =	wrdreg $0x145000  }
0xb3: {  	[dreg:$0x6] =	wrdreg $0x9  }
0xb4: {  	_ =	task.clear_ibuf [dreg:s8], $0x7FFFF;
	_ =	strace $0x90000046  }
0xb5: {  	s29 =	simm.s32 $0x9;
	_ =	strace $0x80000048  }
0xb6: {  	_ =	swait.ge [sflag:s29], $0x1  }
0xb7: {  	[sflag:s29] =	ssyncadd.s32 $0xFFFFFFFF  }
0xb8: {  	_ =	strace $0x90000048  }
0xb9: {  	_ =	sfence  }
0xba: {  	s30 =	sld [smem:$0x0];
	_ =	sdelay $0x2  }
0xbb: {  	s31 =	sshll.u32 s1, $0xD;
	s1 =	sshrl.u32 s1, $0x2  }
0xbc: {  	s3 =	sand.u32 $0x4000, s31;
	s1 =	sadd.s32 s1, s30  }
0xbd: {  	s0 =	sor.u32 s3, s0;
	s1 =	sshll.u32 s1, $0x11  }
0xbe: {  	s0 =	sor.u32 s1, s0  }
0xbf: {  	s0 =	sadd.s32 $0x8F2B, s0  }
0xc0: {  	[sflag:s0] =	ssyncadd.remote.s32 $0x1  }
0xc1: {  	_ =	sfence.sel $0xFFFF  }
0xc2: {  	[dreg:$0x0] =	wrdreg $0xFFFFFFFF;
	(pc) =	sbr.abs _section_cstart, $3  }
0xc3: {  	[dreg:$0x1] =	wrdreg $0xFFFFFFFF  }
0xc4: {  	_ =	task.clear_ibuf [dreg:s8], $0x2FFFF;
	_ =	strace $0x9FFFFFFF  }
0xc5: {  	(tm) =	ssettm $0x7FFFFFFF  }
tec
execute0_lowered:
.L_overlay_start_1:
0x0: {  	(tag) =	ssettag $0x1  }
0x1: {  	s1 =	rddreg [dreg:$0x0];
	s3 =	srdreg.scid  }
0x2: {  	s10 =	stileid.u32;
	s2 =	rddreg [dreg:$0x2];
	s22 =	simm.s32 $0x100  }
0x3: {  	s23 =	simm.s32 $0x300;
	s24 =	simm.s32 $0x500;
	s25 =	simm.s32 $0x180  }
0x4: {  	s26 =	simm.s32 $0x380;
	s14 =	simm.s32 $0x2;
	s29 =	simm.s32 $0x200  }
0x5: {  	s15 =	simm.s32 $0x8500;
	s30 =	simm.s32 $0x400;
	s31 =	simm.s32 $0x480  }
0x6: {  	s28 =	simm.s32 $0x0;
	s6 =	sand.u32 $0x1, s3;
	s4 =	sshll.u32 s10, $0x1  }
0x7: {  	s3 =	rddreg [dreg:$0x3];
	s5 =	sor.u32 s6, s4;
	s4 =	simm.s32 $0x0  }
0x8: {  	s11 =	smul.u32 $0x640, s10;
	s1 =	sadd.s32 $0x400, s1;
	[smem:$0x7FF] =	sst s4  }
0x9: {  	s18 =	smul.u32 $0x320000, s10;
	_ =	strace $0x80000047;
	[dreg:$0x7] =	wrdreg s22  }
0xa: {  	p0 =	sne.s32 s10, $0x0;
	s12 =	smul.u32 $0x320, s6;
	[dreg:$0x8] =	wrdreg s23  }
0xb: {  	s8 =	ssub.s32 $0x2, s6;
	s19 =	smul.u32 $0x190000, s6;
	[dreg:$0x9] =	wrdreg s24  }
0xc: {  	s10 =	sshrl.u32 @!p0 s3, $0x3;
	s7 =	smul.u32 $0x3200, s5;
	[dreg:$0xa] =	wrdreg s25  }
0xd: {  	s9 =	smul.u32 $0xC80000, s5;
	s16 =	sshrl.u32 s8, $0x1;
	[dreg:$0xb] =	wrdreg s26  }
0xe: {  	s8 =	ssub.s32 s8, s16;
	s11 =	sadd.s32 s12, s11;
	[dreg:$0xc] =	wrdreg s29  }
0xf: {  	s12 =	simm.s32 $0x80;
	s16 =	simm.s32 $0x3;
	[dreg:$0xd] =	wrdreg s30  }
0x10: {  	[dreg:$0xe] =	wrdreg s31;
	s22 =	simm.s32 $0x7;
	s23 =	simm.s32 $0x8  }
0x11: {  	s24 =	simm.s32 $0x9;
	s25 =	simm.s32 $0xA;
	s26 =	simm.s32 $0xB  }
0x12: {  	s0 =	sadd.s32 s1, s7;
	s17 =	sshrl.u32 s9, $0x3;
	s20 =	sshll.u32 s11, $0xB  }
0x13: {  	s11 =	sshll.u32 s11, $0x4;
	[dreg:$0xf] =	wrdreg s0;
	s7 =	sadd.s32 s2, s17  }
0x14: {  	s13 =	sadd.s32 s20, s2;
	s9 =	sadd.s32 s11, s1;
	s11 =	simm.s32 $0x1  }
0x15: {  	s17 =	simm.s32 $0xC500;
	s20 =	simm.s32 $0x5;
	s6 =	sadd.s32 $0x18F800, s7  }
0x16: {  	s7 =	smax.u32 s8, $0x1;
	s8 =	sadd.s32 s19, s18;
	[dreg:$0x5] =	wrdreg s13  }
0x17: {  	s13 =	simm.s32 $0x4500;
	s18 =	simm.s32 $0x4;
	s21 =	sadd.s32 s2, s8  }
0x18: {  	s19 =	simm.s32 $0x10500;
	[dreg:$0x6] =	wrdreg s21;
	s21 =	simm.s32 $0x6  }
.LBB2_1:
0x19: {  	s1 =	simm.s32 @!p0 $0x1C0C;
	s0 =	rddreg [dreg:$0x1]  }
0x1a: {  	[spmem:s10], [sflag:s1] =	dma.local @!p0 [hbm:s0], $0x420  }
0x1b: {  	s1 =	simm.s32 @!p0 $0xC  }
0x1c: {  	_ =	swait.ge @!p0 [sflag:s1], $0x420  }
0x1d: {  	[sflag:s1] =	ssyncset.done @!p0 $0x0  }
0x1e: {  	[sflag:s1] =	ssyncadd.s32 @!p0 $0xFFFFFBE0  }
0x1f: {  	[bflag:$0x0] =	sbarrier.arrive $0xFFFF  }
0x20: {  	s29 =	simm.s32 $0x0;
	s30 =	simm.s32 $0x0;
	s31 =	rddreg [dreg:$0xf]  }
0x21: {  	[tilespmem:s4], [sflag:$0x1] =	stream.linear.gather [hbm4b:s31+s4], $0x80, $0x38;
	[tilespmem:$0x14710] =	vst v63  }
.LBB2_2:
0x22: {  	_ =	swait.ge [sflag:s11], $0x80  }
0x23: {  	s31 =	sadd.s32 s30, s9;
	[sflag:s11] =	ssyncset.done $0x0  }
0x24: {  	s1 =	sadd.s32 $0x10, s31;
	[sflag:s11] =	ssyncadd.s32 $0xFFFFFF80  }
0x25: {  	[tilespmem:s12], [sflag:$0x1] =	stream.linear.gather [hbm4b:s1+s4], $0x80, $0x38;
	[tilespmem:$0x14710] =	vst v63  }
0x26: {  	v0 =	vld [tilespmem:$0x0]  }
0x27: {  	v1 =	vld [tilespmem:$0x10]  }
0x28: {  	v2 =	vld [tilespmem:$0x20]  }
0x29: {  	v5 =	vld [tilespmem:$0x30]  }
0x2a: {  	v7 =	vld [tilespmem:$0x40]  }
0x2b: {  	v9 =	vld [tilespmem:$0x50]  }
0x2c: {  	v59 =	vld [tilespmem:$0x60]  }
0x2d: {  	v12 =	vld [tilespmem:$0x70];
	v3 =	vand.u32 $0xFFF, v0;
	v0 =	vshra.s32 v0, $0xC  }
0x2e: {  	v4 =	vand.u32 $0xFFF, v1;
	v1 =	vshra.s32 v1, $0xC;
	v6 =	vand.u32 $0xFFF, v2  }
0x2f: {  	v2 =	vshra.s32 v2, $0xC;
	v8 =	vand.u32 $0xFFF, v5;
	v5 =	vshra.s32 v5, $0xC  }
0x30: {  	v60 =	vand.u32 $0xFFF, v7;
	v61 =	vshra.s32 v7, $0xC;
	v63 =	vand.u32 $0xFFF, v9  }
0x31: {  	v15 =	vshra.s32 v9, $0xC;
	v16 =	vand.u32 $0xFFF, v59;
	v20 =	vshra.s32 v59, $0xC  }
0x32: {  	v22 =	vand.u32 $0xFFF, v12;
	v24 =	vshra.s32 v12, $0xC;
	v3 =	vmin.u32 v3, $0x20  }
0x33: {  	v4 =	vmin.u32 v4, $0x20;
	v6 =	vmin.u32 v6, $0x20;
	v8 =	vmin.u32 v8, $0x20  }
0x34: {  	v10 =	vsub.s32 $0x1, v5;
	v62 =	vsub.s32 $0x1, v61;
	v14 =	vmin.u32 v63, $0x20  }
0x35: {  	v18 =	vmin.u32 v16, $0x20;
	v19 =	vsub.s32 $0x1, v15;
	v23 =	vsub.s32 $0x1, v20  }
0x36: {  	v26 =	vsub.s32 $0x1, v24;
	v3 =	vadd.s32 $0x20, v3;
	v4 =	vadd.s32 $0x20, v4  }
0x37: {  	v6 =	vadd.s32 $0x20, v6;
	v8 =	vadd.s32 $0x20, v8;
	v3 =	vmul.u32 v0, v3  }
0x38: {  	v0 =	vsub.s32 $0x1, v0;
	v4 =	vmul.u32 v1, v4;
	v1 =	vsub.s32 $0x1, v1  }
0x39: {  	v6 =	vmul.u32 v2, v6;
	v2 =	vsub.s32 $0x1, v2;
	v0 =	vmul.u32 $0x41, v0  }
0x3a: {  	v58 =	vmul.u32 $0x41, v10;
	v1 =	vmul.u32 $0x41, v1;
	v2 =	vmul.u32 $0x41, v2  }
0x3b: {  	v13 =	vmul.u32 $0x41, v62;
	v57 =	vmul.u32 v5, v8;
	v0 =	vadd.s32 v0, v3  }
0x3c: {  	v1 =	vadd.s32 v1, v4;
	v2 =	vadd.s32 v2, v6;
	v4 =	vmin.u32 v60, $0x20  }
0x3d: {  	v3 =	vadd.s32 v58, v57;
	v6 =	vadd.s32 $0x20, v14;
	v4 =	vadd.s32 $0x20, v4;
	[tilespmem:$0x280] =	vst v0  }
0x3e: {  	v17 =	vmul.u32 v15, v6;
	v6 =	vadd.s32 $0x20, v18;
	[tilespmem:$0x290] =	vst v1;
	v0 =	vmul.u32 $0x41, v19  }
0x3f: {  	[tilespmem:$0x2A0] =	vst v2;
	v4 =	vmul.u32 v61, v4;
	v21 =	vmul.u32 v20, v6;
	v6 =	vmin.u32 v22, $0x20  }
0x40: {  	[tilespmem:$0x2B0] =	vst v3;
	v2 =	vmul.u32 $0x41, v23;
	v25 =	vadd.s32 $0x20, v6;
	v0 =	vadd.s32 v0, v17  }
0x41: {  	v27 =	vmul.u32 $0x41, v26;
	v4 =	vadd.s32 v13, v4;
	v3 =	vmul.u32 v24, v25;
	[tilespmem:$0x2D0] =	vst v0  }
0x42: {  	v28 =	vadd.s32 v2, v21;
	[tilespmem:$0x2C0] =	vst v4  }
0x43: {  	p1 =	sne.s32 s30, $0x0;
	[tilespmem:$0x2E0] =	vst v28;
	v29 =	vadd.s32 v27, v3  }
0x44: {  	s1 =	simm.s32 @p1 $0x7;
	[tilespmem:$0x2F0] =	vst v29  }
0x45: {  	_ =	swait.ge @p1 [sflag:s1], $0x4000  }
0x46: {  	s0 =	simm.s32 @p1 $0x280;
	[sflag:s1] =	ssyncset.done @p1 $0x0  }
0x47: {  	s5 =	simm.s32 @p1 $0x500;
	[sflag:s1] =	ssyncadd.s32 @p1 $0xFFFFC000;
	s1 =	simm.s32 @p1 $0x80  }
0x48: {  	[tilespmem:s5], [sflag:$0x2] =	stream.indirect.gather @p1 [spmem:s3], $0x80, s0, s1, $0xb8;
	[tilespmem:$0x14710] =	vst v63  }
0x49: {  	s0 =	simm.s32 @p1 $0x6  }
0x4a: {  	s1 =	sadd.s32 @p1 s29, s8;
	_ =	swait.ge @p1 [sflag:s0], $0x4000  }
0x4b: {  	s1 =	sadd.s32 @p1 $0x1FFFF800, s1;
	[sflag:s0] =	ssyncset.done @p1 $0x0  }
0x4c: {  	[sflag:s0] =	ssyncadd.s32 @p1 $0xFFFFC000;
	s0 =	sand.u32 @p1 $0x1FFFF800, s1  }
0x4d: {  	s5 =	simm.s32 @p1 $0x10500;
	s1 =	simm.s32 @p1 $0x0;
	s0 =	sadd.s32 @p1 s2, s0  }
0x4e: {  	[hbm4b:s0+s1] =	stream.linear.scatter @p1 [tilespmem:s5], [sflag:$0xB], $0x4000, $0x38;
	[tilespmem:$0x14710] =	vst v63  }
0x4f: {  	s0 =	simm.s32 @!p1 $0x80;
	s1 =	simm.s32 @!p1 $0x280;
	s5 =	simm.s32 @!p1 $0x500  }
0x50: {  	[tilespmem:s5], [sflag:$0x2] =	stream.indirect.gather @!p1 [spmem:s3], $0x80, s1, s0, $0xb8;
	[tilespmem:$0x14710] =	vst v63  }
0x51: {  	_ =	swait.ge [sflag:s11], $0x80  }
0x52: {  	[sflag:s11] =	ssyncset.done $0x0  }
0x53: {  	s5 =	sadd.s32 $0x20, s31;
	s1 =	rddreg [dreg:$0x7];
	[sflag:s11] =	ssyncadd.s32 $0xFFFFFF80  }
0x54: {  	[tilespmem:s1], [sflag:$0x1] =	stream.linear.gather [hbm4b:s5+s4], $0x80, $0x38;
	[tilespmem:$0x14710] =	vst v63  }
0x55: {  	v30 =	vld [tilespmem:$0x80]  }
0x56: {  	v31 =	vld [tilespmem:$0x90]  }
0x57: {  	v32 =	vld [tilespmem:$0xA0]  }
0x58: {  	v35 =	vld [tilespmem:$0xB0]  }
0x59: {  	v37 =	vld [tilespmem:$0xC0]  }
0x5a: {  	v39 =	vld [tilespmem:$0xD0]  }
0x5b: {  	v43 =	vld [tilespmem:$0xE0]  }
0x5c: {  	v48 =	vld [tilespmem:$0xF0];
	v33 =	vand.u32 $0xFFF, v30;
	v0 =	vshra.s32 v30, $0xC  }
0x5d: {  	v34 =	vand.u32 $0xFFF, v31;
	v1 =	vshra.s32 v31, $0xC;
	v36 =	vand.u32 $0xFFF, v32  }
0x5e: {  	v2 =	vshra.s32 v32, $0xC;
	v38 =	vand.u32 $0xFFF, v35;
	v5 =	vshra.s32 v35, $0xC  }
0x5f: {  	v44 =	vand.u32 $0xFFF, v37;
	v45 =	vshra.s32 v37, $0xC;
	v47 =	vand.u32 $0xFFF, v39  }
0x60: {  	v51 =	vshra.s32 v39, $0xC;
	v52 =	vand.u32 $0xFFF, v43;
	v56 =	vshra.s32 v43, $0xC  }
0x61: {  	v58 =	vand.u32 $0xFFF, v48;
	v60 =	vshra.s32 v48, $0xC;
	v3 =	vmin.u32 v33, $0x20  }
0x62: {  	v4 =	vmin.u32 v34, $0x20;
	v6 =	vmin.u32 v36, $0x20;
	v8 =	vmin.u32 v38, $0x20  }
0x63: {  	v40 =	vsub.s32 $0x1, v5;
	v46 =	vsub.s32 $0x1, v45;
	v50 =	vmin.u32 v47, $0x20  }
0x64: {  	v54 =	vmin.u32 v52, $0x20;
	v55 =	vsub.s32 $0x1, v51;
	v59 =	vsub.s32 $0x1, v56  }
0x65: {  	v62 =	vsub.s32 $0x1, v60;
	v3 =	vadd.s32 $0x20, v3;
	v4 =	vadd.s32 $0x20, v4  }
0x66: {  	v6 =	vadd.s32 $0x20, v6;
	v8 =	vadd.s32 $0x20, v8;
	v3 =	vmul.u32 v0, v3  }
0x67: {  	v0 =	vsub.s32 $0x1, v0;
	v4 =	vmul.u32 v1, v4;
	v1 =	vsub.s32 $0x1, v1  }
0x68: {  	v6 =	vmul.u32 v2, v6;
	v2 =	vsub.s32 $0x1, v2;
	v0 =	vmul.u32 $0x41, v0  }
0x69: {  	v42 =	vmul.u32 $0x41, v40;
	v1 =	vmul.u32 $0x41, v1;
	v2 =	vmul.u32 $0x41, v2  }
0x6a: {  	v49 =	vmul.u32 $0x41, v46;
	v41 =	vmul.u32 v5, v8;
	v0 =	vadd.s32 v0, v3  }
0x6b: {  	v1 =	vadd.s32 v1, v4;
	v2 =	vadd.s32 v2, v6;
	v4 =	vmin.u32 v44, $0x20  }
0x6c: {  	v3 =	vadd.s32 v42, v41;
	v6 =	vadd.s32 $0x20, v50;
	v4 =	vadd.s32 $0x20, v4;
	[tilespmem:$0x300] =	vst v0  }
0x6d: {  	v53 =	vmul.u32 v51, v6;
	v6 =	vadd.s32 $0x20, v54;
	[tilespmem:$0x310] =	vst v1;
	v0 =	vmul.u32 $0x41, v55  }
0x6e: {  	[tilespmem:$0x320] =	vst v2;
	v4 =	vmul.u32 v45, v4;
	v57 =	vmul.u32 v56, v6;
	v6 =	vmin.u32 v58, $0x20  }
0x6f: {  	[tilespmem:$0x330] =	vst v3;
	v2 =	vmul.u32 $0x41, v59;
	v61 =	vadd.s32 $0x20, v6;
	v0 =	vadd.s32 v0, v53  }
0x70: {  	v63 =	vmul.u32 $0x41, v62;
	v4 =	vadd.s32 v49, v4;
	v3 =	vmul.u32 v60, v61;
	[tilespmem:$0x350] =	vst v0  }
0x71: {  	v6 =	vadd.s32 v2, v57;
	[tilespmem:$0x340] =	vst v4  }
0x72: {  	p1 =	seq.s32 s30, $0x0;
	[tilespmem:$0x360] =	vst v6;
	v7 =	vadd.s32 v63, v3  }
0x73: {  	s0 =	simm.s32 @!p1 $0x8;
	[tilespmem:$0x370] =	vst v7  }
0x74: {  	_ =	swait.ge @!p1 [sflag:s0], $0x4000  }
0x75: {  	[sflag:s0] =	ssyncset.done @!p1 $0x0  }
0x76: {  	s5 =	rddreg [dreg:$0x8];
	[sflag:s0] =	ssyncadd.s32 @!p1 $0xFFFFC000  }
0x77: {  	[tilespmem:s13], [sflag:$0x3] =	stream.indirect.gather [spmem:s3], $0x80, s5, s12, $0xb8;
	[tilespmem:$0x14710] =	vst v63  }
0x78: {  	_ =	swait.ge [sflag:s14], $0x4000  }
0x79: {  	s1 =	rddreg [dreg:$0x6];
	[sflag:s14] =	ssyncset.done $0x0  }
0x7a: {  	s5 =	rddreg [dreg:$0x9];
	[sflag:s14] =	ssyncadd.s32 $0xFFFFC000;
	s0 =	sadd.s32 s29, s1  }
0x7b: {  	[hbm4b:s0+s4] =	stream.linear.scatter [tilespmem:s5], [sflag:$0x7], $0x4000, $0x38;
	[tilespmem:$0x14710] =	vst v63  }
0x7c: {  	_ =	swait.ge [sflag:s11], $0x80  }
0x7d: {  	[sflag:s11] =	ssyncset.done $0x0  }
0x7e: {  	s5 =	sadd.s32 $0x30, s31;
	s1 =	rddreg [dreg:$0xa];
	[sflag:s11] =	ssyncadd.s32 $0xFFFFFF80  }
0x7f: {  	[tilespmem:s1], [sflag:$0x1] =	stream.linear.gather [hbm4b:s5+s4], $0x80, $0x38;
	[tilespmem:$0x14710] =	vst v63  }
0x80: {  	v8 =	vld [tilespmem:$0x100]  }
0x81: {  	v9 =	vld [tilespmem:$0x110]  }
0x82: {  	v10 =	vld [tilespmem:$0x120]  }
0x83: {  	v13 =	vld [tilespmem:$0x130]  }
0x84: {  	v15 =	vld [tilespmem:$0x140]  }
0x85: {  	v17 =	vld [tilespmem:$0x150]  }
0x86: {  	v21 =	vld [tilespmem:$0x160]  }
0x87: {  	v26 =	vld [tilespmem:$0x170];
	v11 =	vand.u32 $0xFFF, v8;
	v0 =	vshra.s32 v8, $0xC  }
0x88: {  	v12 =	vand.u32 $0xFFF, v9;
	v1 =	vshra.s32 v9, $0xC;
	v14 =	vand.u32 $0xFFF, v10  }
0x89: {  	v2 =	vshra.s32 v10, $0xC;
	v16 =	vand.u32 $0xFFF, v13;
	v5 =	vshra.s32 v13, $0xC  }
0x8a: {  	v22 =	vand.u32 $0xFFF, v15;
	v23 =	vshra.s32 v15, $0xC;
	v25 =	vand.u32 $0xFFF, v17  }
0x8b: {  	v29 =	vshra.s32 v17, $0xC;
	v30 =	vand.u32 $0xFFF, v21;
	v34 =	vshra.s32 v21, $0xC  }
0x8c: {  	v36 =	vand.u32 $0xFFF, v26;
	v38 =	vshra.s32 v26, $0xC;
	v3 =	vmin.u32 v11, $0x20  }
0x8d: {  	v4 =	vmin.u32 v12, $0x20;
	v6 =	vmin.u32 v14, $0x20;
	v8 =	vmin.u32 v16, $0x20  }
0x8e: {  	v18 =	vsub.s32 $0x1, v5;
	v24 =	vsub.s32 $0x1, v23;
	v28 =	vmin.u32 v25, $0x20  }
0x8f: {  	v32 =	vmin.u32 v30, $0x20;
	v33 =	vsub.s32 $0x1, v29;
	v37 =	vsub.s32 $0x1, v34  }
0x90: {  	v40 =	vsub.s32 $0x1, v38;
	v3 =	vadd.s32 $0x20, v3;
	v4 =	vadd.s32 $0x20, v4  }
0x91: {  	v6 =	vadd.s32 $0x20, v6;
	v8 =	vadd.s32 $0x20, v8;
	v3 =	vmul.u32 v0, v3  }
0x92: {  	v0 =	vsub.s32 $0x1, v0;
	v4 =	vmul.u32 v1, v4;
	v1 =	vsub.s32 $0x1, v1  }
0x93: {  	v6 =	vmul.u32 v2, v6;
	v2 =	vsub.s32 $0x1, v2;
	v0 =	vmul.u32 $0x41, v0  }
0x94: {  	v20 =	vmul.u32 $0x41, v18;
	v1 =	vmul.u32 $0x41, v1;
	v2 =	vmul.u32 $0x41, v2  }
0x95: {  	v27 =	vmul.u32 $0x41, v24;
	v19 =	vmul.u32 v5, v8;
	v0 =	vadd.s32 v0, v3  }
0x96: {  	v1 =	vadd.s32 v1, v4;
	v2 =	vadd.s32 v2, v6;
	v4 =	vmin.u32 v22, $0x20  }
0x97: {  	v3 =	vadd.s32 v20, v19;
	v6 =	vadd.s32 $0x20, v28;
	v4 =	vadd.s32 $0x20, v4;
	[tilespmem:$0x380] =	vst v0  }
0x98: {  	v31 =	vmul.u32 v29, v6;
	v6 =	vadd.s32 $0x20, v32;
	[tilespmem:$0x390] =	vst v1;
	v0 =	vmul.u32 $0x41, v33  }
0x99: {  	[tilespmem:$0x3A0] =	vst v2;
	v4 =	vmul.u32 v23, v4;
	v35 =	vmul.u32 v34, v6;
	v6 =	vmin.u32 v36, $0x20  }
0x9a: {  	[tilespmem:$0x3B0] =	vst v3;
	v2 =	vmul.u32 $0x41, v37;
	v39 =	vadd.s32 $0x20, v6;
	v0 =	vadd.s32 v0, v31  }
0x9b: {  	v41 =	vmul.u32 $0x41, v40;
	v4 =	vadd.s32 v27, v4;
	v3 =	vmul.u32 v38, v39;
	[tilespmem:$0x3D0] =	vst v0  }
0x9c: {  	v42 =	vadd.s32 v2, v35;
	[tilespmem:$0x3C0] =	vst v4  }
0x9d: {  	[tilespmem:$0x3E0] =	vst v42;
	v43 =	vadd.s32 v41, v3  }
0x9e: {  	s0 =	simm.s32 @!p1 $0x9;
	[tilespmem:$0x3F0] =	vst v43  }
0x9f: {  	_ =	swait.ge @!p1 [sflag:s0], $0x4000  }
0xa0: {  	[sflag:s0] =	ssyncset.done @!p1 $0x0  }
0xa1: {  	s5 =	rddreg [dreg:$0xb];
	[sflag:s0] =	ssyncadd.s32 @!p1 $0xFFFFC000  }
0xa2: {  	[tilespmem:s15], [sflag:$0x4] =	stream.indirect.gather [spmem:s3], $0x80, s5, s12, $0xb8;
	[tilespmem:$0x14710] =	vst v63  }
0xa3: {  	_ =	swait.ge [sflag:s16], $0x4000  }
0xa4: {  	s1 =	rddreg [dreg:$0x5]  }
0xa5: {  	[sflag:s16] =	ssyncset.done $0x0;
	s1 =	sadd.s32 s29, s1  }
0xa6: {  	[sflag:s16] =	ssyncadd.s32 $0xFFFFC000;
	s0 =	sadd.s32 $0x800, s1  }
0xa7: {  	[hbm4b:s0+s4] =	stream.linear.scatter [tilespmem:s13], [sflag:$0x8], $0x4000, $0x38;
	[tilespmem:$0x14710] =	vst v63  }
0xa8: {  	_ =	swait.ge [sflag:s11], $0x80  }
0xa9: {  	[sflag:s11] =	ssyncset.done $0x0  }
0xaa: {  	s31 =	sadd.s32 $0x40, s31;
	s5 =	rddreg [dreg:$0xc];
	[sflag:s11] =	ssyncadd.s32 $0xFFFFFF80  }
0xab: {  	[tilespmem:s5], [sflag:$0x1] =	stream.linear.gather [hbm4b:s31+s4], $0x80, $0x38;
	[tilespmem:$0x14710] =	vst v63  }
0xac: {  	v44 =	vld [tilespmem:$0x180]  }
0xad: {  	v45 =	vld [tilespmem:$0x190]  }
0xae: {  	v46 =	vld [tilespmem:$0x1A0]  }
0xaf: {  	v49 =	vld [tilespmem:$0x1B0]  }
0xb0: {  	v51 =	vld [tilespmem:$0x1C0]  }
0xb1: {  	v53 =	vld [tilespmem:$0x1D0]  }
0xb2: {  	v57 =	vld [tilespmem:$0x1E0]  }
0xb3: {  	v62 =	vld [tilespmem:$0x1F0];
	v47 =	vand.u32 $0xFFF, v44;
	v0 =	vshra.s32 v44, $0xC  }
0xb4: {  	v48 =	vand.u32 $0xFFF, v45;
	v1 =	vshra.s32 v45, $0xC;
	v50 =	vand.u32 $0xFFF, v46  }
0xb5: {  	v2 =	vshra.s32 v46, $0xC;
	v52 =	vand.u32 $0xFFF, v49;
	v5 =	vshra.s32 v49, $0xC  }
0xb6: {  	v58 =	vand.u32 $0xFFF, v51;
	v59 =	vshra.s32 v51, $0xC;
	v61 =	vand.u32 $0xFFF, v53  }
0xb7: {  	v13 =	vshra.s32 v53, $0xC;
	v14 =	vand.u32 $0xFFF, v57;
	v18 =	vshra.s32 v57, $0xC  }
0xb8: {  	v20 =	vand.u32 $0xFFF, v62;
	v22 =	vshra.s32 v62, $0xC;
	v3 =	vmin.u32 v47, $0x20  }
0xb9: {  	v4 =	vmin.u32 v48, $0x20;
	v6 =	vmin.u32 v50, $0x20;
	v8 =	vmin.u32 v52, $0x20  }
0xba: {  	v54 =	vsub.s32 $0x1, v5;
	v60 =	vsub.s32 $0x1, v59;
	v12 =	vmin.u32 v61, $0x20  }
0xbb: {  	v16 =	vmin.u32 v14, $0x20;
	v17 =	vsub.s32 $0x1, v13;
	v21 =	vsub.s32 $0x1, v18  }
0xbc: {  	v24 =	vsub.s32 $0x1, v22;
	v3 =	vadd.s32 $0x20, v3;
	v4 =	vadd.s32 $0x20, v4  }
0xbd: {  	v6 =	vadd.s32 $0x20, v6;
	v8 =	vadd.s32 $0x20, v8;
	v3 =	vmul.u32 v0, v3  }
0xbe: {  	v0 =	vsub.s32 $0x1, v0;
	v4 =	vmul.u32 v1, v4;
	v1 =	vsub.s32 $0x1, v1  }
0xbf: {  	v6 =	vmul.u32 v2, v6;
	v2 =	vsub.s32 $0x1, v2;
	v0 =	vmul.u32 $0x41, v0  }
0xc0: {  	v56 =	vmul.u32 $0x41, v54;
	v1 =	vmul.u32 $0x41, v1;
	v2 =	vmul.u32 $0x41, v2  }
0xc1: {  	v63 =	vmul.u32 $0x41, v60;
	v55 =	vmul.u32 v5, v8;
	v0 =	vadd.s32 v0, v3  }
0xc2: {  	v1 =	vadd.s32 v1, v4;
	v2 =	vadd.s32 v2, v6;
	v4 =	vmin.u32 v58, $0x20  }
0xc3: {  	v3 =	vadd.s32 v56, v55;
	v6 =	vadd.s32 $0x20, v12;
	v4 =	vadd.s32 $0x20, v4;
	[tilespmem:$0x400] =	vst v0  }
0xc4: {  	v15 =	vmul.u32 v13, v6;
	v6 =	vadd.s32 $0x20, v16;
	[tilespmem:$0x410] =	vst v1;
	v0 =	vmul.u32 $0x41, v17  }
0xc5: {  	[tilespmem:$0x420] =	vst v2;
	v4 =	vmul.u32 v59, v4;
	v19 =	vmul.u32 v18, v6;
	v6 =	vmin.u32 v20, $0x20  }
0xc6: {  	[tilespmem:$0x430] =	vst v3;
	v2 =	vmul.u32 $0x41, v21;
	v23 =	vadd.s32 $0x20, v6;
	v0 =	vadd.s32 v0, v15  }
0xc7: {  	v25 =	vmul.u32 $0x41, v24;
	v4 =	vadd.s32 v63, v4;
	v3 =	vmul.u32 v22, v23;
	[tilespmem:$0x450] =	vst v0  }
0xc8: {  	v26 =	vadd.s32 v2, v19;
	[tilespmem:$0x440] =	vst v4  }
0xc9: {  	[tilespmem:$0x460] =	vst v26;
	v27 =	vadd.s32 v25, v3  }
0xca: {  	s0 =	simm.s32 @!p1 $0xA;
	[tilespmem:$0x470] =	vst v27  }
0xcb: {  	_ =	swait.ge @!p1 [sflag:s0], $0x4000  }
0xcc: {  	[sflag:s0] =	ssyncset.done @!p1 $0x0  }
0xcd: {  	s31 =	rddreg [dreg:$0xd];
	[sflag:s0] =	ssyncadd.s32 @!p1 $0xFFFFC000  }
0xce: {  	[tilespmem:s17], [sflag:$0x5] =	stream.indirect.gather [spmem:s3], $0x80, s31, s12, $0xb8;
	[tilespmem:$0x14710] =	vst v63  }
0xcf: {  	_ =	swait.ge [sflag:s18], $0x4000  }
0xd0: {  	[sflag:s18] =	ssyncset.done $0x0  }
0xd1: {  	s5 =	sadd.s32 $0x1000, s1;
	[sflag:s18] =	ssyncadd.s32 $0xFFFFC000  }
0xd2: {  	[hbm4b:s5+s4] =	stream.linear.scatter [tilespmem:s15], [sflag:$0x9], $0x4000, $0x38;
	[tilespmem:$0x14710] =	vst v63  }
0xd3: {  	p2 =	seq.s32 s30, $0x31B0;
	_ =	swait.ge [sflag:s11], $0x80  }
0xd4: {  	s0 =	sadd.s32 @!p2 s30, s9;
	[sflag:s11] =	ssyncset.done $0x0  }
0xd5: {  	s0 =	sadd.s32 @!p2 $0x50, s0;
	s5 =	simm.s32 @!p2 $0x0;
	[sflag:s11] =	ssyncadd.s32 $0xFFFFFF80  }
0xd6: {  	[tilespmem:s5], [sflag:$0x1] =	stream.linear.gather @!p2 [hbm4b:s0+s5], $0x80, $0x38;
	[tilespmem:$0x14710] =	vst v63  }
0xd7: {  	v28 =	vld [tilespmem:$0x200]  }
0xd8: {  	v29 =	vld [tilespmem:$0x210]  }
0xd9: {  	v30 =	vld [tilespmem:$0x220]  }
0xda: {  	v33 =	vld [tilespmem:$0x230]  }
0xdb: {  	v35 =	vld [tilespmem:$0x240]  }
0xdc: {  	v37 =	vld [tilespmem:$0x250]  }
0xdd: {  	v41 =	vld [tilespmem:$0x260]  }
0xde: {  	v46 =	vld [tilespmem:$0x270];
	v31 =	vand.u32 $0xFFF, v28;
	v0 =	vshra.s32 v28, $0xC  }
0xdf: {  	v32 =	vand.u32 $0xFFF, v29;
	v1 =	vshra.s32 v29, $0xC;
	v34 =	vand.u32 $0xFFF, v30  }
0xe0: {  	v2 =	vshra.s32 v30, $0xC;
	v36 =	vand.u32 $0xFFF, v33;
	v5 =	vshra.s32 v33, $0xC  }
0xe1: {  	v42 =	vand.u32 $0xFFF, v35;
	v43 =	vshra.s32 v35, $0xC;
	v45 =	vand.u32 $0xFFF, v37  }
0xe2: {  	v49 =	vshra.s32 v37, $0xC;
	v50 =	vand.u32 $0xFFF, v41;
	v54 =	vshra.s32 v41, $0xC  }
0xe3: {  	v56 =	vand.u32 $0xFFF, v46;
	v58 =	vshra.s32 v46, $0xC;
	v3 =	vmin.u32 v31, $0x20  }
0xe4: {  	v4 =	vmin.u32 v32, $0x20;
	v6 =	vmin.u32 v34, $0x20;
	v8 =	vmin.u32 v36, $0x20  }
0xe5: {  	v38 =	vsub.s32 $0x1, v5;
	v44 =	vsub.s32 $0x1, v43;
	v48 =	vmin.u32 v45, $0x20  }
0xe6: {  	v52 =	vmin.u32 v50, $0x20;
	v53 =	vsub.s32 $0x1, v49;
	v57 =	vsub.s32 $0x1, v54  }
0xe7: {  	v60 =	vsub.s32 $0x1, v58;
	v3 =	vadd.s32 $0x20, v3;
	v4 =	vadd.s32 $0x20, v4  }
0xe8: {  	v6 =	vadd.s32 $0x20, v6;
	v8 =	vadd.s32 $0x20, v8;
	v3 =	vmul.u32 v0, v3  }
0xe9: {  	v0 =	vsub.s32 $0x1, v0;
	v4 =	vmul.u32 v1, v4;
	v1 =	vsub.s32 $0x1, v1  }
0xea: {  	v6 =	vmul.u32 v2, v6;
	v2 =	vsub.s32 $0x1, v2;
	v0 =	vmul.u32 $0x41, v0  }
0xeb: {  	v40 =	vmul.u32 $0x41, v38;
	v1 =	vmul.u32 $0x41, v1;
	v2 =	vmul.u32 $0x41, v2  }
0xec: {  	v47 =	vmul.u32 $0x41, v44;
	v39 =	vmul.u32 v5, v8;
	v0 =	vadd.s32 v0, v3  }
0xed: {  	v1 =	vadd.s32 v1, v4;
	v2 =	vadd.s32 v2, v6;
	v4 =	vmin.u32 v42, $0x20  }
0xee: {  	v3 =	vadd.s32 v40, v39;
	v6 =	vadd.s32 $0x20, v48;
	v4 =	vadd.s32 $0x20, v4;
	[tilespmem:$0x480] =	vst v0  }
0xef: {  	v51 =	vmul.u32 v49, v6;
	v6 =	vadd.s32 $0x20, v52;
	[tilespmem:$0x490] =	vst v1;
	v0 =	vmul.u32 $0x41, v53  }
0xf0: {  	[tilespmem:$0x4A0] =	vst v2;
	v4 =	vmul.u32 v43, v4;
	v55 =	vmul.u32 v54, v6;
	v6 =	vmin.u32 v56, $0x20  }
0xf1: {  	[tilespmem:$0x4B0] =	vst v3;
	v2 =	vmul.u32 $0x41, v57;
	v59 =	vadd.s32 $0x20, v6;
	v0 =	vadd.s32 v0, v51  }
0xf2: {  	v61 =	vmul.u32 $0x41, v60;
	v4 =	vadd.s32 v47, v4;
	v3 =	vmul.u32 v58, v59;
	[tilespmem:$0x4D0] =	vst v0  }
0xf3: {  	v62 =	vadd.s32 v2, v55;
	[tilespmem:$0x4C0] =	vst v4  }
0xf4: {  	[tilespmem:$0x4E0] =	vst v62;
	v63 =	vadd.s32 v61, v3  }
0xf5: {  	s0 =	simm.s32 @!p1 $0xB;
	[tilespmem:$0x4F0] =	vst v63  }
0xf6: {  	_ =	swait.ge @!p1 [sflag:s0], $0x4000  }
0xf7: {  	s30 =	sadd.s32 $0x50, s30;
	[sflag:s0] =	ssyncset.done @!p1 $0x0  }
0xf8: {  	s31 =	rddreg [dreg:$0xe];
	[sflag:s0] =	ssyncadd.s32 @!p1 $0xFFFFC000;
	p1 =	sne.s32 s30, $0x3200  }
0xf9: {  	[tilespmem:s19], [sflag:$0x6] =	stream.indirect.gather [spmem:s3], $0x80, s31, s12, $0xb8;
	[tilespmem:$0x14710] =	vst v63  }
.Ltmp0:
0xfa: {  	_ = 	snop;
	(pc) =	sbr.rel @p1 .LBB2_2-.Ltmp0, $4  }
0xfb: {  	_ =	swait.ge [sflag:s20], $0x4000  }
0xfc: {  	[sflag:s20] =	ssyncset.done $0x0  }
0xfd: {  	s29 =	sadd.s32 $0x2800, s29;
	s31 =	sadd.s32 $0x1800, s1;
	[sflag:s20] =	ssyncadd.s32 $0xFFFFC000  }
0xfe: {  	[hbm4b:s31+s4] =	stream.linear.scatter [tilespmem:s17], [sflag:$0xA], $0x4000, $0x38;
	[tilespmem:$0x14710] =	vst v63  }
0xff: {  	_ =	swait.ge [sflag:s21], $0x4000  }
0x100: {  	[sflag:s21] =	ssyncset.done $0x0  }
0x101: {  	[sflag:s21] =	ssyncadd.s32 $0xFFFFC000  }
0x102: {  	[hbm4b:s6+s4] =	stream.linear.scatter [tilespmem:s19], [sflag:$0xB], $0x4000, $0x38;
	[tilespmem:$0x14710] =	vst v63  }
0x103: {  	_ =	swait.ge [sflag:s22], $0x4000  }
0x104: {  	[sflag:s22] =	ssyncset.done $0x0  }
0x105: {  	[sflag:s22] =	ssyncadd.s32 $0xFFFFC000  }
0x106: {  	_ =	swait.ge [sflag:s23], $0x4000  }
0x107: {  	[sflag:s23] =	ssyncset.done $0x0  }
0x108: {  	[sflag:s23] =	ssyncadd.s32 $0xFFFFC000  }
0x109: {  	_ =	swait.ge [sflag:s24], $0x4000  }
0x10a: {  	[sflag:s24] =	ssyncset.done $0x0  }
0x10b: {  	s28 =	sadd.s32 $0x1, s28;
	[sflag:s24] =	ssyncadd.s32 $0xFFFFC000  }
0x10c: {  	p1 =	sne.s32 s28, s7;
	_ =	swait.ge [sflag:s25], $0x4000  }
.Ltmp1:
0x10d: {  	[sflag:s25] =	ssyncset.done $0x0;
	(pc) =	sbr.rel @p1 .LBB2_1-.Ltmp1, $4  }
0x10e: {  	[sflag:s25] =	ssyncadd.s32 $0xFFFFC000  }
0x10f: {  	_ =	swait.ge [sflag:s26], $0x4000  }
0x110: {  	[sflag:s26] =	ssyncset.done $0x0  }
0x111: {  	[sflag:s26] =	ssyncadd.s32 $0xFFFFC000  }
0x112: {  	_ =	sfence.sel $0x180000  }
0x113: {  	[bflag:$0x0] =	sbarrier.arrive $0xFFFF  }
0x114: {  	_ =	strace $0x90000047  }
0x115: {  	[bflag:$0x2] =	sbarrier.arrive $0xFFFF  }
0x116: {  	s0 =	rddreg [dreg:$0x4]  }
0x117: {  	s0 =	sadd.s32 @!p0 $0x100000, s0  }
0x118: {  	[sflag:s0] =	ssyncadd.tile.s32 @!p0 $0x1;
	_ =	shalt  }
.Lfunc_end2:
_tile_overlayer_lowered:
.L_overlay_start_2:
0x119: {  	(tag) =	ssettag $0x2  }
0x11a: {  	s0 =	rddreg [dreg:$0x0];
	s2 =	stileid.u32  }
0x11b: {  	s1 =	rddreg [dreg:$0x1];
	p0 =	sne.s32 s2, $0x0  }
0x11c: {  	s3 =	rddreg [dreg:$0x2];
	[bflag:$0x3] =	sbarrier.arrive $0xFFFF;
	s2 =	simm.s32 @!p0 $0x1C0C  }
0x11d: {  	[timem:s3], [sflag:s2] =	dma.local @!p0 [hbm:s0], s1  }
0x11e: {  	s0 =	simm.s32 @!p0 $0xC  }
0x11f: {  	_ =	swait.ge @!p0 [sflag:s0], s1  }
0x120: {  	s1 =	ssub.s32 @!p0 $0x0, s1;
	[sflag:s0] =	ssyncset.done @!p0 $0x0  }
0x121: {  	[sflag:s0] =	ssyncadd.s32 @!p0 s1  }
0x122: {  	[bflag:$0x3] =	sbarrier.arrive $0xFFFF  }
0x123: {  	_ =	shalt  }

</sc_bundles>
